<compile_context>
chip_gen: v7x
topology: tpu7x:2x2x1
jax: 0.10.2.dev20260603
libtpu: 0.0.44.dev20260713+nightly
codegen_flags: <defaults>
</compile_context>

<pallas_src>
import functools

import jax
import jax.numpy as jnp
from jax import lax
from jax.experimental import pallas as pl
from jax.experimental.pallas import tpu as pltpu
from jax.experimental.pallas import tpu_sc as plsc

N = 10000
E = 320000
D = 128
NC = 2
NS = 16
NW = NC * NS
EPW = E // NW
CHUNK = 40
NCHUNK = EPW // CHUNK
ROWCH = 80
NRC = N // ROWCH


NBUF = 6


def _agg_body(x_hbm, src_hbm, dst_hbm, zeros_hbm, out_hbm,
              src_v, dst_v, b0, b1, b2, b3, b4, b5, table_sh,
              s0, s1, s2, s3, s4, s5):
    c = lax.axis_index("c")
    s = lax.axis_index("s")
    wid = s * NC + c
    bufs = (b0, b1, b2, b3, b4, b5)
    sems = (s0, s1, s2, s3, s4, s5)
    base = wid * EPW
    pltpu.sync_copy(src_hbm.at[pl.ds(base, EPW)], src_v)
    pltpu.sync_copy(dst_hbm.at[pl.ds(base, EPW)], dst_v)
    def zbody(j, carry):
        k = s + j * NS
        @pl.when(k < NRC)
        def _():
            pltpu.sync_copy(zeros_hbm.at[pl.ds(k * ROWCH, ROWCH)],
                            table_sh.at[pl.ds(k * ROWCH, ROWCH)])
        return carry
    lax.fori_loop(0, (NRC + NS - 1) // NS, zbody, 0)
    for b in range(NBUF):
        pltpu.async_copy(x_hbm.at[src_v.at[pl.ds(b * CHUNK, CHUNK)]],
                         bufs[b], sems[b])
    plsc.subcore_barrier()
    def ebody(i, carry):
        for b in range(NBUF):
            g = i * NBUF + b
            @pl.when(g < NCHUNK)
            def _():
                pltpu.make_async_copy(
                    x_hbm.at[src_v.at[pl.ds(g * CHUNK, CHUNK)]],
                    bufs[b], sems[b]).wait()
                pltpu.sync_copy(bufs[b],
                                table_sh.at[dst_v.at[pl.ds(g * CHUNK, CHUNK)]],
                                add=True)
                @pl.when(g + NBUF < NCHUNK)
                def _():
                    pltpu.async_copy(
                        x_hbm.at[src_v.at[pl.ds((g + NBUF) * CHUNK, CHUNK)]],
                        bufs[b], sems[b])
        return carry
    lax.fori_loop(0, (NCHUNK + NBUF - 1) // NBUF, ebody, 0)
    plsc.subcore_barrier()
    def wbody(j, carry):
        k = s + j * NS
        @pl.when(k < NRC)
        def _():
            pltpu.sync_copy(table_sh.at[pl.ds(k * ROWCH, ROWCH)],
                            out_hbm.at[c, pl.ds(k * ROWCH, ROWCH)])
        return carry
    lax.fori_loop(0, (NRC + NS - 1) // NS, wbody, 0)


_agg_call = pl.kernel(
    _agg_body,
    out_type=jax.ShapeDtypeStruct((NC, N, D), jnp.float32),
    mesh=plsc.VectorSubcoreMesh(core_axis_name="c", subcore_axis_name="s"),
    scratch_types=[
        pltpu.VMEM((EPW,), jnp.int32),
        pltpu.VMEM((EPW,), jnp.int32),
        pltpu.VMEM((CHUNK, D), jnp.float32),
        pltpu.VMEM((CHUNK, D), jnp.float32),
        pltpu.VMEM((CHUNK, D), jnp.float32),
        pltpu.VMEM((CHUNK, D), jnp.float32),
        pltpu.VMEM((CHUNK, D), jnp.float32),
        pltpu.VMEM((CHUNK, D), jnp.float32),
        pltpu.VMEM_SHARED((N, D), jnp.float32),
        pltpu.SemaphoreType.DMA,
        pltpu.SemaphoreType.DMA,
        pltpu.SemaphoreType.DMA,
        pltpu.SemaphoreType.DMA,
        pltpu.SemaphoreType.DMA,
        pltpu.SemaphoreType.DMA,
    ],
)


def _mlp_body(x_ref, a_ref, w1_ref, b1_ref, w2_ref, b2_ref, g_ref, be_ref, o_ref):
    h = x_ref[...] + (a_ref[0] + a_ref[1])
    h = jnp.dot(h.astype(jnp.bfloat16), w1_ref[...].astype(jnp.bfloat16),
                preferred_element_type=jnp.float32) + b1_ref[...]
    h = jnp.maximum(h, 0.0)
    h = jnp.dot(h.astype(jnp.bfloat16), w2_ref[...].astype(jnp.bfloat16),
                preferred_element_type=jnp.float32) + b2_ref[...]
    h = jnp.maximum(h, 0.0)
    mean = jnp.mean(h, axis=0, keepdims=True)
    var = jnp.mean(jnp.square(h - mean), axis=0, keepdims=True)
    o_ref[...] = (g_ref[...] * (h - mean) / jnp.sqrt(var + 1e-5)
                  + be_ref[...])


_mlp_call = pl.pallas_call(
    _mlp_body,
    out_shape=jax.ShapeDtypeStruct((N, D), jnp.float32),
)


def kernel(x, edge_index, W1_0, b1_0, W2_0, b2_0, gamma_0, beta_0,
           W1_1, b1_1, W2_1, b2_1, gamma_1, beta_1,
           W1_2, b1_2, W2_2, b2_2, gamma_2, beta_2):
    src = edge_index[0]
    dst = edge_index[1]
    zeros = jnp.zeros((N, D), jnp.float32)
    params = [
        (W1_0, b1_0, W2_0, b2_0, gamma_0, beta_0),
        (W1_1, b1_1, W2_1, b2_1, gamma_1, beta_1),
        (W1_2, b1_2, W2_2, b2_2, gamma_2, beta_2),
    ]
    for (W1, b1, W2, b2, g, b) in params:
        agg = _agg_call(x, src, dst, zeros)
        x = _mlp_call(x, agg, W1, b1[None, :], W2, b2[None, :],
                      g[None, :], b[None, :])
    return x

# --- scband reference (transcript-rebuilt; emitter-appended) ---
"""Pipeline reference for scband-gin-weight-encoder-11991548690650 (READ-ONLY COPY).

The authoritative reference and input builder live on the scoring server;
editing this copy changes nothing except your own understanding.
"""

import jax, jax.numpy as jnp
import numpy as np

N = 10000
E = 320000
D = 128
L = 3

def setup_inputs(seed: int = 0):
    key = jax.random.key(seed)
    inp = {}
    inp['x'] = jax.random.normal(jax.random.fold_in(key, 0), (N, D), dtype=jnp.float32)
    inp['edge_index'] = jax.random.randint(jax.random.fold_in(key, 1), (2, E), 0, N, dtype=jnp.int32)
    c = 2
    bound = 1.0 / np.sqrt(D)
    for i in range(L):
        inp['W1_%d' % i] = jax.random.uniform(jax.random.fold_in(key, c), (D, D), minval=-bound, maxval=bound, dtype=jnp.float32); c += 1
        inp['b1_%d' % i] = jax.random.uniform(jax.random.fold_in(key, c), (D,), minval=-bound, maxval=bound, dtype=jnp.float32); c += 1
        inp['W2_%d' % i] = jax.random.uniform(jax.random.fold_in(key, c), (D, D), minval=-bound, maxval=bound, dtype=jnp.float32); c += 1
        inp['b2_%d' % i] = jax.random.uniform(jax.random.fold_in(key, c), (D,), minval=-bound, maxval=bound, dtype=jnp.float32); c += 1
        inp['gamma_%d' % i] = jnp.ones((D,), dtype=jnp.float32)
        inp['beta_%d' % i] = jnp.zeros((D,), dtype=jnp.float32)
    return inp

def _gin_forward(x, src, dst, params):
    # GINConv (eps=0): h = mlp(x + sum_{j in N(i)} x_j), then ReLU, then BatchNorm1d (train-mode batch stats)
    for (W1, b1, W2, b2, g, b) in params:
        msgs = jnp.take(x, src, axis=0)
        agg = jax.ops.segment_sum(msgs, dst, num_segments=x.shape[0])
        h = x + agg
        h = jnp.maximum(h @ W1 + b1, 0.0) @ W2 + b2
        h = jnp.maximum(h, 0.0)
        mean = jnp.mean(h, axis=0)
        var = jnp.var(h, axis=0)
        x = g * (h - mean) / jnp.sqrt(var + 1e-5) + b
    return x

def reference(x, edge_index, W1_0, b1_0, W2_0, b2_0, gamma_0, beta_0, W1_1, b1_1, W2_1, b2_1, gamma_1, beta_1, W1_2, b1_2, W2_2, b2_2, gamma_2, beta_2):
    params = [
        (W1_0, b1_0, W2_0, b2_0, gamma_0, beta_0),
        (W1_1, b1_1, W2_1, b2_1, gamma_1, beta_1),
        (W1_2, b1_2, W2_2, b2_2, gamma_2, beta_2),
    ]
    src = edge_index[0]
    dst = edge_index[1]
    return _gin_forward(x, src, dst, params)

if __name__ == "__main__":
    import jax
    _d = setup_inputs()
    print(jax.jit(kernel)(*tuple(_d.values())))

</pallas_src>

<mosaic_0001>
#map = affine_map<(d0, d1) -> (0, 0)>
#map1 = affine_map<(d0, d1) -> (0)>
#map2 = affine_map<(d0, d1) -> (0, 0, 0)>
module attributes {stable_mosaic.version = 14 : i64} {
  func.func @_agg_body(%arg0: i32, %arg1: i32, %arg2: memref<10000x128xf32, #tpu.memory_space<hbm>>, %arg3: memref<320000xi32, #tpu.memory_space<hbm>>, %arg4: memref<320000xi32, #tpu.memory_space<hbm>>, %arg5: memref<10000x128xf32, #tpu.memory_space<hbm>>, %arg6: memref<2x10000x128xf32, #tpu.memory_space<hbm>>, %arg7: memref<10000xi32, #tpu.memory_space<vmem>>, %arg8: memref<10000xi32, #tpu.memory_space<vmem>>, %arg9: memref<40x128xf32, #tpu.memory_space<vmem>>, %arg10: memref<40x128xf32, #tpu.memory_space<vmem>>, %arg11: memref<40x128xf32, #tpu.memory_space<vmem>>, %arg12: memref<40x128xf32, #tpu.memory_space<vmem>>, %arg13: memref<40x128xf32, #tpu.memory_space<vmem>>, %arg14: memref<40x128xf32, #tpu.memory_space<vmem>>, %arg15: memref<10000x128xf32, #tpu.memory_space<vmem_shared>>, %arg16: memref<!tpu.dma_semaphore, #tpu.memory_space<semaphore_mem>>, %arg17: memref<!tpu.dma_semaphore, #tpu.memory_space<semaphore_mem>>, %arg18: memref<!tpu.dma_semaphore, #tpu.memory_space<semaphore_mem>>, %arg19: memref<!tpu.dma_semaphore, #tpu.memory_space<semaphore_mem>>, %arg20: memref<!tpu.dma_semaphore, #tpu.memory_space<semaphore_mem>>, %arg21: memref<!tpu.dma_semaphore, #tpu.memory_space<semaphore_mem>>) attributes {dimension_semantics = [#tpu.dimension_semantics<core_parallel>, #tpu.dimension_semantics<subcore_parallel>], iteration_bounds = array<i64: 2, 16>, scalar_prefetch = 0 : i64, scratch_operands = 15 : i64, tpu.core_type = #tpu.core_type<sc_vector_subcore>, window_params = [{transform_indices = #map}, {transform_indices = #map1}, {transform_indices = #map1}, {transform_indices = #map}, {transform_indices = #map2}]} {
    %mul3A = arith.constant 2 : i32
    %mul3A_0 = arith.muli %arg1, %mul3A : i32
    %add3A = arith.addi %mul3A_0, %arg0 : i32
    %mul3A_1 = arith.constant 10000 : i32
    %mul3A_2 = arith.muli %add3A, %mul3A_1 : i32
    "tpu.region"() ({
      %run_scoped3A = tpu.sem_alloc : memref<!tpu.dma_semaphore, #tpu.memory_space<semaphore_mem>>
      %dma_start3A_50 = tpu.memref_slice %arg3[%mul3A_2] : memref<320000xi32, #tpu.memory_space<hbm>> -> memref<10000xi32, #tpu.memory_space<hbm>>
      %dma_start3A_51 = tpu.memref_slice %arg3[%mul3A_2] : memref<320000xi32, #tpu.memory_space<hbm>> -> memref<10000xi32, #tpu.memory_space<hbm>>
      tpu.enqueue_dma source(%dma_start3A_51 : memref<10000xi32, #tpu.memory_space<hbm>>) target(%arg7 : memref<10000xi32, #tpu.memory_space<vmem>>) target_semaphore(%run_scoped3A : memref<!tpu.dma_semaphore, #tpu.memory_space<semaphore_mem>>)
      %dma_wait3A = tpu.memref_slice %arg3[%mul3A_2] : memref<320000xi32, #tpu.memory_space<hbm>> -> memref<10000xi32, #tpu.memory_space<hbm>>
      %dma_wait3A_52 = tpu.memref_slice %arg3[%mul3A_2] : memref<320000xi32, #tpu.memory_space<hbm>> -> memref<10000xi32, #tpu.memory_space<hbm>>
      tpu.wait_dma2 semaphore(%run_scoped3A : memref<!tpu.dma_semaphore, #tpu.memory_space<semaphore_mem>>) src(%dma_wait3A_52 : memref<10000xi32, #tpu.memory_space<hbm>>) dst(%arg7 : memref<10000xi32, #tpu.memory_space<vmem>>)
      tpu.yield
    }) : () -> ()
    "tpu.region"() ({
      %run_scoped3A = tpu.sem_alloc : memref<!tpu.dma_semaphore, #tpu.memory_space<semaphore_mem>>
      %dma_start3A_50 = tpu.memref_slice %arg4[%mul3A_2] : memref<320000xi32, #tpu.memory_space<hbm>> -> memref<10000xi32, #tpu.memory_space<hbm>>
      %dma_start3A_51 = tpu.memref_slice %arg4[%mul3A_2] : memref<320000xi32, #tpu.memory_space<hbm>> -> memref<10000xi32, #tpu.memory_space<hbm>>
      tpu.enqueue_dma source(%dma_start3A_51 : memref<10000xi32, #tpu.memory_space<hbm>>) target(%arg8 : memref<10000xi32, #tpu.memory_space<vmem>>) target_semaphore(%run_scoped3A : memref<!tpu.dma_semaphore, #tpu.memory_space<semaphore_mem>>)
      %dma_wait3A = tpu.memref_slice %arg4[%mul3A_2] : memref<320000xi32, #tpu.memory_space<hbm>> -> memref<10000xi32, #tpu.memory_space<hbm>>
      %dma_wait3A_52 = tpu.memref_slice %arg4[%mul3A_2] : memref<320000xi32, #tpu.memory_space<hbm>> -> memref<10000xi32, #tpu.memory_space<hbm>>
      tpu.wait_dma2 semaphore(%run_scoped3A : memref<!tpu.dma_semaphore, #tpu.memory_space<semaphore_mem>>) src(%dma_wait3A_52 : memref<10000xi32, #tpu.memory_space<hbm>>) dst(%arg8 : memref<10000xi32, #tpu.memory_space<vmem>>)
      tpu.yield
    }) : () -> ()
    %scan3A = arith.constant 0 : i32
    %scan3A_3 = arith.constant 0 : i32
    %scan3A_4 = arith.constant 8 : i32
    %scan3A_5 = arith.addi %scan3A_3, %scan3A_4 : i32
    %scan3A_6 = arith.constant 1 : i32
    scf.for %scan3A_50 = %scan3A_3 to %scan3A_5 step %scan3A_6  : i32 {
      %mul3A_51 = arith.constant 16 : i32
      %mul3A_52 = arith.muli %scan3A_50, %mul3A_51 : i32
      %add3A_53 = arith.addi %arg1, %mul3A_52 : i32
      %lt3A = arith.constant 125 : i32
      %lt3A_54 = arith.cmpi slt, %add3A_53, %lt3A : i32
      %convert_element_type3A = arith.extui %lt3A_54 : i1 to i32
      %cond3A = arith.constant 0 : i32
      %cond3A_55 = arith.cmpi ne, %convert_element_type3A, %cond3A : i32
      scf.if %cond3A_55 {
        %mul3A_56 = arith.constant 80 : i32
        %mul3A_57 = arith.muli %add3A_53, %mul3A_56 : i32
        %mul3A_58 = arith.constant 80 : i32
        %mul3A_59 = arith.muli %add3A_53, %mul3A_58 : i32
        "tpu.region"() ({
          %run_scoped3A = tpu.sem_alloc : memref<!tpu.dma_semaphore, #tpu.memory_space<semaphore_mem>>
          %dma_start3A_60 = arith.constant 0 : i32
          %dma_start3A_61 = tpu.memref_slice %arg15[%mul3A_59, %dma_start3A_60] : memref<10000x128xf32, #tpu.memory_space<vmem_shared>> -> memref<80x128xf32, #tpu.memory_space<vmem_shared>>
          %dma_start3A_62 = arith.constant 0 : i32
          %dma_start3A_63 = tpu.memref_slice %arg5[%mul3A_57, %dma_start3A_62] : memref<10000x128xf32, #tpu.memory_space<hbm>> -> memref<80x128xf32, #tpu.memory_space<hbm>>
          tpu.enqueue_dma source(%dma_start3A_63 : memref<80x128xf32, #tpu.memory_space<hbm>>) target(%dma_start3A_61 : memref<80x128xf32, #tpu.memory_space<vmem_shared>>) target_semaphore(%run_scoped3A : memref<!tpu.dma_semaphore, #tpu.memory_space<semaphore_mem>>)
          %dma_wait3A = arith.constant 0 : i32
          %dma_wait3A_64 = tpu.memref_slice %arg15[%mul3A_59, %dma_wait3A] : memref<10000x128xf32, #tpu.memory_space<vmem_shared>> -> memref<80x128xf32, #tpu.memory_space<vmem_shared>>
          %dma_wait3A_65 = arith.constant 0 : i32
          %dma_wait3A_66 = tpu.memref_slice %arg5[%mul3A_57, %dma_wait3A_65] : memref<10000x128xf32, #tpu.memory_space<hbm>> -> memref<80x128xf32, #tpu.memory_space<hbm>>
          tpu.wait_dma2 semaphore(%run_scoped3A : memref<!tpu.dma_semaphore, #tpu.memory_space<semaphore_mem>>) src(%dma_wait3A_66 : memref<80x128xf32, #tpu.memory_space<hbm>>) dst(%dma_wait3A_64 : memref<80x128xf32, #tpu.memory_space<vmem_shared>>)
          tpu.yield
        }) : () -> ()
      } else {
      }
    }
    %scan3A_7 = arith.constant 8 : i32
    %dma_start3A = arith.constant 0 : i32
    %dma_start3A_8 = tpu.memref_slice %arg7[%dma_start3A] : memref<10000xi32, #tpu.memory_space<vmem>> -> memref<40xi32, #tpu.memory_space<vmem>>
    %dma_start3A_9 = arith.constant 0 : i32
    %dma_start3A_10 = arith.constant 0 : i32
    %dma_start3A_11 = tpu.memref_slice %arg2[%dma_start3A_9, %dma_start3A_10] : memref<10000x128xf32, #tpu.memory_space<hbm>> -> memref<10000x128xf32, #tpu.memory_space<hbm>>
    tpu.enqueue_indirect_dma source(%dma_start3A_11 : memref<10000x128xf32, #tpu.memory_space<hbm>>) target(%arg9 : memref<40x128xf32, #tpu.memory_space<vmem>>) offsets(%dma_start3A_8 : memref<40xi32, #tpu.memory_space<vmem>>) semaphore(%arg16 : memref<!tpu.dma_semaphore, #tpu.memory_space<semaphore_mem>>)
    %dma_start3A_12 = arith.constant 40 : i32
    %dma_start3A_13 = tpu.memref_slice %arg7[%dma_start3A_12] : memref<10000xi32, #tpu.memory_space<vmem>> -> memref<40xi32, #tpu.memory_space<vmem>>
    %dma_start3A_14 = arith.constant 0 : i32
    %dma_start3A_15 = arith.constant 0 : i32
    %dma_start3A_16 = tpu.memref_slice %arg2[%dma_start3A_14, %dma_start3A_15] : memref<10000x128xf32, #tpu.memory_space<hbm>> -> memref<10000x128xf32, #tpu.memory_space<hbm>>
    tpu.enqueue_indirect_dma source(%dma_start3A_16 : memref<10000x128xf32, #tpu.memory_space<hbm>>) target(%arg10 : memref<40x128xf32, #tpu.memory_space<vmem>>) offsets(%dma_start3A_13 : memref<40xi32, #tpu.memory_space<vmem>>) semaphore(%arg17 : memref<!tpu.dma_semaphore, #tpu.memory_space<semaphore_mem>>)
    %dma_start3A_17 = arith.constant 80 : i32
    %dma_start3A_18 = tpu.memref_slice %arg7[%dma_start3A_17] : memref<10000xi32, #tpu.memory_space<vmem>> -> memref<40xi32, #tpu.memory_space<vmem>>
    %dma_start3A_19 = arith.constant 0 : i32
    %dma_start3A_20 = arith.constant 0 : i32
    %dma_start3A_21 = tpu.memref_slice %arg2[%dma_start3A_19, %dma_start3A_20] : memref<10000x128xf32, #tpu.memory_space<hbm>> -> memref<10000x128xf32, #tpu.memory_space<hbm>>
    tpu.enqueue_indirect_dma source(%dma_start3A_21 : memref<10000x128xf32, #tpu.memory_space<hbm>>) target(%arg11 : memref<40x128xf32, #tpu.memory_space<vmem>>) offsets(%dma_start3A_18 : memref<40xi32, #tpu.memory_space<vmem>>) semaphore(%arg18 : memref<!tpu.dma_semaphore, #tpu.memory_space<semaphore_mem>>)
    %dma_start3A_22 = arith.constant 120 : i32
    %dma_start3A_23 = tpu.memref_slice %arg7[%dma_start3A_22] : memref<10000xi32, #tpu.memory_space<vmem>> -> memref<40xi32, #tpu.memory_space<vmem>>
    %dma_start3A_24 = arith.constant 0 : i32
    %dma_start3A_25 = arith.constant 0 : i32
    %dma_start3A_26 = tpu.memref_slice %arg2[%dma_start3A_24, %dma_start3A_25] : memref<10000x128xf32, #tpu.memory_space<hbm>> -> memref<10000x128xf32, #tpu.memory_space<hbm>>
    tpu.enqueue_indirect_dma source(%dma_start3A_26 : memref<10000x128xf32, #tpu.memory_space<hbm>>) target(%arg12 : memref<40x128xf32, #tpu.memory_space<vmem>>) offsets(%dma_start3A_23 : memref<40xi32, #tpu.memory_space<vmem>>) semaphore(%arg19 : memref<!tpu.dma_semaphore, #tpu.memory_space<semaphore_mem>>)
    %dma_start3A_27 = arith.constant 160 : i32
    %dma_start3A_28 = tpu.memref_slice %arg7[%dma_start3A_27] : memref<10000xi32, #tpu.memory_space<vmem>> -> memref<40xi32, #tpu.memory_space<vmem>>
    %dma_start3A_29 = arith.constant 0 : i32
    %dma_start3A_30 = arith.constant 0 : i32
    %dma_start3A_31 = tpu.memref_slice %arg2[%dma_start3A_29, %dma_start3A_30] : memref<10000x128xf32, #tpu.memory_space<hbm>> -> memref<10000x128xf32, #tpu.memory_space<hbm>>
    tpu.enqueue_indirect_dma source(%dma_start3A_31 : memref<10000x128xf32, #tpu.memory_space<hbm>>) target(%arg13 : memref<40x128xf32, #tpu.memory_space<vmem>>) offsets(%dma_start3A_28 : memref<40xi32, #tpu.memory_space<vmem>>) semaphore(%arg20 : memref<!tpu.dma_semaphore, #tpu.memory_space<semaphore_mem>>)
    %dma_start3A_32 = arith.constant 200 : i32
    %dma_start3A_33 = tpu.memref_slice %arg7[%dma_start3A_32] : memref<10000xi32, #tpu.memory_space<vmem>> -> memref<40xi32, #tpu.memory_space<vmem>>
    %dma_start3A_34 = arith.constant 0 : i32
    %dma_start3A_35 = arith.constant 0 : i32
    %dma_start3A_36 = tpu.memref_slice %arg2[%dma_start3A_34, %dma_start3A_35] : memref<10000x128xf32, #tpu.memory_space<hbm>> -> memref<10000x128xf32, #tpu.memory_space<hbm>>
    tpu.enqueue_indirect_dma source(%dma_start3A_36 : memref<10000x128xf32, #tpu.memory_space<hbm>>) target(%arg14 : memref<40x128xf32, #tpu.memory_space<vmem>>) offsets(%dma_start3A_33 : memref<40xi32, #tpu.memory_space<vmem>>) semaphore(%arg21 : memref<!tpu.dma_semaphore, #tpu.memory_space<semaphore_mem>>)
    %barrier3A = arith.constant 0 : index
    tpu.barrier barrier_id(%barrier3A)
    %scan3A_37 = arith.constant 0 : i32
    %scan3A_38 = arith.constant 0 : i32
    %scan3A_39 = arith.constant 42 : i32
    %scan3A_40 = arith.addi %scan3A_38, %scan3A_39 : i32
    %scan3A_41 = arith.constant 1 : i32
    scf.for %scan3A_50 = %scan3A_38 to %scan3A_40 step %scan3A_41  : i32 {
      %mul3A_51 = arith.constant 6 : i32
      %mul3A_52 = arith.muli %scan3A_50, %mul3A_51 : i32
      %add3A_53 = arith.constant 0 : i32
      %add3A_54 = arith.addi %mul3A_52, %add3A_53 : i32
      %lt3A = arith.constant 250 : i32
      %lt3A_55 = arith.cmpi slt, %add3A_54, %lt3A : i32
      %convert_element_type3A = arith.extui %lt3A_55 : i1 to i32
      %cond3A = arith.constant 0 : i32
      %cond3A_56 = arith.cmpi ne, %convert_element_type3A, %cond3A : i32
      scf.if %cond3A_56 {
        %mul3A_102 = arith.constant 40 : i32
        %mul3A_103 = arith.muli %add3A_54, %mul3A_102 : i32
        %dma_wait3A = tpu.memref_slice %arg7[%mul3A_103] : memref<10000xi32, #tpu.memory_space<vmem>> -> memref<40xi32, #tpu.memory_space<vmem>>
        %dma_wait3A_104 = arith.constant 0 : i32
        %dma_wait3A_105 = arith.constant 0 : i32
        %dma_wait3A_106 = tpu.memref_slice %arg2[%dma_wait3A_104, %dma_wait3A_105] : memref<10000x128xf32, #tpu.memory_space<hbm>> -> memref<10000x128xf32, #tpu.memory_space<hbm>>
        tpu.wait_indirect_dma semaphore(%arg16 : memref<!tpu.dma_semaphore, #tpu.memory_space<semaphore_mem>>) src(%dma_wait3A_106 : memref<10000x128xf32, #tpu.memory_space<hbm>>) dst(%arg9 : memref<40x128xf32, #tpu.memory_space<vmem>>)
        %mul3A_107 = arith.constant 40 : i32
        %mul3A_108 = arith.muli %add3A_54, %mul3A_107 : i32
        "tpu.region"() ({
          %run_scoped3A = tpu.sem_alloc : memref<!tpu.dma_semaphore, #tpu.memory_space<semaphore_mem>>
          %dma_start3A_116 = tpu.memref_slice %arg8[%mul3A_108] : memref<10000xi32, #tpu.memory_space<vmem>> -> memref<40xi32, #tpu.memory_space<vmem>>
          %dma_start3A_117 = arith.constant 0 : i32
          %dma_start3A_118 = arith.constant 0 : i32
          %dma_start3A_119 = tpu.memref_slice %arg15[%dma_start3A_117, %dma_start3A_118] : memref<10000x128xf32, #tpu.memory_space<vmem_shared>> -> memref<10000x128xf32, #tpu.memory_space<vmem_shared>>
          tpu.enqueue_indirect_dma source(%arg9 : memref<40x128xf32, #tpu.memory_space<vmem>>) target(%dma_start3A_119 : memref<10000x128xf32, #tpu.memory_space<vmem_shared>>) offsets(%dma_start3A_116 : memref<40xi32, #tpu.memory_space<vmem>>) semaphore(%run_scoped3A : memref<!tpu.dma_semaphore, #tpu.memory_space<semaphore_mem>>) {add = true}
          %dma_wait3A_120 = tpu.memref_slice %arg8[%mul3A_108] : memref<10000xi32, #tpu.memory_space<vmem>> -> memref<40xi32, #tpu.memory_space<vmem>>
          %dma_wait3A_121 = arith.constant 0 : i32
          %dma_wait3A_122 = arith.constant 0 : i32
          %dma_wait3A_123 = tpu.memref_slice %arg15[%dma_wait3A_121, %dma_wait3A_122] : memref<10000x128xf32, #tpu.memory_space<vmem_shared>> -> memref<10000x128xf32, #tpu.memory_space<vmem_shared>>
          tpu.wait_indirect_dma semaphore(%run_scoped3A : memref<!tpu.dma_semaphore, #tpu.memory_space<semaphore_mem>>) src(%arg9 : memref<40x128xf32, #tpu.memory_space<vmem>>) dst(%dma_wait3A_123 : memref<10000x128xf32, #tpu.memory_space<vmem_shared>>)
          tpu.yield
        }) : () -> ()
        %add3A_109 = arith.constant 6 : i32
        %add3A_110 = arith.addi %add3A_54, %add3A_109 : i32
        %lt3A_111 = arith.constant 250 : i32
        %lt3A_112 = arith.cmpi slt, %add3A_110, %lt3A_111 : i32
        %convert_element_type3A_113 = arith.extui %lt3A_112 : i1 to i32
        %cond3A_114 = arith.constant 0 : i32
        %cond3A_115 = arith.cmpi ne, %convert_element_type3A_113, %cond3A_114 : i32
        scf.if %cond3A_115 {
          %add3A_116 = arith.constant 6 : i32
          %add3A_117 = arith.addi %add3A_54, %add3A_116 : i32
          %mul3A_118 = arith.constant 40 : i32
          %mul3A_119 = arith.muli %add3A_117, %mul3A_118 : i32
          %dma_start3A_120 = tpu.memref_slice %arg7[%mul3A_119] : memref<10000xi32, #tpu.memory_space<vmem>> -> memref<40xi32, #tpu.memory_space<vmem>>
          %dma_start3A_121 = arith.constant 0 : i32
          %dma_start3A_122 = arith.constant 0 : i32
          %dma_start3A_123 = tpu.memref_slice %arg2[%dma_start3A_121, %dma_start3A_122] : memref<10000x128xf32, #tpu.memory_space<hbm>> -> memref<10000x128xf32, #tpu.memory_space<hbm>>
          tpu.enqueue_indirect_dma source(%dma_start3A_123 : memref<10000x128xf32, #tpu.memory_space<hbm>>) target(%arg9 : memref<40x128xf32, #tpu.memory_space<vmem>>) offsets(%dma_start3A_120 : memref<40xi32, #tpu.memory_space<vmem>>) semaphore(%arg16 : memref<!tpu.dma_semaphore, #tpu.memory_space<semaphore_mem>>)
        } else {
        }
      } else {
      }
      %mul3A_57 = arith.constant 6 : i32
      %mul3A_58 = arith.muli %scan3A_50, %mul3A_57 : i32
      %add3A_59 = arith.constant 1 : i32
      %add3A_60 = arith.addi %mul3A_58, %add3A_59 : i32
      %lt3A_61 = arith.constant 250 : i32
      %lt3A_62 = arith.cmpi slt, %add3A_60, %lt3A_61 : i32
      %convert_element_type3A_63 = arith.extui %lt3A_62 : i1 to i32
      %cond3A_64 = arith.constant 0 : i32
      %cond3A_65 = arith.cmpi ne, %convert_element_type3A_63, %cond3A_64 : i32
      scf.if %cond3A_65 {
        %mul3A_102 = arith.constant 40 : i32
        %mul3A_103 = arith.muli %add3A_60, %mul3A_102 : i32
        %dma_wait3A = tpu.memref_slice %arg7[%mul3A_103] : memref<10000xi32, #tpu.memory_space<vmem>> -> memref<40xi32, #tpu.memory_space<vmem>>
        %dma_wait3A_104 = arith.constant 0 : i32
        %dma_wait3A_105 = arith.constant 0 : i32
        %dma_wait3A_106 = tpu.memref_slice %arg2[%dma_wait3A_104, %dma_wait3A_105] : memref<10000x128xf32, #tpu.memory_space<hbm>> -> memref<10000x128xf32, #tpu.memory_space<hbm>>
        tpu.wait_indirect_dma semaphore(%arg17 : memref<!tpu.dma_semaphore, #tpu.memory_space<semaphore_mem>>) src(%dma_wait3A_106 : memref<10000x128xf32, #tpu.memory_space<hbm>>) dst(%arg10 : memref<40x128xf32, #tpu.memory_space<vmem>>)
        %mul3A_107 = arith.constant 40 : i32
        %mul3A_108 = arith.muli %add3A_60, %mul3A_107 : i32
        "tpu.region"() ({
          %run_scoped3A = tpu.sem_alloc : memref<!tpu.dma_semaphore, #tpu.memory_space<semaphore_mem>>
          %dma_start3A_116 = tpu.memref_slice %arg8[%mul3A_108] : memref<10000xi32, #tpu.memory_space<vmem>> -> memref<40xi32, #tpu.memory_space<vmem>>
          %dma_start3A_117 = arith.constant 0 : i32
          %dma_start3A_118 = arith.constant 0 : i32
          %dma_start3A_119 = tpu.memref_slice %arg15[%dma_start3A_117, %dma_start3A_118] : memref<10000x128xf32, #tpu.memory_space<vmem_shared>> -> memref<10000x128xf32, #tpu.memory_space<vmem_shared>>
          tpu.enqueue_indirect_dma source(%arg10 : memref<40x128xf32, #tpu.memory_space<vmem>>) target(%dma_start3A_119 : memref<10000x128xf32, #tpu.memory_space<vmem_shared>>) offsets(%dma_start3A_116 : memref<40xi32, #tpu.memory_space<vmem>>) semaphore(%run_scoped3A : memref<!tpu.dma_semaphore, #tpu.memory_space<semaphore_mem>>) {add = true}
          %dma_wait3A_120 = tpu.memref_slice %arg8[%mul3A_108] : memref<10000xi32, #tpu.memory_space<vmem>> -> memref<40xi32, #tpu.memory_space<vmem>>
          %dma_wait3A_121 = arith.constant 0 : i32
          %dma_wait3A_122 = arith.constant 0 : i32
          %dma_wait3A_123 = tpu.memref_slice %arg15[%dma_wait3A_121, %dma_wait3A_122] : memref<10000x128xf32, #tpu.memory_space<vmem_shared>> -> memref<10000x128xf32, #tpu.memory_space<vmem_shared>>
          tpu.wait_indirect_dma semaphore(%run_scoped3A : memref<!tpu.dma_semaphore, #tpu.memory_space<semaphore_mem>>) src(%arg10 : memref<40x128xf32, #tpu.memory_space<vmem>>) dst(%dma_wait3A_123 : memref<10000x128xf32, #tpu.memory_space<vmem_shared>>)
          tpu.yield
        }) : () -> ()
        %add3A_109 = arith.constant 6 : i32
        %add3A_110 = arith.addi %add3A_60, %add3A_109 : i32
        %lt3A_111 = arith.constant 250 : i32
        %lt3A_112 = arith.cmpi slt, %add3A_110, %lt3A_111 : i32
        %convert_element_type3A_113 = arith.extui %lt3A_112 : i1 to i32
        %cond3A_114 = arith.constant 0 : i32
        %cond3A_115 = arith.cmpi ne, %convert_element_type3A_113, %cond3A_114 : i32
        scf.if %cond3A_115 {
          %add3A_116 = arith.constant 6 : i32
          %add3A_117 = arith.addi %add3A_60, %add3A_116 : i32
          %mul3A_118 = arith.constant 40 : i32
          %mul3A_119 = arith.muli %add3A_117, %mul3A_118 : i32
          %dma_start3A_120 = tpu.memref_slice %arg7[%mul3A_119] : memref<10000xi32, #tpu.memory_space<vmem>> -> memref<40xi32, #tpu.memory_space<vmem>>
          %dma_start3A_121 = arith.constant 0 : i32
          %dma_start3A_122 = arith.constant 0 : i32
          %dma_start3A_123 = tpu.memref_slice %arg2[%dma_start3A_121, %dma_start3A_122] : memref<10000x128xf32, #tpu.memory_space<hbm>> -> memref<10000x128xf32, #tpu.memory_space<hbm>>
          tpu.enqueue_indirect_dma source(%dma_start3A_123 : memref<10000x128xf32, #tpu.memory_space<hbm>>) target(%arg10 : memref<40x128xf32, #tpu.memory_space<vmem>>) offsets(%dma_start3A_120 : memref<40xi32, #tpu.memory_space<vmem>>) semaphore(%arg17 : memref<!tpu.dma_semaphore, #tpu.memory_space<semaphore_mem>>)
        } else {
        }
      } else {
      }
      %mul3A_66 = arith.constant 6 : i32
      %mul3A_67 = arith.muli %scan3A_50, %mul3A_66 : i32
      %add3A_68 = arith.constant 2 : i32
      %add3A_69 = arith.addi %mul3A_67, %add3A_68 : i32
      %lt3A_70 = arith.constant 250 : i32
      %lt3A_71 = arith.cmpi slt, %add3A_69, %lt3A_70 : i32
      %convert_element_type3A_72 = arith.extui %lt3A_71 : i1 to i32
      %cond3A_73 = arith.constant 0 : i32
      %cond3A_74 = arith.cmpi ne, %convert_element_type3A_72, %cond3A_73 : i32
      scf.if %cond3A_74 {
        %mul3A_102 = arith.constant 40 : i32
        %mul3A_103 = arith.muli %add3A_69, %mul3A_102 : i32
        %dma_wait3A = tpu.memref_slice %arg7[%mul3A_103] : memref<10000xi32, #tpu.memory_space<vmem>> -> memref<40xi32, #tpu.memory_space<vmem>>
        %dma_wait3A_104 = arith.constant 0 : i32
        %dma_wait3A_105 = arith.constant 0 : i32
        %dma_wait3A_106 = tpu.memref_slice %arg2[%dma_wait3A_104, %dma_wait3A_105] : memref<10000x128xf32, #tpu.memory_space<hbm>> -> memref<10000x128xf32, #tpu.memory_space<hbm>>
        tpu.wait_indirect_dma semaphore(%arg18 : memref<!tpu.dma_semaphore, #tpu.memory_space<semaphore_mem>>) src(%dma_wait3A_106 : memref<10000x128xf32, #tpu.memory_space<hbm>>) dst(%arg11 : memref<40x128xf32, #tpu.memory_space<vmem>>)
        %mul3A_107 = arith.constant 40 : i32
        %mul3A_108 = arith.muli %add3A_69, %mul3A_107 : i32
        "tpu.region"() ({
          %run_scoped3A = tpu.sem_alloc : memref<!tpu.dma_semaphore, #tpu.memory_space<semaphore_mem>>
          %dma_start3A_116 = tpu.memref_slice %arg8[%mul3A_108] : memref<10000xi32, #tpu.memory_space<vmem>> -> memref<40xi32, #tpu.memory_space<vmem>>
          %dma_start3A_117 = arith.constant 0 : i32
          %dma_start3A_118 = arith.constant 0 : i32
          %dma_start3A_119 = tpu.memref_slice %arg15[%dma_start3A_117, %dma_start3A_118] : memref<10000x128xf32, #tpu.memory_space<vmem_shared>> -> memref<10000x128xf32, #tpu.memory_space<vmem_shared>>
          tpu.enqueue_indirect_dma source(%arg11 : memref<40x128xf32, #tpu.memory_space<vmem>>) target(%dma_start3A_119 : memref<10000x128xf32, #tpu.memory_space<vmem_shared>>) offsets(%dma_start3A_116 : memref<40xi32, #tpu.memory_space<vmem>>) semaphore(%run_scoped3A : memref<!tpu.dma_semaphore, #tpu.memory_space<semaphore_mem>>) {add = true}
          %dma_wait3A_120 = tpu.memref_slice %arg8[%mul3A_108] : memref<10000xi32, #tpu.memory_space<vmem>> -> memref<40xi32, #tpu.memory_space<vmem>>
          %dma_wait3A_121 = arith.constant 0 : i32
          %dma_wait3A_122 = arith.constant 0 : i32
          %dma_wait3A_123 = tpu.memref_slice %arg15[%dma_wait3A_121, %dma_wait3A_122] : memref<10000x128xf32, #tpu.memory_space<vmem_shared>> -> memref<10000x128xf32, #tpu.memory_space<vmem_shared>>
          tpu.wait_indirect_dma semaphore(%run_scoped3A : memref<!tpu.dma_semaphore, #tpu.memory_space<semaphore_mem>>) src(%arg11 : memref<40x128xf32, #tpu.memory_space<vmem>>) dst(%dma_wait3A_123 : memref<10000x128xf32, #tpu.memory_space<vmem_shared>>)
          tpu.yield
        }) : () -> ()
        %add3A_109 = arith.constant 6 : i32
        %add3A_110 = arith.addi %add3A_69, %add3A_109 : i32
        %lt3A_111 = arith.constant 250 : i32
        %lt3A_112 = arith.cmpi slt, %add3A_110, %lt3A_111 : i32
        %convert_element_type3A_113 = arith.extui %lt3A_112 : i1 to i32
        %cond3A_114 = arith.constant 0 : i32
        %cond3A_115 = arith.cmpi ne, %convert_element_type3A_113, %cond3A_114 : i32
        scf.if %cond3A_115 {
          %add3A_116 = arith.constant 6 : i32
          %add3A_117 = arith.addi %add3A_69, %add3A_116 : i32
          %mul3A_118 = arith.constant 40 : i32
          %mul3A_119 = arith.muli %add3A_117, %mul3A_118 : i32
          %dma_start3A_120 = tpu.memref_slice %arg7[%mul3A_119] : memref<10000xi32, #tpu.memory_space<vmem>> -> memref<40xi32, #tpu.memory_space<vmem>>
          %dma_start3A_121 = arith.constant 0 : i32
          %dma_start3A_122 = arith.constant 0 : i32
          %dma_start3A_123 = tpu.memref_slice %arg2[%dma_start3A_121, %dma_start3A_122] : memref<10000x128xf32, #tpu.memory_space<hbm>> -> memref<10000x128xf32, #tpu.memory_space<hbm>>
          tpu.enqueue_indirect_dma source(%dma_start3A_123 : memref<10000x128xf32, #tpu.memory_space<hbm>>) target(%arg11 : memref<40x128xf32, #tpu.memory_space<vmem>>) offsets(%dma_start3A_120 : memref<40xi32, #tpu.memory_space<vmem>>) semaphore(%arg18 : memref<!tpu.dma_semaphore, #tpu.memory_space<semaphore_mem>>)
        } else {
        }
      } else {
      }
      %mul3A_75 = arith.constant 6 : i32
      %mul3A_76 = arith.muli %scan3A_50, %mul3A_75 : i32
      %add3A_77 = arith.constant 3 : i32
      %add3A_78 = arith.addi %mul3A_76, %add3A_77 : i32
      %lt3A_79 = arith.constant 250 : i32
      %lt3A_80 = arith.cmpi slt, %add3A_78, %lt3A_79 : i32
      %convert_element_type3A_81 = arith.extui %lt3A_80 : i1 to i32
      %cond3A_82 = arith.constant 0 : i32
      %cond3A_83 = arith.cmpi ne, %convert_element_type3A_81, %cond3A_82 : i32
      scf.if %cond3A_83 {
        %mul3A_102 = arith.constant 40 : i32
        %mul3A_103 = arith.muli %add3A_78, %mul3A_102 : i32
        %dma_wait3A = tpu.memref_slice %arg7[%mul3A_103] : memref<10000xi32, #tpu.memory_space<vmem>> -> memref<40xi32, #tpu.memory_space<vmem>>
        %dma_wait3A_104 = arith.constant 0 : i32
        %dma_wait3A_105 = arith.constant 0 : i32
        %dma_wait3A_106 = tpu.memref_slice %arg2[%dma_wait3A_104, %dma_wait3A_105] : memref<10000x128xf32, #tpu.memory_space<hbm>> -> memref<10000x128xf32, #tpu.memory_space<hbm>>
        tpu.wait_indirect_dma semaphore(%arg19 : memref<!tpu.dma_semaphore, #tpu.memory_space<semaphore_mem>>) src(%dma_wait3A_106 : memref<10000x128xf32, #tpu.memory_space<hbm>>) dst(%arg12 : memref<40x128xf32, #tpu.memory_space<vmem>>)
        %mul3A_107 = arith.constant 40 : i32
        %mul3A_108 = arith.muli %add3A_78, %mul3A_107 : i32
        "tpu.region"() ({
          %run_scoped3A = tpu.sem_alloc : memref<!tpu.dma_semaphore, #tpu.memory_space<semaphore_mem>>
          %dma_start3A_116 = tpu.memref_slice %arg8[%mul3A_108] : memref<10000xi32, #tpu.memory_space<vmem>> -> memref<40xi32, #tpu.memory_space<vmem>>
          %dma_start3A_117 = arith.constant 0 : i32
          %dma_start3A_118 = arith.constant 0 : i32
          %dma_start3A_119 = tpu.memref_slice %arg15[%dma_start3A_117, %dma_start3A_118] : memref<10000x128xf32, #tpu.memory_space<vmem_shared>> -> memref<10000x128xf32, #tpu.memory_space<vmem_shared>>
          tpu.enqueue_indirect_dma source(%arg12 : memref<40x128xf32, #tpu.memory_space<vmem>>) target(%dma_start3A_119 : memref<10000x128xf32, #tpu.memory_space<vmem_shared>>) offsets(%dma_start3A_116 : memref<40xi32, #tpu.memory_space<vmem>>) semaphore(%run_scoped3A : memref<!tpu.dma_semaphore, #tpu.memory_space<semaphore_mem>>) {add = true}
          %dma_wait3A_120 = tpu.memref_slice %arg8[%mul3A_108] : memref<10000xi32, #tpu.memory_space<vmem>> -> memref<40xi32, #tpu.memory_space<vmem>>
          %dma_wait3A_121 = arith.constant 0 : i32
          %dma_wait3A_122 = arith.constant 0 : i32
          %dma_wait3A_123 = tpu.memref_slice %arg15[%dma_wait3A_121, %dma_wait3A_122] : memref<10000x128xf32, #tpu.memory_space<vmem_shared>> -> memref<10000x128xf32, #tpu.memory_space<vmem_shared>>
          tpu.wait_indirect_dma semaphore(%run_scoped3A : memref<!tpu.dma_semaphore, #tpu.memory_space<semaphore_mem>>) src(%arg12 : memref<40x128xf32, #tpu.memory_space<vmem>>) dst(%dma_wait3A_123 : memref<10000x128xf32, #tpu.memory_space<vmem_shared>>)
          tpu.yield
        }) : () -> ()
        %add3A_109 = arith.constant 6 : i32
        %add3A_110 = arith.addi %add3A_78, %add3A_109 : i32
        %lt3A_111 = arith.constant 250 : i32
        %lt3A_112 = arith.cmpi slt, %add3A_110, %lt3A_111 : i32
        %convert_element_type3A_113 = arith.extui %lt3A_112 : i1 to i32
        %cond3A_114 = arith.constant 0 : i32
        %cond3A_115 = arith.cmpi ne, %convert_element_type3A_113, %cond3A_114 : i32
        scf.if %cond3A_115 {
          %add3A_116 = arith.constant 6 : i32
          %add3A_117 = arith.addi %add3A_78, %add3A_116 : i32
          %mul3A_118 = arith.constant 40 : i32
          %mul3A_119 = arith.muli %add3A_117, %mul3A_118 : i32
          %dma_start3A_120 = tpu.memref_slice %arg7[%mul3A_119] : memref<10000xi32, #tpu.memory_space<vmem>> -> memref<40xi32, #tpu.memory_space<vmem>>
          %dma_start3A_121 = arith.constant 0 : i32
          %dma_start3A_122 = arith.constant 0 : i32
          %dma_start3A_123 = tpu.memref_slice %arg2[%dma_start3A_121, %dma_start3A_122] : memref<10000x128xf32, #tpu.memory_space<hbm>> -> memref<10000x128xf32, #tpu.memory_space<hbm>>
          tpu.enqueue_indirect_dma source(%dma_start3A_123 : memref<10000x128xf32, #tpu.memory_space<hbm>>) target(%arg12 : memref<40x128xf32, #tpu.memory_space<vmem>>) offsets(%dma_start3A_120 : memref<40xi32, #tpu.memory_space<vmem>>) semaphore(%arg19 : memref<!tpu.dma_semaphore, #tpu.memory_space<semaphore_mem>>)
        } else {
        }
      } else {
      }
      %mul3A_84 = arith.constant 6 : i32
      %mul3A_85 = arith.muli %scan3A_50, %mul3A_84 : i32
      %add3A_86 = arith.constant 4 : i32
      %add3A_87 = arith.addi %mul3A_85, %add3A_86 : i32
      %lt3A_88 = arith.constant 250 : i32
      %lt3A_89 = arith.cmpi slt, %add3A_87, %lt3A_88 : i32
      %convert_element_type3A_90 = arith.extui %lt3A_89 : i1 to i32
      %cond3A_91 = arith.constant 0 : i32
      %cond3A_92 = arith.cmpi ne, %convert_element_type3A_90, %cond3A_91 : i32
      scf.if %cond3A_92 {
        %mul3A_102 = arith.constant 40 : i32
        %mul3A_103 = arith.muli %add3A_87, %mul3A_102 : i32
        %dma_wait3A = tpu.memref_slice %arg7[%mul3A_103] : memref<10000xi32, #tpu.memory_space<vmem>> -> memref<40xi32, #tpu.memory_space<vmem>>
        %dma_wait3A_104 = arith.constant 0 : i32
        %dma_wait3A_105 = arith.constant 0 : i32
        %dma_wait3A_106 = tpu.memref_slice %arg2[%dma_wait3A_104, %dma_wait3A_105] : memref<10000x128xf32, #tpu.memory_space<hbm>> -> memref<10000x128xf32, #tpu.memory_space<hbm>>
        tpu.wait_indirect_dma semaphore(%arg20 : memref<!tpu.dma_semaphore, #tpu.memory_space<semaphore_mem>>) src(%dma_wait3A_106 : memref<10000x128xf32, #tpu.memory_space<hbm>>) dst(%arg13 : memref<40x128xf32, #tpu.memory_space<vmem>>)
        %mul3A_107 = arith.constant 40 : i32
        %mul3A_108 = arith.muli %add3A_87, %mul3A_107 : i32
        "tpu.region"() ({
          %run_scoped3A = tpu.sem_alloc : memref<!tpu.dma_semaphore, #tpu.memory_space<semaphore_mem>>
          %dma_start3A_116 = tpu.memref_slice %arg8[%mul3A_108] : memref<10000xi32, #tpu.memory_space<vmem>> -> memref<40xi32, #tpu.memory_space<vmem>>
          %dma_start3A_117 = arith.constant 0 : i32
          %dma_start3A_118 = arith.constant 0 : i32
          %dma_start3A_119 = tpu.memref_slice %arg15[%dma_start3A_117, %dma_start3A_118] : memref<10000x128xf32, #tpu.memory_space<vmem_shared>> -> memref<10000x128xf32, #tpu.memory_space<vmem_shared>>
          tpu.enqueue_indirect_dma source(%arg13 : memref<40x128xf32, #tpu.memory_space<vmem>>) target(%dma_start3A_119 : memref<10000x128xf32, #tpu.memory_space<vmem_shared>>) offsets(%dma_start3A_116 : memref<40xi32, #tpu.memory_space<vmem>>) semaphore(%run_scoped3A : memref<!tpu.dma_semaphore, #tpu.memory_space<semaphore_mem>>) {add = true}
          %dma_wait3A_120 = tpu.memref_slice %arg8[%mul3A_108] : memref<10000xi32, #tpu.memory_space<vmem>> -> memref<40xi32, #tpu.memory_space<vmem>>
          %dma_wait3A_121 = arith.constant 0 : i32
          %dma_wait3A_122 = arith.constant 0 : i32
          %dma_wait3A_123 = tpu.memref_slice %arg15[%dma_wait3A_121, %dma_wait3A_122] : memref<10000x128xf32, #tpu.memory_space<vmem_shared>> -> memref<10000x128xf32, #tpu.memory_space<vmem_shared>>
          tpu.wait_indirect_dma semaphore(%run_scoped3A : memref<!tpu.dma_semaphore, #tpu.memory_space<semaphore_mem>>) src(%arg13 : memref<40x128xf32, #tpu.memory_space<vmem>>) dst(%dma_wait3A_123 : memref<10000x128xf32, #tpu.memory_space<vmem_shared>>)
          tpu.yield
        }) : () -> ()
        %add3A_109 = arith.constant 6 : i32
        %add3A_110 = arith.addi %add3A_87, %add3A_109 : i32
        %lt3A_111 = arith.constant 250 : i32
        %lt3A_112 = arith.cmpi slt, %add3A_110, %lt3A_111 : i32
        %convert_element_type3A_113 = arith.extui %lt3A_112 : i1 to i32
        %cond3A_114 = arith.constant 0 : i32
        %cond3A_115 = arith.cmpi ne, %convert_element_type3A_113, %cond3A_114 : i32
        scf.if %cond3A_115 {
          %add3A_116 = arith.constant 6 : i32
          %add3A_117 = arith.addi %add3A_87, %add3A_116 : i32
          %mul3A_118 = arith.constant 40 : i32
          %mul3A_119 = arith.muli %add3A_117, %mul3A_118 : i32
          %dma_start3A_120 = tpu.memref_slice %arg7[%mul3A_119] : memref<10000xi32, #tpu.memory_space<vmem>> -> memref<40xi32, #tpu.memory_space<vmem>>
          %dma_start3A_121 = arith.constant 0 : i32
          %dma_start3A_122 = arith.constant 0 : i32
          %dma_start3A_123 = tpu.memref_slice %arg2[%dma_start3A_121, %dma_start3A_122] : memref<10000x128xf32, #tpu.memory_space<hbm>> -> memref<10000x128xf32, #tpu.memory_space<hbm>>
          tpu.enqueue_indirect_dma source(%dma_start3A_123 : memref<10000x128xf32, #tpu.memory_space<hbm>>) target(%arg13 : memref<40x128xf32, #tpu.memory_space<vmem>>) offsets(%dma_start3A_120 : memref<40xi32, #tpu.memory_space<vmem>>) semaphore(%arg20 : memref<!tpu.dma_semaphore, #tpu.memory_space<semaphore_mem>>)
        } else {
        }
      } else {
      }
      %mul3A_93 = arith.constant 6 : i32
      %mul3A_94 = arith.muli %scan3A_50, %mul3A_93 : i32
      %add3A_95 = arith.constant 5 : i32
      %add3A_96 = arith.addi %mul3A_94, %add3A_95 : i32
      %lt3A_97 = arith.constant 250 : i32
      %lt3A_98 = arith.cmpi slt, %add3A_96, %lt3A_97 : i32
      %convert_element_type3A_99 = arith.extui %lt3A_98 : i1 to i32
      %cond3A_100 = arith.constant 0 : i32
      %cond3A_101 = arith.cmpi ne, %convert_element_type3A_99, %cond3A_100 : i32
      scf.if %cond3A_101 {
        %mul3A_102 = arith.constant 40 : i32
        %mul3A_103 = arith.muli %add3A_96, %mul3A_102 : i32
        %dma_wait3A = tpu.memref_slice %arg7[%mul3A_103] : memref<10000xi32, #tpu.memory_space<vmem>> -> memref<40xi32, #tpu.memory_space<vmem>>
        %dma_wait3A_104 = arith.constant 0 : i32
        %dma_wait3A_105 = arith.constant 0 : i32
        %dma_wait3A_106 = tpu.memref_slice %arg2[%dma_wait3A_104, %dma_wait3A_105] : memref<10000x128xf32, #tpu.memory_space<hbm>> -> memref<10000x128xf32, #tpu.memory_space<hbm>>
        tpu.wait_indirect_dma semaphore(%arg21 : memref<!tpu.dma_semaphore, #tpu.memory_space<semaphore_mem>>) src(%dma_wait3A_106 : memref<10000x128xf32, #tpu.memory_space<hbm>>) dst(%arg14 : memref<40x128xf32, #tpu.memory_space<vmem>>)
        %mul3A_107 = arith.constant 40 : i32
        %mul3A_108 = arith.muli %add3A_96, %mul3A_107 : i32
        "tpu.region"() ({
          %run_scoped3A = tpu.sem_alloc : memref<!tpu.dma_semaphore, #tpu.memory_space<semaphore_mem>>
          %dma_start3A_116 = tpu.memref_slice %arg8[%mul3A_108] : memref<10000xi32, #tpu.memory_space<vmem>> -> memref<40xi32, #tpu.memory_space<vmem>>
          %dma_start3A_117 = arith.constant 0 : i32
          %dma_start3A_118 = arith.constant 0 : i32
          %dma_start3A_119 = tpu.memref_slice %arg15[%dma_start3A_117, %dma_start3A_118] : memref<10000x128xf32, #tpu.memory_space<vmem_shared>> -> memref<10000x128xf32, #tpu.memory_space<vmem_shared>>
          tpu.enqueue_indirect_dma source(%arg14 : memref<40x128xf32, #tpu.memory_space<vmem>>) target(%dma_start3A_119 : memref<10000x128xf32, #tpu.memory_space<vmem_shared>>) offsets(%dma_start3A_116 : memref<40xi32, #tpu.memory_space<vmem>>) semaphore(%run_scoped3A : memref<!tpu.dma_semaphore, #tpu.memory_space<semaphore_mem>>) {add = true}
          %dma_wait3A_120 = tpu.memref_slice %arg8[%mul3A_108] : memref<10000xi32, #tpu.memory_space<vmem>> -> memref<40xi32, #tpu.memory_space<vmem>>
          %dma_wait3A_121 = arith.constant 0 : i32
          %dma_wait3A_122 = arith.constant 0 : i32
          %dma_wait3A_123 = tpu.memref_slice %arg15[%dma_wait3A_121, %dma_wait3A_122] : memref<10000x128xf32, #tpu.memory_space<vmem_shared>> -> memref<10000x128xf32, #tpu.memory_space<vmem_shared>>
          tpu.wait_indirect_dma semaphore(%run_scoped3A : memref<!tpu.dma_semaphore, #tpu.memory_space<semaphore_mem>>) src(%arg14 : memref<40x128xf32, #tpu.memory_space<vmem>>) dst(%dma_wait3A_123 : memref<10000x128xf32, #tpu.memory_space<vmem_shared>>)
          tpu.yield
        }) : () -> ()
        %add3A_109 = arith.constant 6 : i32
        %add3A_110 = arith.addi %add3A_96, %add3A_109 : i32
        %lt3A_111 = arith.constant 250 : i32
        %lt3A_112 = arith.cmpi slt, %add3A_110, %lt3A_111 : i32
        %convert_element_type3A_113 = arith.extui %lt3A_112 : i1 to i32
        %cond3A_114 = arith.constant 0 : i32
        %cond3A_115 = arith.cmpi ne, %convert_element_type3A_113, %cond3A_114 : i32
        scf.if %cond3A_115 {
          %add3A_116 = arith.constant 6 : i32
          %add3A_117 = arith.addi %add3A_96, %add3A_116 : i32
          %mul3A_118 = arith.constant 40 : i32
          %mul3A_119 = arith.muli %add3A_117, %mul3A_118 : i32
          %dma_start3A_120 = tpu.memref_slice %arg7[%mul3A_119] : memref<10000xi32, #tpu.memory_space<vmem>> -> memref<40xi32, #tpu.memory_space<vmem>>
          %dma_start3A_121 = arith.constant 0 : i32
          %dma_start3A_122 = arith.constant 0 : i32
          %dma_start3A_123 = tpu.memref_slice %arg2[%dma_start3A_121, %dma_start3A_122] : memref<10000x128xf32, #tpu.memory_space<hbm>> -> memref<10000x128xf32, #tpu.memory_space<hbm>>
          tpu.enqueue_indirect_dma source(%dma_start3A_123 : memref<10000x128xf32, #tpu.memory_space<hbm>>) target(%arg14 : memref<40x128xf32, #tpu.memory_space<vmem>>) offsets(%dma_start3A_120 : memref<40xi32, #tpu.memory_space<vmem>>) semaphore(%arg21 : memref<!tpu.dma_semaphore, #tpu.memory_space<semaphore_mem>>)
        } else {
        }
      } else {
      }
    }
    %scan3A_42 = arith.constant 42 : i32
    %barrier3A_43 = arith.constant 0 : index
    tpu.barrier barrier_id(%barrier3A_43)
    %scan3A_44 = arith.constant 0 : i32
    %scan3A_45 = arith.constant 0 : i32
    %scan3A_46 = arith.constant 8 : i32
    %scan3A_47 = arith.addi %scan3A_45, %scan3A_46 : i32
    %scan3A_48 = arith.constant 1 : i32
    scf.for %scan3A_50 = %scan3A_45 to %scan3A_47 step %scan3A_48  : i32 {
      %mul3A_51 = arith.constant 16 : i32
      %mul3A_52 = arith.muli %scan3A_50, %mul3A_51 : i32
      %add3A_53 = arith.addi %arg1, %mul3A_52 : i32
      %lt3A = arith.constant 125 : i32
      %lt3A_54 = arith.cmpi slt, %add3A_53, %lt3A : i32
      %convert_element_type3A = arith.extui %lt3A_54 : i1 to i32
      %cond3A = arith.constant 0 : i32
      %cond3A_55 = arith.cmpi ne, %convert_element_type3A, %cond3A : i32
      scf.if %cond3A_55 {
        %mul3A_56 = arith.constant 80 : i32
        %mul3A_57 = arith.muli %add3A_53, %mul3A_56 : i32
        %mul3A_58 = arith.constant 80 : i32
        %mul3A_59 = arith.muli %add3A_53, %mul3A_58 : i32
        "tpu.region"() ({
          %run_scoped3A = tpu.sem_alloc : memref<!tpu.dma_semaphore, #tpu.memory_space<semaphore_mem>>
          %dma_start3A_60 = arith.constant 0 : i32
          %dma_start3A_61 = tpu.memref_slice %arg6[%arg0, %mul3A_59, %dma_start3A_60] : memref<2x10000x128xf32, #tpu.memory_space<hbm>> -> memref<1x80x128xf32, #tpu.memory_space<hbm>>
          %dma_start3A_62 = tpu.memref_squeeze %dma_start3A_61 : memref<1x80x128xf32, #tpu.memory_space<hbm>> -> memref<80x128xf32, #tpu.memory_space<hbm>>
          %dma_start3A_63 = arith.constant 0 : i32
          %dma_start3A_64 = tpu.memref_slice %arg15[%mul3A_57, %dma_start3A_63] : memref<10000x128xf32, #tpu.memory_space<vmem_shared>> -> memref<80x128xf32, #tpu.memory_space<vmem_shared>>
          tpu.enqueue_dma source(%dma_start3A_64 : memref<80x128xf32, #tpu.memory_space<vmem_shared>>) target(%dma_start3A_62 : memref<80x128xf32, #tpu.memory_space<hbm>>) target_semaphore(%run_scoped3A : memref<!tpu.dma_semaphore, #tpu.memory_space<semaphore_mem>>)
          %dma_wait3A = arith.constant 0 : i32
          %dma_wait3A_65 = tpu.memref_slice %arg6[%arg0, %mul3A_59, %dma_wait3A] : memref<2x10000x128xf32, #tpu.memory_space<hbm>> -> memref<1x80x128xf32, #tpu.memory_space<hbm>>
          %dma_wait3A_66 = tpu.memref_squeeze %dma_wait3A_65 : memref<1x80x128xf32, #tpu.memory_space<hbm>> -> memref<80x128xf32, #tpu.memory_space<hbm>>
          %dma_wait3A_67 = arith.constant 0 : i32
          %dma_wait3A_68 = tpu.memref_slice %arg15[%mul3A_57, %dma_wait3A_67] : memref<10000x128xf32, #tpu.memory_space<vmem_shared>> -> memref<80x128xf32, #tpu.memory_space<vmem_shared>>
          tpu.wait_dma2 semaphore(%run_scoped3A : memref<!tpu.dma_semaphore, #tpu.memory_space<semaphore_mem>>) src(%dma_wait3A_68 : memref<80x128xf32, #tpu.memory_space<vmem_shared>>) dst(%dma_wait3A_66 : memref<80x128xf32, #tpu.memory_space<hbm>>)
          tpu.yield
        }) : () -> ()
      } else {
      }
    }
    %scan3A_49 = arith.constant 8 : i32
    return
  }
}

#map = affine_map<(d0, d1) -> (0, 0)>
#map1 = affine_map<(d0, d1) -> (0)>
#map2 = affine_map<(d0, d1) -> (0, 0, 0)>
module attributes {stable_mosaic.version = 14 : i64} {
  func.func @_agg_body(%arg0: i32, %arg1: i32, %arg2: memref<10000x128xf32, #tpu.memory_space<hbm>>, %arg3: memref<320000xi32, #tpu.memory_space<hbm>>, %arg4: memref<320000xi32, #tpu.memory_space<hbm>>, %arg5: memref<10000x128xf32, #tpu.memory_space<hbm>>, %arg6: memref<2x10000x128xf32, #tpu.memory_space<hbm>>, %arg7: memref<10000xi32, #tpu.memory_space<vmem>>, %arg8: memref<10000xi32, #tpu.memory_space<vmem>>, %arg9: memref<40x128xf32, #tpu.memory_space<vmem>>, %arg10: memref<40x128xf32, #tpu.memory_space<vmem>>, %arg11: memref<40x128xf32, #tpu.memory_space<vmem>>, %arg12: memref<40x128xf32, #tpu.memory_space<vmem>>, %arg13: memref<40x128xf32, #tpu.memory_space<vmem>>, %arg14: memref<40x128xf32, #tpu.memory_space<vmem>>, %arg15: memref<10000x128xf32, #tpu.memory_space<vmem_shared>>, %arg16: memref<!tpu.dma_semaphore, #tpu.memory_space<semaphore_mem>>, %arg17: memref<!tpu.dma_semaphore, #tpu.memory_space<semaphore_mem>>, %arg18: memref<!tpu.dma_semaphore, #tpu.memory_space<semaphore_mem>>, %arg19: memref<!tpu.dma_semaphore, #tpu.memory_space<semaphore_mem>>, %arg20: memref<!tpu.dma_semaphore, #tpu.memory_space<semaphore_mem>>, %arg21: memref<!tpu.dma_semaphore, #tpu.memory_space<semaphore_mem>>) attributes {dimension_semantics = [#tpu.dimension_semantics<core_parallel>, #tpu.dimension_semantics<subcore_parallel>], iteration_bounds = array<i64: 2, 16>, scalar_prefetch = 0 : i64, scratch_operands = 15 : i64, tpu.core_type = #tpu.core_type<sc_vector_subcore>, window_params = [{transform_indices = #map}, {transform_indices = #map1}, {transform_indices = #map1}, {transform_indices = #map}, {transform_indices = #map2}]} {
    %mul3A = arith.constant 2 : i32
    %mul3A_0 = arith.muli %arg1, %mul3A : i32
    %add3A = arith.addi %mul3A_0, %arg0 : i32
    %mul3A_1 = arith.constant 10000 : i32
    %mul3A_2 = arith.muli %add3A, %mul3A_1 : i32
    "tpu.region"() ({
      %run_scoped3A = tpu.sem_alloc : memref<!tpu.dma_semaphore, #tpu.memory_space<semaphore_mem>>
      %dma_start3A_50 = tpu.memref_slice %arg3[%mul3A_2] : memref<320000xi32, #tpu.memory_space<hbm>> -> memref<10000xi32, #tpu.memory_space<hbm>>
      %dma_start3A_51 = tpu.memref_slice %arg3[%mul3A_2] : memref<320000xi32, #tpu.memory_space<hbm>> -> memref<10000xi32, #tpu.memory_space<hbm>>
      tpu.enqueue_dma source(%dma_start3A_51 : memref<10000xi32, #tpu.memory_space<hbm>>) target(%arg7 : memref<10000xi32, #tpu.memory_space<vmem>>) target_semaphore(%run_scoped3A : memref<!tpu.dma_semaphore, #tpu.memory_space<semaphore_mem>>)
      %dma_wait3A = tpu.memref_slice %arg3[%mul3A_2] : memref<320000xi32, #tpu.memory_space<hbm>> -> memref<10000xi32, #tpu.memory_space<hbm>>
      %dma_wait3A_52 = tpu.memref_slice %arg3[%mul3A_2] : memref<320000xi32, #tpu.memory_space<hbm>> -> memref<10000xi32, #tpu.memory_space<hbm>>
      tpu.wait_dma2 semaphore(%run_scoped3A : memref<!tpu.dma_semaphore, #tpu.memory_space<semaphore_mem>>) src(%dma_wait3A_52 : memref<10000xi32, #tpu.memory_space<hbm>>) dst(%arg7 : memref<10000xi32, #tpu.memory_space<vmem>>)
      tpu.yield
    }) : () -> ()
    "tpu.region"() ({
      %run_scoped3A = tpu.sem_alloc : memref<!tpu.dma_semaphore, #tpu.memory_space<semaphore_mem>>
      %dma_start3A_50 = tpu.memref_slice %arg4[%mul3A_2] : memref<320000xi32, #tpu.memory_space<hbm>> -> memref<10000xi32, #tpu.memory_space<hbm>>
      %dma_start3A_51 = tpu.memref_slice %arg4[%mul3A_2] : memref<320000xi32, #tpu.memory_space<hbm>> -> memref<10000xi32, #tpu.memory_space<hbm>>
      tpu.enqueue_dma source(%dma_start3A_51 : memref<10000xi32, #tpu.memory_space<hbm>>) target(%arg8 : memref<10000xi32, #tpu.memory_space<vmem>>) target_semaphore(%run_scoped3A : memref<!tpu.dma_semaphore, #tpu.memory_space<semaphore_mem>>)
      %dma_wait3A = tpu.memref_slice %arg4[%mul3A_2] : memref<320000xi32, #tpu.memory_space<hbm>> -> memref<10000xi32, #tpu.memory_space<hbm>>
      %dma_wait3A_52 = tpu.memref_slice %arg4[%mul3A_2] : memref<320000xi32, #tpu.memory_space<hbm>> -> memref<10000xi32, #tpu.memory_space<hbm>>
      tpu.wait_dma2 semaphore(%run_scoped3A : memref<!tpu.dma_semaphore, #tpu.memory_space<semaphore_mem>>) src(%dma_wait3A_52 : memref<10000xi32, #tpu.memory_space<hbm>>) dst(%arg8 : memref<10000xi32, #tpu.memory_space<vmem>>)
      tpu.yield
    }) : () -> ()
    %scan3A = arith.constant 0 : i32
    %scan3A_3 = arith.constant 0 : i32
    %scan3A_4 = arith.constant 8 : i32
    %scan3A_5 = arith.addi %scan3A_3, %scan3A_4 : i32
    %scan3A_6 = arith.constant 1 : i32
    scf.for %scan3A_50 = %scan3A_3 to %scan3A_5 step %scan3A_6  : i32 {
      %mul3A_51 = arith.constant 16 : i32
      %mul3A_52 = arith.muli %scan3A_50, %mul3A_51 : i32
      %add3A_53 = arith.addi %arg1, %mul3A_52 : i32
      %lt3A = arith.constant 125 : i32
      %lt3A_54 = arith.cmpi slt, %add3A_53, %lt3A : i32
      %convert_element_type3A = arith.extui %lt3A_54 : i1 to i32
      %cond3A = arith.constant 0 : i32
      %cond3A_55 = arith.cmpi ne, %convert_element_type3A, %cond3A : i32
      scf.if %cond3A_55 {
        %mul3A_56 = arith.constant 80 : i32
        %mul3A_57 = arith.muli %add3A_53, %mul3A_56 : i32
        %mul3A_58 = arith.constant 80 : i32
        %mul3A_59 = arith.muli %add3A_53, %mul3A_58 : i32
        "tpu.region"() ({
          %run_scoped3A = tpu.sem_alloc : memref<!tpu.dma_semaphore, #tpu.memory_space<semaphore_mem>>
          %dma_start3A_60 = arith.constant 0 : i32
          %dma_start3A_61 = tpu.memref_slice %arg15[%mul3A_59, %dma_start3A_60] : memref<10000x128xf32, #tpu.memory_space<vmem_shared>> -> memref<80x128xf32, #tpu.memory_space<vmem_shared>>
          %dma_start3A_62 = arith.constant 0 : i32
          %dma_start3A_63 = tpu.memref_slice %arg5[%mul3A_57, %dma_start3A_62] : memref<10000x128xf32, #tpu.memory_space<hbm>> -> memref<80x128xf32, #tpu.memory_space<hbm>>
          tpu.enqueue_dma source(%dma_start3A_63 : memref<80x128xf32, #tpu.memory_space<hbm>>) target(%dma_start3A_61 : memref<80x128xf32, #tpu.memory_space<vmem_shared>>) target_semaphore(%run_scoped3A : memref<!tpu.dma_semaphore, #tpu.memory_space<semaphore_mem>>)
          %dma_wait3A = arith.constant 0 : i32
          %dma_wait3A_64 = tpu.memref_slice %arg15[%mul3A_59, %dma_wait3A] : memref<10000x128xf32, #tpu.memory_space<vmem_shared>> -> memref<80x128xf32, #tpu.memory_space<vmem_shared>>
          %dma_wait3A_65 = arith.constant 0 : i32
          %dma_wait3A_66 = tpu.memref_slice %arg5[%mul3A_57, %dma_wait3A_65] : memref<10000x128xf32, #tpu.memory_space<hbm>> -> memref<80x128xf32, #tpu.memory_space<hbm>>
          tpu.wait_dma2 semaphore(%run_scoped3A : memref<!tpu.dma_semaphore, #tpu.memory_space<semaphore_mem>>) src(%dma_wait3A_66 : memref<80x128xf32, #tpu.memory_space<hbm>>) dst(%dma_wait3A_64 : memref<80x128xf32, #tpu.memory_space<vmem_shared>>)
          tpu.yield
        }) : () -> ()
      } else {
      }
    }
    %scan3A_7 = arith.constant 8 : i32
    %dma_start3A = arith.constant 0 : i32
    %dma_start3A_8 = tpu.memref_slice %arg7[%dma_start3A] : memref<10000xi32, #tpu.memory_space<vmem>> -> memref<40xi32, #tpu.memory_space<vmem>>
    %dma_start3A_9 = arith.constant 0 : i32
    %dma_start3A_10 = arith.constant 0 : i32
    %dma_start3A_11 = tpu.memref_slice %arg2[%dma_start3A_9, %dma_start3A_10] : memref<10000x128xf32, #tpu.memory_space<hbm>> -> memref<10000x128xf32, #tpu.memory_space<hbm>>
    tpu.enqueue_indirect_dma source(%dma_start3A_11 : memref<10000x128xf32, #tpu.memory_space<hbm>>) target(%arg9 : memref<40x128xf32, #tpu.memory_space<vmem>>) offsets(%dma_start3A_8 : memref<40xi32, #tpu.memory_space<vmem>>) semaphore(%arg16 : memref<!tpu.dma_semaphore, #tpu.memory_space<semaphore_mem>>)
    %dma_start3A_12 = arith.constant 40 : i32
    %dma_start3A_13 = tpu.memref_slice %arg7[%dma_start3A_12] : memref<10000xi32, #tpu.memory_space<vmem>> -> memref<40xi32, #tpu.memory_space<vmem>>
    %dma_start3A_14 = arith.constant 0 : i32
    %dma_start3A_15 = arith.constant 0 : i32
    %dma_start3A_16 = tpu.memref_slice %arg2[%dma_start3A_14, %dma_start3A_15] : memref<10000x128xf32, #tpu.memory_space<hbm>> -> memref<10000x128xf32, #tpu.memory_space<hbm>>
    tpu.enqueue_indirect_dma source(%dma_start3A_16 : memref<10000x128xf32, #tpu.memory_space<hbm>>) target(%arg10 : memref<40x128xf32, #tpu.memory_space<vmem>>) offsets(%dma_start3A_13 : memref<40xi32, #tpu.memory_space<vmem>>) semaphore(%arg17 : memref<!tpu.dma_semaphore, #tpu.memory_space<semaphore_mem>>)
    %dma_start3A_17 = arith.constant 80 : i32
    %dma_start3A_18 = tpu.memref_slice %arg7[%dma_start3A_17] : memref<10000xi32, #tpu.memory_space<vmem>> -> memref<40xi32, #tpu.memory_space<vmem>>
    %dma_start3A_19 = arith.constant 0 : i32
    %dma_start3A_20 = arith.constant 0 : i32
    %dma_start3A_21 = tpu.memref_slice %arg2[%dma_start3A_19, %dma_start3A_20] : memref<10000x128xf32, #tpu.memory_space<hbm>> -> memref<10000x128xf32, #tpu.memory_space<hbm>>
    tpu.enqueue_indirect_dma source(%dma_start3A_21 : memref<10000x128xf32, #tpu.memory_space<hbm>>) target(%arg11 : memref<40x128xf32, #tpu.memory_space<vmem>>) offsets(%dma_start3A_18 : memref<40xi32, #tpu.memory_space<vmem>>) semaphore(%arg18 : memref<!tpu.dma_semaphore, #tpu.memory_space<semaphore_mem>>)
    %dma_start3A_22 = arith.constant 120 : i32
    %dma_start3A_23 = tpu.memref_slice %arg7[%dma_start3A_22] : memref<10000xi32, #tpu.memory_space<vmem>> -> memref<40xi32, #tpu.memory_space<vmem>>
    %dma_start3A_24 = arith.constant 0 : i32
    %dma_start3A_25 = arith.constant 0 : i32
    %dma_start3A_26 = tpu.memref_slice %arg2[%dma_start3A_24, %dma_start3A_25] : memref<10000x128xf32, #tpu.memory_space<hbm>> -> memref<10000x128xf32, #tpu.memory_space<hbm>>
    tpu.enqueue_indirect_dma source(%dma_start3A_26 : memref<10000x128xf32, #tpu.memory_space<hbm>>) target(%arg12 : memref<40x128xf32, #tpu.memory_space<vmem>>) offsets(%dma_start3A_23 : memref<40xi32, #tpu.memory_space<vmem>>) semaphore(%arg19 : memref<!tpu.dma_semaphore, #tpu.memory_space<semaphore_mem>>)
    %dma_start3A_27 = arith.constant 160 : i32
    %dma_start3A_28 = tpu.memref_slice %arg7[%dma_start3A_27] : memref<10000xi32, #tpu.memory_space<vmem>> -> memref<40xi32, #tpu.memory_space<vmem>>
    %dma_start3A_29 = arith.constant 0 : i32
    %dma_start3A_30 = arith.constant 0 : i32
    %dma_start3A_31 = tpu.memref_slice %arg2[%dma_start3A_29, %dma_start3A_30] : memref<10000x128xf32, #tpu.memory_space<hbm>> -> memref<10000x128xf32, #tpu.memory_space<hbm>>
    tpu.enqueue_indirect_dma source(%dma_start3A_31 : memref<10000x128xf32, #tpu.memory_space<hbm>>) target(%arg13 : memref<40x128xf32, #tpu.memory_space<vmem>>) offsets(%dma_start3A_28 : memref<40xi32, #tpu.memory_space<vmem>>) semaphore(%arg20 : memref<!tpu.dma_semaphore, #tpu.memory_space<semaphore_mem>>)
    %dma_start3A_32 = arith.constant 200 : i32
    %dma_start3A_33 = tpu.memref_slice %arg7[%dma_start3A_32] : memref<10000xi32, #tpu.memory_space<vmem>> -> memref<40xi32, #tpu.memory_space<vmem>>
    %dma_start3A_34 = arith.constant 0 : i32
    %dma_start3A_35 = arith.constant 0 : i32
    %dma_start3A_36 = tpu.memref_slice %arg2[%dma_start3A_34, %dma_start3A_35] : memref<10000x128xf32, #tpu.memory_space<hbm>> -> memref<10000x128xf32, #tpu.memory_space<hbm>>
    tpu.enqueue_indirect_dma source(%dma_start3A_36 : memref<10000x128xf32, #tpu.memory_space<hbm>>) target(%arg14 : memref<40x128xf32, #tpu.memory_space<vmem>>) offsets(%dma_start3A_33 : memref<40xi32, #tpu.memory_space<vmem>>) semaphore(%arg21 : memref<!tpu.dma_semaphore, #tpu.memory_space<semaphore_mem>>)
    %barrier3A = arith.constant 0 : index
    tpu.barrier barrier_id(%barrier3A)
    %scan3A_37 = arith.constant 0 : i32
    %scan3A_38 = arith.constant 0 : i32
    %scan3A_39 = arith.constant 42 : i32
    %scan3A_40 = arith.addi %scan3A_38, %scan3A_39 : i32
    %scan3A_41 = arith.constant 1 : i32
    scf.for %scan3A_50 = %scan3A_38 to %scan3A_40 step %scan3A_41  : i32 {
      %mul3A_51 = arith.constant 6 : i32
      %mul3A_52 = arith.muli %scan3A_50, %mul3A_51 : i32
      %add3A_53 = arith.constant 0 : i32
      %add3A_54 = arith.addi %mul3A_52, %add3A_53 : i32
      %lt3A = arith.constant 250 : i32
      %lt3A_55 = arith.cmpi slt, %add3A_54, %lt3A : i32
      %convert_element_type3A = arith.extui %lt3A_55 : i1 to i32
      %cond3A = arith.constant 0 : i32
      %cond3A_56 = arith.cmpi ne, %convert_element_type3A, %cond3A : i32
      scf.if %cond3A_56 {
        %mul3A_102 = arith.constant 40 : i32
        %mul3A_103 = arith.muli %add3A_54, %mul3A_102 : i32
        %dma_wait3A = tpu.memref_slice %arg7[%mul3A_103] : memref<10000xi32, #tpu.memory_space<vmem>> -> memref<40xi32, #tpu.memory_space<vmem>>
        %dma_wait3A_104 = arith.constant 0 : i32
        %dma_wait3A_105 = arith.constant 0 : i32
        %dma_wait3A_106 = tpu.memref_slice %arg2[%dma_wait3A_104, %dma_wait3A_105] : memref<10000x128xf32, #tpu.memory_space<hbm>> -> memref<10000x128xf32, #tpu.memory_space<hbm>>
        tpu.wait_indirect_dma semaphore(%arg16 : memref<!tpu.dma_semaphore, #tpu.memory_space<semaphore_mem>>) src(%dma_wait3A_106 : memref<10000x128xf32, #tpu.memory_space<hbm>>) dst(%arg9 : memref<40x128xf32, #tpu.memory_space<vmem>>)
        %mul3A_107 = arith.constant 40 : i32
        %mul3A_108 = arith.muli %add3A_54, %mul3A_107 : i32
        "tpu.region"() ({
          %run_scoped3A = tpu.sem_alloc : memref<!tpu.dma_semaphore, #tpu.memory_space<semaphore_mem>>
          %dma_start3A_116 = tpu.memref_slice %arg8[%mul3A_108] : memref<10000xi32, #tpu.memory_space<vmem>> -> memref<40xi32, #tpu.memory_space<vmem>>
          %dma_start3A_117 = arith.constant 0 : i32
          %dma_start3A_118 = arith.constant 0 : i32
          %dma_start3A_119 = tpu.memref_slice %arg15[%dma_start3A_117, %dma_start3A_118] : memref<10000x128xf32, #tpu.memory_space<vmem_shared>> -> memref<10000x128xf32, #tpu.memory_space<vmem_shared>>
          tpu.enqueue_indirect_dma source(%arg9 : memref<40x128xf32, #tpu.memory_space<vmem>>) target(%dma_start3A_119 : memref<10000x128xf32, #tpu.memory_space<vmem_shared>>) offsets(%dma_start3A_116 : memref<40xi32, #tpu.memory_space<vmem>>) semaphore(%run_scoped3A : memref<!tpu.dma_semaphore, #tpu.memory_space<semaphore_mem>>) {add = true}
          %dma_wait3A_120 = tpu.memref_slice %arg8[%mul3A_108] : memref<10000xi32, #tpu.memory_space<vmem>> -> memref<40xi32, #tpu.memory_space<vmem>>
          %dma_wait3A_121 = arith.constant 0 : i32
          %dma_wait3A_122 = arith.constant 0 : i32
          %dma_wait3A_123 = tpu.memref_slice %arg15[%dma_wait3A_121, %dma_wait3A_122] : memref<10000x128xf32, #tpu.memory_space<vmem_shared>> -> memref<10000x128xf32, #tpu.memory_space<vmem_shared>>
          tpu.wait_indirect_dma semaphore(%run_scoped3A : memref<!tpu.dma_semaphore, #tpu.memory_space<semaphore_mem>>) src(%arg9 : memref<40x128xf32, #tpu.memory_space<vmem>>) dst(%dma_wait3A_123 : memref<10000x128xf32, #tpu.memory_space<vmem_shared>>)
          tpu.yield
        }) : () -> ()
        %add3A_109 = arith.constant 6 : i32
        %add3A_110 = arith.addi %add3A_54, %add3A_109 : i32
        %lt3A_111 = arith.constant 250 : i32
        %lt3A_112 = arith.cmpi slt, %add3A_110, %lt3A_111 : i32
        %convert_element_type3A_113 = arith.extui %lt3A_112 : i1 to i32
        %cond3A_114 = arith.constant 0 : i32
        %cond3A_115 = arith.cmpi ne, %convert_element_type3A_113, %cond3A_114 : i32
        scf.if %cond3A_115 {
          %add3A_116 = arith.constant 6 : i32
          %add3A_117 = arith.addi %add3A_54, %add3A_116 : i32
          %mul3A_118 = arith.constant 40 : i32
          %mul3A_119 = arith.muli %add3A_117, %mul3A_118 : i32
          %dma_start3A_120 = tpu.memref_slice %arg7[%mul3A_119] : memref<10000xi32, #tpu.memory_space<vmem>> -> memref<40xi32, #tpu.memory_space<vmem>>
          %dma_start3A_121 = arith.constant 0 : i32
          %dma_start3A_122 = arith.constant 0 : i32
          %dma_start3A_123 = tpu.memref_slice %arg2[%dma_start3A_121, %dma_start3A_122] : memref<10000x128xf32, #tpu.memory_space<hbm>> -> memref<10000x128xf32, #tpu.memory_space<hbm>>
          tpu.enqueue_indirect_dma source(%dma_start3A_123 : memref<10000x128xf32, #tpu.memory_space<hbm>>) target(%arg9 : memref<40x128xf32, #tpu.memory_space<vmem>>) offsets(%dma_start3A_120 : memref<40xi32, #tpu.memory_space<vmem>>) semaphore(%arg16 : memref<!tpu.dma_semaphore, #tpu.memory_space<semaphore_mem>>)
        } else {
        }
      } else {
      }
      %mul3A_57 = arith.constant 6 : i32
      %mul3A_58 = arith.muli %scan3A_50, %mul3A_57 : i32
      %add3A_59 = arith.constant 1 : i32
      %add3A_60 = arith.addi %mul3A_58, %add3A_59 : i32
      %lt3A_61 = arith.constant 250 : i32
      %lt3A_62 = arith.cmpi slt, %add3A_60, %lt3A_61 : i32
      %convert_element_type3A_63 = arith.extui %lt3A_62 : i1 to i32
      %cond3A_64 = arith.constant 0 : i32
      %cond3A_65 = arith.cmpi ne, %convert_element_type3A_63, %cond3A_64 : i32
      scf.if %cond3A_65 {
        %mul3A_102 = arith.constant 40 : i32
        %mul3A_103 = arith.muli %add3A_60, %mul3A_102 : i32
        %dma_wait3A = tpu.memref_slice %arg7[%mul3A_103] : memref<10000xi32, #tpu.memory_space<vmem>> -> memref<40xi32, #tpu.memory_space<vmem>>
        %dma_wait3A_104 = arith.constant 0 : i32
        %dma_wait3A_105 = arith.constant 0 : i32
        %dma_wait3A_106 = tpu.memref_slice %arg2[%dma_wait3A_104, %dma_wait3A_105] : memref<10000x128xf32, #tpu.memory_space<hbm>> -> memref<10000x128xf32, #tpu.memory_space<hbm>>
        tpu.wait_indirect_dma semaphore(%arg17 : memref<!tpu.dma_semaphore, #tpu.memory_space<semaphore_mem>>) src(%dma_wait3A_106 : memref<10000x128xf32, #tpu.memory_space<hbm>>) dst(%arg10 : memref<40x128xf32, #tpu.memory_space<vmem>>)
        %mul3A_107 = arith.constant 40 : i32
        %mul3A_108 = arith.muli %add3A_60, %mul3A_107 : i32
        "tpu.region"() ({
          %run_scoped3A = tpu.sem_alloc : memref<!tpu.dma_semaphore, #tpu.memory_space<semaphore_mem>>
          %dma_start3A_116 = tpu.memref_slice %arg8[%mul3A_108] : memref<10000xi32, #tpu.memory_space<vmem>> -> memref<40xi32, #tpu.memory_space<vmem>>
          %dma_start3A_117 = arith.constant 0 : i32
          %dma_start3A_118 = arith.constant 0 : i32
          %dma_start3A_119 = tpu.memref_slice %arg15[%dma_start3A_117, %dma_start3A_118] : memref<10000x128xf32, #tpu.memory_space<vmem_shared>> -> memref<10000x128xf32, #tpu.memory_space<vmem_shared>>
          tpu.enqueue_indirect_dma source(%arg10 : memref<40x128xf32, #tpu.memory_space<vmem>>) target(%dma_start3A_119 : memref<10000x128xf32, #tpu.memory_space<vmem_shared>>) offsets(%dma_start3A_116 : memref<40xi32, #tpu.memory_space<vmem>>) semaphore(%run_scoped3A : memref<!tpu.dma_semaphore, #tpu.memory_space<semaphore_mem>>) {add = true}
          %dma_wait3A_120 = tpu.memref_slice %arg8[%mul3A_108] : memref<10000xi32, #tpu.memory_space<vmem>> -> memref<40xi32, #tpu.memory_space<vmem>>
          %dma_wait3A_121 = arith.constant 0 : i32
          %dma_wait3A_122 = arith.constant 0 : i32
          %dma_wait3A_123 = tpu.memref_slice %arg15[%dma_wait3A_121, %dma_wait3A_122] : memref<10000x128xf32, #tpu.memory_space<vmem_shared>> -> memref<10000x128xf32, #tpu.memory_space<vmem_shared>>
          tpu.wait_indirect_dma semaphore(%run_scoped3A : memref<!tpu.dma_semaphore, #tpu.memory_space<semaphore_mem>>) src(%arg10 : memref<40x128xf32, #tpu.memory_space<vmem>>) dst(%dma_wait3A_123 : memref<10000x128xf32, #tpu.memory_space<vmem_shared>>)
          tpu.yield
        }) : () -> ()
        %add3A_109 = arith.constant 6 : i32
        %add3A_110 = arith.addi %add3A_60, %add3A_109 : i32
        %lt3A_111 = arith.constant 250 : i32
        %lt3A_112 = arith.cmpi slt, %add3A_110, %lt3A_111 : i32
        %convert_element_type3A_113 = arith.extui %lt3A_112 : i1 to i32
        %cond3A_114 = arith.constant 0 : i32
        %cond3A_115 = arith.cmpi ne, %convert_element_type3A_113, %cond3A_114 : i32
        scf.if %cond3A_115 {
          %add3A_116 = arith.constant 6 : i32
          %add3A_117 = arith.addi %add3A_60, %add3A_116 : i32
          %mul3A_118 = arith.constant 40 : i32
          %mul3A_119 = arith.muli %add3A_117, %mul3A_118 : i32
          %dma_start3A_120 = tpu.memref_slice %arg7[%mul3A_119] : memref<10000xi32, #tpu.memory_space<vmem>> -> memref<40xi32, #tpu.memory_space<vmem>>
          %dma_start3A_121 = arith.constant 0 : i32
          %dma_start3A_122 = arith.constant 0 : i32
          %dma_start3A_123 = tpu.memref_slice %arg2[%dma_start3A_121, %dma_start3A_122] : memref<10000x128xf32, #tpu.memory_space<hbm>> -> memref<10000x128xf32, #tpu.memory_space<hbm>>
          tpu.enqueue_indirect_dma source(%dma_start3A_123 : memref<10000x128xf32, #tpu.memory_space<hbm>>) target(%arg10 : memref<40x128xf32, #tpu.memory_space<vmem>>) offsets(%dma_start3A_120 : memref<40xi32, #tpu.memory_space<vmem>>) semaphore(%arg17 : memref<!tpu.dma_semaphore, #tpu.memory_space<semaphore_mem>>)
        } else {
        }
      } else {
      }
      %mul3A_66 = arith.constant 6 : i32
      %mul3A_67 = arith.muli %scan3A_50, %mul3A_66 : i32
      %add3A_68 = arith.constant 2 : i32
      %add3A_69 = arith.addi %mul3A_67, %add3A_68 : i32
      %lt3A_70 = arith.constant 250 : i32
      %lt3A_71 = arith.cmpi slt, %add3A_69, %lt3A_70 : i32
      %convert_element_type3A_72 = arith.extui %lt3A_71 : i1 to i32
      %cond3A_73 = arith.constant 0 : i32
      %cond3A_74 = arith.cmpi ne, %convert_element_type3A_72, %cond3A_73 : i32
      scf.if %cond3A_74 {
        %mul3A_102 = arith.constant 40 : i32
        %mul3A_103 = arith.muli %add3A_69, %mul3A_102 : i32
        %dma_wait3A = tpu.memref_slice %arg7[%mul3A_103] : memref<10000xi32, #tpu.memory_space<vmem>> -> memref<40xi32, #tpu.memory_space<vmem>>
        %dma_wait3A_104 = arith.constant 0 : i32
        %dma_wait3A_105 = arith.constant 0 : i32
        %dma_wait3A_106 = tpu.memref_slice %arg2[%dma_wait3A_104, %dma_wait3A_105] : memref<10000x128xf32, #tpu.memory_space<hbm>> -> memref<10000x128xf32, #tpu.memory_space<hbm>>
        tpu.wait_indirect_dma semaphore(%arg18 : memref<!tpu.dma_semaphore, #tpu.memory_space<semaphore_mem>>) src(%dma_wait3A_106 : memref<10000x128xf32, #tpu.memory_space<hbm>>) dst(%arg11 : memref<40x128xf32, #tpu.memory_space<vmem>>)
        %mul3A_107 = arith.constant 40 : i32
        %mul3A_108 = arith.muli %add3A_69, %mul3A_107 : i32
        "tpu.region"() ({
          %run_scoped3A = tpu.sem_alloc : memref<!tpu.dma_semaphore, #tpu.memory_space<semaphore_mem>>
          %dma_start3A_116 = tpu.memref_slice %arg8[%mul3A_108] : memref<10000xi32, #tpu.memory_space<vmem>> -> memref<40xi32, #tpu.memory_space<vmem>>
          %dma_start3A_117 = arith.constant 0 : i32
          %dma_start3A_118 = arith.constant 0 : i32
          %dma_start3A_119 = tpu.memref_slice %arg15[%dma_start3A_117, %dma_start3A_118] : memref<10000x128xf32, #tpu.memory_space<vmem_shared>> -> memref<10000x128xf32, #tpu.memory_space<vmem_shared>>
          tpu.enqueue_indirect_dma source(%arg11 : memref<40x128xf32, #tpu.memory_space<vmem>>) target(%dma_start3A_119 : memref<10000x128xf32, #tpu.memory_space<vmem_shared>>) offsets(%dma_start3A_116 : memref<40xi32, #tpu.memory_space<vmem>>) semaphore(%run_scoped3A : memref<!tpu.dma_semaphore, #tpu.memory_space<semaphore_mem>>) {add = true}
          %dma_wait3A_120 = tpu.memref_slice %arg8[%mul3A_108] : memref<10000xi32, #tpu.memory_space<vmem>> -> memref<40xi32, #tpu.memory_space<vmem>>
          %dma_wait3A_121 = arith.constant 0 : i32
          %dma_wait3A_122 = arith.constant 0 : i32
          %dma_wait3A_123 = tpu.memref_slice %arg15[%dma_wait3A_121, %dma_wait3A_122] : memref<10000x128xf32, #tpu.memory_space<vmem_shared>> -> memref<10000x128xf32, #tpu.memory_space<vmem_shared>>
          tpu.wait_indirect_dma semaphore(%run_scoped3A : memref<!tpu.dma_semaphore, #tpu.memory_space<semaphore_mem>>) src(%arg11 : memref<40x128xf32, #tpu.memory_space<vmem>>) dst(%dma_wait3A_123 : memref<10000x128xf32, #tpu.memory_space<vmem_shared>>)
          tpu.yield
        }) : () -> ()
        %add3A_109 = arith.constant 6 : i32
        %add3A_110 = arith.addi %add3A_69, %add3A_109 : i32
        %lt3A_111 = arith.constant 250 : i32
        %lt3A_112 = arith.cmpi slt, %add3A_110, %lt3A_111 : i32
        %convert_element_type3A_113 = arith.extui %lt3A_112 : i1 to i32
        %cond3A_114 = arith.constant 0 : i32
        %cond3A_115 = arith.cmpi ne, %convert_element_type3A_113, %cond3A_114 : i32
        scf.if %cond3A_115 {
          %add3A_116 = arith.constant 6 : i32
          %add3A_117 = arith.addi %add3A_69, %add3A_116 : i32
          %mul3A_118 = arith.constant 40 : i32
          %mul3A_119 = arith.muli %add3A_117, %mul3A_118 : i32
          %dma_start3A_120 = tpu.memref_slice %arg7[%mul3A_119] : memref<10000xi32, #tpu.memory_space<vmem>> -> memref<40xi32, #tpu.memory_space<vmem>>
          %dma_start3A_121 = arith.constant 0 : i32
          %dma_start3A_122 = arith.constant 0 : i32
          %dma_start3A_123 = tpu.memref_slice %arg2[%dma_start3A_121, %dma_start3A_122] : memref<10000x128xf32, #tpu.memory_space<hbm>> -> memref<10000x128xf32, #tpu.memory_space<hbm>>
          tpu.enqueue_indirect_dma source(%dma_start3A_123 : memref<10000x128xf32, #tpu.memory_space<hbm>>) target(%arg11 : memref<40x128xf32, #tpu.memory_space<vmem>>) offsets(%dma_start3A_120 : memref<40xi32, #tpu.memory_space<vmem>>) semaphore(%arg18 : memref<!tpu.dma_semaphore, #tpu.memory_space<semaphore_mem>>)
        } else {
        }
      } else {
      }
      %mul3A_75 = arith.constant 6 : i32
      %mul3A_76 = arith.muli %scan3A_50, %mul3A_75 : i32
      %add3A_77 = arith.constant 3 : i32
      %add3A_78 = arith.addi %mul3A_76, %add3A_77 : i32
      %lt3A_79 = arith.constant 250 : i32
      %lt3A_80 = arith.cmpi slt, %add3A_78, %lt3A_79 : i32
      %convert_element_type3A_81 = arith.extui %lt3A_80 : i1 to i32
      %cond3A_82 = arith.constant 0 : i32
      %cond3A_83 = arith.cmpi ne, %convert_element_type3A_81, %cond3A_82 : i32
      scf.if %cond3A_83 {
        %mul3A_102 = arith.constant 40 : i32
        %mul3A_103 = arith.muli %add3A_78, %mul3A_102 : i32
        %dma_wait3A = tpu.memref_slice %arg7[%mul3A_103] : memref<10000xi32, #tpu.memory_space<vmem>> -> memref<40xi32, #tpu.memory_space<vmem>>
        %dma_wait3A_104 = arith.constant 0 : i32
        %dma_wait3A_105 = arith.constant 0 : i32
        %dma_wait3A_106 = tpu.memref_slice %arg2[%dma_wait3A_104, %dma_wait3A_105] : memref<10000x128xf32, #tpu.memory_space<hbm>> -> memref<10000x128xf32, #tpu.memory_space<hbm>>
        tpu.wait_indirect_dma semaphore(%arg19 : memref<!tpu.dma_semaphore, #tpu.memory_space<semaphore_mem>>) src(%dma_wait3A_106 : memref<10000x128xf32, #tpu.memory_space<hbm>>) dst(%arg12 : memref<40x128xf32, #tpu.memory_space<vmem>>)
        %mul3A_107 = arith.constant 40 : i32
        %mul3A_108 = arith.muli %add3A_78, %mul3A_107 : i32
        "tpu.region"() ({
          %run_scoped3A = tpu.sem_alloc : memref<!tpu.dma_semaphore, #tpu.memory_space<semaphore_mem>>
          %dma_start3A_116 = tpu.memref_slice %arg8[%mul3A_108] : memref<10000xi32, #tpu.memory_space<vmem>> -> memref<40xi32, #tpu.memory_space<vmem>>
          %dma_start3A_117 = arith.constant 0 : i32
          %dma_start3A_118 = arith.constant 0 : i32
          %dma_start3A_119 = tpu.memref_slice %arg15[%dma_start3A_117, %dma_start3A_118] : memref<10000x128xf32, #tpu.memory_space<vmem_shared>> -> memref<10000x128xf32, #tpu.memory_space<vmem_shared>>
          tpu.enqueue_indirect_dma source(%arg12 : memref<40x128xf32, #tpu.memory_space<vmem>>) target(%dma_start3A_119 : memref<10000x128xf32, #tpu.memory_space<vmem_shared>>) offsets(%dma_start3A_116 : memref<40xi32, #tpu.memory_space<vmem>>) semaphore(%run_scoped3A : memref<!tpu.dma_semaphore, #tpu.memory_space<semaphore_mem>>) {add = true}
          %dma_wait3A_120 = tpu.memref_slice %arg8[%mul3A_108] : memref<10000xi32, #tpu.memory_space<vmem>> -> memref<40xi32, #tpu.memory_space<vmem>>
          %dma_wait3A_121 = arith.constant 0 : i32
          %dma_wait3A_122 = arith.constant 0 : i32
          %dma_wait3A_123 = tpu.memref_slice %arg15[%dma_wait3A_121, %dma_wait3A_122] : memref<10000x128xf32, #tpu.memory_space<vmem_shared>> -> memref<10000x128xf32, #tpu.memory_space<vmem_shared>>
          tpu.wait_indirect_dma semaphore(%run_scoped3A : memref<!tpu.dma_semaphore, #tpu.memory_space<semaphore_mem>>) src(%arg12 : memref<40x128xf32, #tpu.memory_space<vmem>>) dst(%dma_wait3A_123 : memref<10000x128xf32, #tpu.memory_space<vmem_shared>>)
          tpu.yield
        }) : () -> ()
        %add3A_109 = arith.constant 6 : i32
        %add3A_110 = arith.addi %add3A_78, %add3A_109 : i32
        %lt3A_111 = arith.constant 250 : i32
        %lt3A_112 = arith.cmpi slt, %add3A_110, %lt3A_111 : i32
        %convert_element_type3A_113 = arith.extui %lt3A_112 : i1 to i32
        %cond3A_114 = arith.constant 0 : i32
        %cond3A_115 = arith.cmpi ne, %convert_element_type3A_113, %cond3A_114 : i32
        scf.if %cond3A_115 {
          %add3A_116 = arith.constant 6 : i32
          %add3A_117 = arith.addi %add3A_78, %add3A_116 : i32
          %mul3A_118 = arith.constant 40 : i32
          %mul3A_119 = arith.muli %add3A_117, %mul3A_118 : i32
          %dma_start3A_120 = tpu.memref_slice %arg7[%mul3A_119] : memref<10000xi32, #tpu.memory_space<vmem>> -> memref<40xi32, #tpu.memory_space<vmem>>
          %dma_start3A_121 = arith.constant 0 : i32
          %dma_start3A_122 = arith.constant 0 : i32
          %dma_start3A_123 = tpu.memref_slice %arg2[%dma_start3A_121, %dma_start3A_122] : memref<10000x128xf32, #tpu.memory_space<hbm>> -> memref<10000x128xf32, #tpu.memory_space<hbm>>
          tpu.enqueue_indirect_dma source(%dma_start3A_123 : memref<10000x128xf32, #tpu.memory_space<hbm>>) target(%arg12 : memref<40x128xf32, #tpu.memory_space<vmem>>) offsets(%dma_start3A_120 : memref<40xi32, #tpu.memory_space<vmem>>) semaphore(%arg19 : memref<!tpu.dma_semaphore, #tpu.memory_space<semaphore_mem>>)
        } else {
        }
      } else {
      }
      %mul3A_84 = arith.constant 6 : i32
      %mul3A_85 = arith.muli %scan3A_50, %mul3A_84 : i32
      %add3A_86 = arith.constant 4 : i32
      %add3A_87 = arith.addi %mul3A_85, %add3A_86 : i32
      %lt3A_88 = arith.constant 250 : i32
      %lt3A_89 = arith.cmpi slt, %add3A_87, %lt3A_88 : i32
      %convert_element_type3A_90 = arith.extui %lt3A_89 : i1 to i32
      %cond3A_91 = arith.constant 0 : i32
      %cond3A_92 = arith.cmpi ne, %convert_element_type3A_90, %cond3A_91 : i32
      scf.if %cond3A_92 {
        %mul3A_102 = arith.constant 40 : i32
        %mul3A_103 = arith.muli %add3A_87, %mul3A_102 : i32
        %dma_wait3A = tpu.memref_slice %arg7[%mul3A_103] : memref<10000xi32, #tpu.memory_space<vmem>> -> memref<40xi32, #tpu.memory_space<vmem>>
        %dma_wait3A_104 = arith.constant 0 : i32
        %dma_wait3A_105 = arith.constant 0 : i32
        %dma_wait3A_106 = tpu.memref_slice %arg2[%dma_wait3A_104, %dma_wait3A_105] : memref<10000x128xf32, #tpu.memory_space<hbm>> -> memref<10000x128xf32, #tpu.memory_space<hbm>>
        tpu.wait_indirect_dma semaphore(%arg20 : memref<!tpu.dma_semaphore, #tpu.memory_space<semaphore_mem>>) src(%dma_wait3A_106 : memref<10000x128xf32, #tpu.memory_space<hbm>>) dst(%arg13 : memref<40x128xf32, #tpu.memory_space<vmem>>)
        %mul3A_107 = arith.constant 40 : i32
        %mul3A_108 = arith.muli %add3A_87, %mul3A_107 : i32
        "tpu.region"() ({
          %run_scoped3A = tpu.sem_alloc : memref<!tpu.dma_semaphore, #tpu.memory_space<semaphore_mem>>
          %dma_start3A_116 = tpu.memref_slice %arg8[%mul3A_108] : memref<10000xi32, #tpu.memory_space<vmem>> -> memref<40xi32, #tpu.memory_space<vmem>>
          %dma_start3A_117 = arith.constant 0 : i32
          %dma_start3A_118 = arith.constant 0 : i32
          %dma_start3A_119 = tpu.memref_slice %arg15[%dma_start3A_117, %dma_start3A_118] : memref<10000x128xf32, #tpu.memory_space<vmem_shared>> -> memref<10000x128xf32, #tpu.memory_space<vmem_shared>>
          tpu.enqueue_indirect_dma source(%arg13 : memref<40x128xf32, #tpu.memory_space<vmem>>) target(%dma_start3A_119 : memref<10000x128xf32, #tpu.memory_space<vmem_shared>>) offsets(%dma_start3A_116 : memref<40xi32, #tpu.memory_space<vmem>>) semaphore(%run_scoped3A : memref<!tpu.dma_semaphore, #tpu.memory_space<semaphore_mem>>) {add = true}
          %dma_wait3A_120 = tpu.memref_slice %arg8[%mul3A_108] : memref<10000xi32, #tpu.memory_space<vmem>> -> memref<40xi32, #tpu.memory_space<vmem>>
          %dma_wait3A_121 = arith.constant 0 : i32
          %dma_wait3A_122 = arith.constant 0 : i32
          %dma_wait3A_123 = tpu.memref_slice %arg15[%dma_wait3A_121, %dma_wait3A_122] : memref<10000x128xf32, #tpu.memory_space<vmem_shared>> -> memref<10000x128xf32, #tpu.memory_space<vmem_shared>>
          tpu.wait_indirect_dma semaphore(%run_scoped3A : memref<!tpu.dma_semaphore, #tpu.memory_space<semaphore_mem>>) src(%arg13 : memref<40x128xf32, #tpu.memory_space<vmem>>) dst(%dma_wait3A_123 : memref<10000x128xf32, #tpu.memory_space<vmem_shared>>)
          tpu.yield
        }) : () -> ()
        %add3A_109 = arith.constant 6 : i32
        %add3A_110 = arith.addi %add3A_87, %add3A_109 : i32
        %lt3A_111 = arith.constant 250 : i32
        %lt3A_112 = arith.cmpi slt, %add3A_110, %lt3A_111 : i32
        %convert_element_type3A_113 = arith.extui %lt3A_112 : i1 to i32
        %cond3A_114 = arith.constant 0 : i32
        %cond3A_115 = arith.cmpi ne, %convert_element_type3A_113, %cond3A_114 : i32
        scf.if %cond3A_115 {
          %add3A_116 = arith.constant 6 : i32
          %add3A_117 = arith.addi %add3A_87, %add3A_116 : i32
          %mul3A_118 = arith.constant 40 : i32
          %mul3A_119 = arith.muli %add3A_117, %mul3A_118 : i32
          %dma_start3A_120 = tpu.memref_slice %arg7[%mul3A_119] : memref<10000xi32, #tpu.memory_space<vmem>> -> memref<40xi32, #tpu.memory_space<vmem>>
          %dma_start3A_121 = arith.constant 0 : i32
          %dma_start3A_122 = arith.constant 0 : i32
          %dma_start3A_123 = tpu.memref_slice %arg2[%dma_start3A_121, %dma_start3A_122] : memref<10000x128xf32, #tpu.memory_space<hbm>> -> memref<10000x128xf32, #tpu.memory_space<hbm>>
          tpu.enqueue_indirect_dma source(%dma_start3A_123 : memref<10000x128xf32, #tpu.memory_space<hbm>>) target(%arg13 : memref<40x128xf32, #tpu.memory_space<vmem>>) offsets(%dma_start3A_120 : memref<40xi32, #tpu.memory_space<vmem>>) semaphore(%arg20 : memref<!tpu.dma_semaphore, #tpu.memory_space<semaphore_mem>>)
        } else {
        }
      } else {
      }
      %mul3A_93 = arith.constant 6 : i32
      %mul3A_94 = arith.muli %scan3A_50, %mul3A_93 : i32
      %add3A_95 = arith.constant 5 : i32
      %add3A_96 = arith.addi %mul3A_94, %add3A_95 : i32
      %lt3A_97 = arith.constant 250 : i32
      %lt3A_98 = arith.cmpi slt, %add3A_96, %lt3A_97 : i32
      %convert_element_type3A_99 = arith.extui %lt3A_98 : i1 to i32
      %cond3A_100 = arith.constant 0 : i32
      %cond3A_101 = arith.cmpi ne, %convert_element_type3A_99, %cond3A_100 : i32
      scf.if %cond3A_101 {
        %mul3A_102 = arith.constant 40 : i32
        %mul3A_103 = arith.muli %add3A_96, %mul3A_102 : i32
        %dma_wait3A = tpu.memref_slice %arg7[%mul3A_103] : memref<10000xi32, #tpu.memory_space<vmem>> -> memref<40xi32, #tpu.memory_space<vmem>>
        %dma_wait3A_104 = arith.constant 0 : i32
        %dma_wait3A_105 = arith.constant 0 : i32
        %dma_wait3A_106 = tpu.memref_slice %arg2[%dma_wait3A_104, %dma_wait3A_105] : memref<10000x128xf32, #tpu.memory_space<hbm>> -> memref<10000x128xf32, #tpu.memory_space<hbm>>
        tpu.wait_indirect_dma semaphore(%arg21 : memref<!tpu.dma_semaphore, #tpu.memory_space<semaphore_mem>>) src(%dma_wait3A_106 : memref<10000x128xf32, #tpu.memory_space<hbm>>) dst(%arg14 : memref<40x128xf32, #tpu.memory_space<vmem>>)
        %mul3A_107 = arith.constant 40 : i32
        %mul3A_108 = arith.muli %add3A_96, %mul3A_107 : i32
        "tpu.region"() ({
          %run_scoped3A = tpu.sem_alloc : memref<!tpu.dma_semaphore, #tpu.memory_space<semaphore_mem>>
          %dma_start3A_116 = tpu.memref_slice %arg8[%mul3A_108] : memref<10000xi32, #tpu.memory_space<vmem>> -> memref<40xi32, #tpu.memory_space<vmem>>
          %dma_start3A_117 = arith.constant 0 : i32
          %dma_start3A_118 = arith.constant 0 : i32
          %dma_start3A_119 = tpu.memref_slice %arg15[%dma_start3A_117, %dma_start3A_118] : memref<10000x128xf32, #tpu.memory_space<vmem_shared>> -> memref<10000x128xf32, #tpu.memory_space<vmem_shared>>
          tpu.enqueue_indirect_dma source(%arg14 : memref<40x128xf32, #tpu.memory_space<vmem>>) target(%dma_start3A_119 : memref<10000x128xf32, #tpu.memory_space<vmem_shared>>) offsets(%dma_start3A_116 : memref<40xi32, #tpu.memory_space<vmem>>) semaphore(%run_scoped3A : memref<!tpu.dma_semaphore, #tpu.memory_space<semaphore_mem>>) {add = true}
          %dma_wait3A_120 = tpu.memref_slice %arg8[%mul3A_108] : memref<10000xi32, #tpu.memory_space<vmem>> -> memref<40xi32, #tpu.memory_space<vmem>>
          %dma_wait3A_121 = arith.constant 0 : i32
          %dma_wait3A_122 = arith.constant 0 : i32
          %dma_wait3A_123 = tpu.memref_slice %arg15[%dma_wait3A_121, %dma_wait3A_122] : memref<10000x128xf32, #tpu.memory_space<vmem_shared>> -> memref<10000x128xf32, #tpu.memory_space<vmem_shared>>
          tpu.wait_indirect_dma semaphore(%run_scoped3A : memref<!tpu.dma_semaphore, #tpu.memory_space<semaphore_mem>>) src(%arg14 : memref<40x128xf32, #tpu.memory_space<vmem>>) dst(%dma_wait3A_123 : memref<10000x128xf32, #tpu.memory_space<vmem_shared>>)
          tpu.yield
        }) : () -> ()
        %add3A_109 = arith.constant 6 : i32
        %add3A_110 = arith.addi %add3A_96, %add3A_109 : i32
        %lt3A_111 = arith.constant 250 : i32
        %lt3A_112 = arith.cmpi slt, %add3A_110, %lt3A_111 : i32
        %convert_element_type3A_113 = arith.extui %lt3A_112 : i1 to i32
        %cond3A_114 = arith.constant 0 : i32
        %cond3A_115 = arith.cmpi ne, %convert_element_type3A_113, %cond3A_114 : i32
        scf.if %cond3A_115 {
          %add3A_116 = arith.constant 6 : i32
          %add3A_117 = arith.addi %add3A_96, %add3A_116 : i32
          %mul3A_118 = arith.constant 40 : i32
          %mul3A_119 = arith.muli %add3A_117, %mul3A_118 : i32
          %dma_start3A_120 = tpu.memref_slice %arg7[%mul3A_119] : memref<10000xi32, #tpu.memory_space<vmem>> -> memref<40xi32, #tpu.memory_space<vmem>>
          %dma_start3A_121 = arith.constant 0 : i32
          %dma_start3A_122 = arith.constant 0 : i32
          %dma_start3A_123 = tpu.memref_slice %arg2[%dma_start3A_121, %dma_start3A_122] : memref<10000x128xf32, #tpu.memory_space<hbm>> -> memref<10000x128xf32, #tpu.memory_space<hbm>>
          tpu.enqueue_indirect_dma source(%dma_start3A_123 : memref<10000x128xf32, #tpu.memory_space<hbm>>) target(%arg14 : memref<40x128xf32, #tpu.memory_space<vmem>>) offsets(%dma_start3A_120 : memref<40xi32, #tpu.memory_space<vmem>>) semaphore(%arg21 : memref<!tpu.dma_semaphore, #tpu.memory_space<semaphore_mem>>)
        } else {
        }
      } else {
      }
    }
    %scan3A_42 = arith.constant 42 : i32
    %barrier3A_43 = arith.constant 0 : index
    tpu.barrier barrier_id(%barrier3A_43)
    %scan3A_44 = arith.constant 0 : i32
    %scan3A_45 = arith.constant 0 : i32
    %scan3A_46 = arith.constant 8 : i32
    %scan3A_47 = arith.addi %scan3A_45, %scan3A_46 : i32
    %scan3A_48 = arith.constant 1 : i32
    scf.for %scan3A_50 = %scan3A_45 to %scan3A_47 step %scan3A_48  : i32 {
      %mul3A_51 = arith.constant 16 : i32
      %mul3A_52 = arith.muli %scan3A_50, %mul3A_51 : i32
      %add3A_53 = arith.addi %arg1, %mul3A_52 : i32
      %lt3A = arith.constant 125 : i32
      %lt3A_54 = arith.cmpi slt, %add3A_53, %lt3A : i32
      %convert_element_type3A = arith.extui %lt3A_54 : i1 to i32
      %cond3A = arith.constant 0 : i32
      %cond3A_55 = arith.cmpi ne, %convert_element_type3A, %cond3A : i32
      scf.if %cond3A_55 {
        %mul3A_56 = arith.constant 80 : i32
        %mul3A_57 = arith.muli %add3A_53, %mul3A_56 : i32
        %mul3A_58 = arith.constant 80 : i32
        %mul3A_59 = arith.muli %add3A_53, %mul3A_58 : i32
        "tpu.region"() ({
          %run_scoped3A = tpu.sem_alloc : memref<!tpu.dma_semaphore, #tpu.memory_space<semaphore_mem>>
          %dma_start3A_60 = arith.constant 0 : i32
          %dma_start3A_61 = tpu.memref_slice %arg6[%arg0, %mul3A_59, %dma_start3A_60] : memref<2x10000x128xf32, #tpu.memory_space<hbm>> -> memref<1x80x128xf32, #tpu.memory_space<hbm>>
          %dma_start3A_62 = tpu.memref_squeeze %dma_start3A_61 : memref<1x80x128xf32, #tpu.memory_space<hbm>> -> memref<80x128xf32, #tpu.memory_space<hbm>>
          %dma_start3A_63 = arith.constant 0 : i32
          %dma_start3A_64 = tpu.memref_slice %arg15[%mul3A_57, %dma_start3A_63] : memref<10000x128xf32, #tpu.memory_space<vmem_shared>> -> memref<80x128xf32, #tpu.memory_space<vmem_shared>>
          tpu.enqueue_dma source(%dma_start3A_64 : memref<80x128xf32, #tpu.memory_space<vmem_shared>>) target(%dma_start3A_62 : memref<80x128xf32, #tpu.memory_space<hbm>>) target_semaphore(%run_scoped3A : memref<!tpu.dma_semaphore, #tpu.memory_space<semaphore_mem>>)
          %dma_wait3A = arith.constant 0 : i32
          %dma_wait3A_65 = tpu.memref_slice %arg6[%arg0, %mul3A_59, %dma_wait3A] : memref<2x10000x128xf32, #tpu.memory_space<hbm>> -> memref<1x80x128xf32, #tpu.memory_space<hbm>>
          %dma_wait3A_66 = tpu.memref_squeeze %dma_wait3A_65 : memref<1x80x128xf32, #tpu.memory_space<hbm>> -> memref<80x128xf32, #tpu.memory_space<hbm>>
          %dma_wait3A_67 = arith.constant 0 : i32
          %dma_wait3A_68 = tpu.memref_slice %arg15[%mul3A_57, %dma_wait3A_67] : memref<10000x128xf32, #tpu.memory_space<vmem_shared>> -> memref<80x128xf32, #tpu.memory_space<vmem_shared>>
          tpu.wait_dma2 semaphore(%run_scoped3A : memref<!tpu.dma_semaphore, #tpu.memory_space<semaphore_mem>>) src(%dma_wait3A_68 : memref<80x128xf32, #tpu.memory_space<vmem_shared>>) dst(%dma_wait3A_66 : memref<80x128xf32, #tpu.memory_space<hbm>>)
          tpu.yield
        }) : () -> ()
      } else {
      }
    }
    %scan3A_49 = arith.constant 8 : i32
    return
  }
}

#map = affine_map<(d0, d1) -> (0, 0)>
#map1 = affine_map<(d0, d1) -> (0)>
#map2 = affine_map<(d0, d1) -> (0, 0, 0)>
module attributes {stable_mosaic.version = 14 : i64} {
  func.func @_agg_body(%arg0: i32, %arg1: i32, %arg2: memref<10000x128xf32, #tpu.memory_space<hbm>>, %arg3: memref<320000xi32, #tpu.memory_space<hbm>>, %arg4: memref<320000xi32, #tpu.memory_space<hbm>>, %arg5: memref<10000x128xf32, #tpu.memory_space<hbm>>, %arg6: memref<2x10000x128xf32, #tpu.memory_space<hbm>>, %arg7: memref<10000xi32, #tpu.memory_space<vmem>>, %arg8: memref<10000xi32, #tpu.memory_space<vmem>>, %arg9: memref<40x128xf32, #tpu.memory_space<vmem>>, %arg10: memref<40x128xf32, #tpu.memory_space<vmem>>, %arg11: memref<40x128xf32, #tpu.memory_space<vmem>>, %arg12: memref<40x128xf32, #tpu.memory_space<vmem>>, %arg13: memref<40x128xf32, #tpu.memory_space<vmem>>, %arg14: memref<40x128xf32, #tpu.memory_space<vmem>>, %arg15: memref<10000x128xf32, #tpu.memory_space<vmem_shared>>, %arg16: memref<!tpu.dma_semaphore, #tpu.memory_space<semaphore_mem>>, %arg17: memref<!tpu.dma_semaphore, #tpu.memory_space<semaphore_mem>>, %arg18: memref<!tpu.dma_semaphore, #tpu.memory_space<semaphore_mem>>, %arg19: memref<!tpu.dma_semaphore, #tpu.memory_space<semaphore_mem>>, %arg20: memref<!tpu.dma_semaphore, #tpu.memory_space<semaphore_mem>>, %arg21: memref<!tpu.dma_semaphore, #tpu.memory_space<semaphore_mem>>) attributes {dimension_semantics = [#tpu.dimension_semantics<core_parallel>, #tpu.dimension_semantics<subcore_parallel>], iteration_bounds = array<i64: 2, 16>, scalar_prefetch = 0 : i64, scratch_operands = 15 : i64, tpu.core_type = #tpu.core_type<sc_vector_subcore>, window_params = [{transform_indices = #map}, {transform_indices = #map1}, {transform_indices = #map1}, {transform_indices = #map}, {transform_indices = #map2}]} {
    %mul3A = arith.constant 2 : i32
    %mul3A_0 = arith.muli %arg1, %mul3A : i32
    %add3A = arith.addi %mul3A_0, %arg0 : i32
    %mul3A_1 = arith.constant 10000 : i32
    %mul3A_2 = arith.muli %add3A, %mul3A_1 : i32
    "tpu.region"() ({
      %run_scoped3A = tpu.sem_alloc : memref<!tpu.dma_semaphore, #tpu.memory_space<semaphore_mem>>
      %dma_start3A_50 = tpu.memref_slice %arg3[%mul3A_2] : memref<320000xi32, #tpu.memory_space<hbm>> -> memref<10000xi32, #tpu.memory_space<hbm>>
      %dma_start3A_51 = tpu.memref_slice %arg3[%mul3A_2] : memref<320000xi32, #tpu.memory_space<hbm>> -> memref<10000xi32, #tpu.memory_space<hbm>>
      tpu.enqueue_dma source(%dma_start3A_51 : memref<10000xi32, #tpu.memory_space<hbm>>) target(%arg7 : memref<10000xi32, #tpu.memory_space<vmem>>) target_semaphore(%run_scoped3A : memref<!tpu.dma_semaphore, #tpu.memory_space<semaphore_mem>>)
      %dma_wait3A = tpu.memref_slice %arg3[%mul3A_2] : memref<320000xi32, #tpu.memory_space<hbm>> -> memref<10000xi32, #tpu.memory_space<hbm>>
      %dma_wait3A_52 = tpu.memref_slice %arg3[%mul3A_2] : memref<320000xi32, #tpu.memory_space<hbm>> -> memref<10000xi32, #tpu.memory_space<hbm>>
      tpu.wait_dma2 semaphore(%run_scoped3A : memref<!tpu.dma_semaphore, #tpu.memory_space<semaphore_mem>>) src(%dma_wait3A_52 : memref<10000xi32, #tpu.memory_space<hbm>>) dst(%arg7 : memref<10000xi32, #tpu.memory_space<vmem>>)
      tpu.yield
    }) : () -> ()
    "tpu.region"() ({
      %run_scoped3A = tpu.sem_alloc : memref<!tpu.dma_semaphore, #tpu.memory_space<semaphore_mem>>
      %dma_start3A_50 = tpu.memref_slice %arg4[%mul3A_2] : memref<320000xi32, #tpu.memory_space<hbm>> -> memref<10000xi32, #tpu.memory_space<hbm>>
      %dma_start3A_51 = tpu.memref_slice %arg4[%mul3A_2] : memref<320000xi32, #tpu.memory_space<hbm>> -> memref<10000xi32, #tpu.memory_space<hbm>>
      tpu.enqueue_dma source(%dma_start3A_51 : memref<10000xi32, #tpu.memory_space<hbm>>) target(%arg8 : memref<10000xi32, #tpu.memory_space<vmem>>) target_semaphore(%run_scoped3A : memref<!tpu.dma_semaphore, #tpu.memory_space<semaphore_mem>>)
      %dma_wait3A = tpu.memref_slice %arg4[%mul3A_2] : memref<320000xi32, #tpu.memory_space<hbm>> -> memref<10000xi32, #tpu.memory_space<hbm>>
      %dma_wait3A_52 = tpu.memref_slice %arg4[%mul3A_2] : memref<320000xi32, #tpu.memory_space<hbm>> -> memref<10000xi32, #tpu.memory_space<hbm>>
      tpu.wait_dma2 semaphore(%run_scoped3A : memref<!tpu.dma_semaphore, #tpu.memory_space<semaphore_mem>>) src(%dma_wait3A_52 : memref<10000xi32, #tpu.memory_space<hbm>>) dst(%arg8 : memref<10000xi32, #tpu.memory_space<vmem>>)
      tpu.yield
    }) : () -> ()
    %scan3A = arith.constant 0 : i32
    %scan3A_3 = arith.constant 0 : i32
    %scan3A_4 = arith.constant 8 : i32
    %scan3A_5 = arith.addi %scan3A_3, %scan3A_4 : i32
    %scan3A_6 = arith.constant 1 : i32
    scf.for %scan3A_50 = %scan3A_3 to %scan3A_5 step %scan3A_6  : i32 {
      %mul3A_51 = arith.constant 16 : i32
      %mul3A_52 = arith.muli %scan3A_50, %mul3A_51 : i32
      %add3A_53 = arith.addi %arg1, %mul3A_52 : i32
      %lt3A = arith.constant 125 : i32
      %lt3A_54 = arith.cmpi slt, %add3A_53, %lt3A : i32
      %convert_element_type3A = arith.extui %lt3A_54 : i1 to i32
      %cond3A = arith.constant 0 : i32
      %cond3A_55 = arith.cmpi ne, %convert_element_type3A, %cond3A : i32
      scf.if %cond3A_55 {
        %mul3A_56 = arith.constant 80 : i32
        %mul3A_57 = arith.muli %add3A_53, %mul3A_56 : i32
        %mul3A_58 = arith.constant 80 : i32
        %mul3A_59 = arith.muli %add3A_53, %mul3A_58 : i32
        "tpu.region"() ({
          %run_scoped3A = tpu.sem_alloc : memref<!tpu.dma_semaphore, #tpu.memory_space<semaphore_mem>>
          %dma_start3A_60 = arith.constant 0 : i32
          %dma_start3A_61 = tpu.memref_slice %arg15[%mul3A_59, %dma_start3A_60] : memref<10000x128xf32, #tpu.memory_space<vmem_shared>> -> memref<80x128xf32, #tpu.memory_space<vmem_shared>>
          %dma_start3A_62 = arith.constant 0 : i32
          %dma_start3A_63 = tpu.memref_slice %arg5[%mul3A_57, %dma_start3A_62] : memref<10000x128xf32, #tpu.memory_space<hbm>> -> memref<80x128xf32, #tpu.memory_space<hbm>>
          tpu.enqueue_dma source(%dma_start3A_63 : memref<80x128xf32, #tpu.memory_space<hbm>>) target(%dma_start3A_61 : memref<80x128xf32, #tpu.memory_space<vmem_shared>>) target_semaphore(%run_scoped3A : memref<!tpu.dma_semaphore, #tpu.memory_space<semaphore_mem>>)
          %dma_wait3A = arith.constant 0 : i32
          %dma_wait3A_64 = tpu.memref_slice %arg15[%mul3A_59, %dma_wait3A] : memref<10000x128xf32, #tpu.memory_space<vmem_shared>> -> memref<80x128xf32, #tpu.memory_space<vmem_shared>>
          %dma_wait3A_65 = arith.constant 0 : i32
          %dma_wait3A_66 = tpu.memref_slice %arg5[%mul3A_57, %dma_wait3A_65] : memref<10000x128xf32, #tpu.memory_space<hbm>> -> memref<80x128xf32, #tpu.memory_space<hbm>>
          tpu.wait_dma2 semaphore(%run_scoped3A : memref<!tpu.dma_semaphore, #tpu.memory_space<semaphore_mem>>) src(%dma_wait3A_66 : memref<80x128xf32, #tpu.memory_space<hbm>>) dst(%dma_wait3A_64 : memref<80x128xf32, #tpu.memory_space<vmem_shared>>)
          tpu.yield
        }) : () -> ()
      } else {
      }
    }
    %scan3A_7 = arith.constant 8 : i32
    %dma_start3A = arith.constant 0 : i32
    %dma_start3A_8 = tpu.memref_slice %arg7[%dma_start3A] : memref<10000xi32, #tpu.memory_space<vmem>> -> memref<40xi32, #tpu.memory_space<vmem>>
    %dma_start3A_9 = arith.constant 0 : i32
    %dma_start3A_10 = arith.constant 0 : i32
    %dma_start3A_11 = tpu.memref_slice %arg2[%dma_start3A_9, %dma_start3A_10] : memref<10000x128xf32, #tpu.memory_space<hbm>> -> memref<10000x128xf32, #tpu.memory_space<hbm>>
    tpu.enqueue_indirect_dma source(%dma_start3A_11 : memref<10000x128xf32, #tpu.memory_space<hbm>>) target(%arg9 : memref<40x128xf32, #tpu.memory_space<vmem>>) offsets(%dma_start3A_8 : memref<40xi32, #tpu.memory_space<vmem>>) semaphore(%arg16 : memref<!tpu.dma_semaphore, #tpu.memory_space<semaphore_mem>>)
    %dma_start3A_12 = arith.constant 40 : i32
    %dma_start3A_13 = tpu.memref_slice %arg7[%dma_start3A_12] : memref<10000xi32, #tpu.memory_space<vmem>> -> memref<40xi32, #tpu.memory_space<vmem>>
    %dma_start3A_14 = arith.constant 0 : i32
    %dma_start3A_15 = arith.constant 0 : i32
    %dma_start3A_16 = tpu.memref_slice %arg2[%dma_start3A_14, %dma_start3A_15] : memref<10000x128xf32, #tpu.memory_space<hbm>> -> memref<10000x128xf32, #tpu.memory_space<hbm>>
    tpu.enqueue_indirect_dma source(%dma_start3A_16 : memref<10000x128xf32, #tpu.memory_space<hbm>>) target(%arg10 : memref<40x128xf32, #tpu.memory_space<vmem>>) offsets(%dma_start3A_13 : memref<40xi32, #tpu.memory_space<vmem>>) semaphore(%arg17 : memref<!tpu.dma_semaphore, #tpu.memory_space<semaphore_mem>>)
    %dma_start3A_17 = arith.constant 80 : i32
    %dma_start3A_18 = tpu.memref_slice %arg7[%dma_start3A_17] : memref<10000xi32, #tpu.memory_space<vmem>> -> memref<40xi32, #tpu.memory_space<vmem>>
    %dma_start3A_19 = arith.constant 0 : i32
    %dma_start3A_20 = arith.constant 0 : i32
    %dma_start3A_21 = tpu.memref_slice %arg2[%dma_start3A_19, %dma_start3A_20] : memref<10000x128xf32, #tpu.memory_space<hbm>> -> memref<10000x128xf32, #tpu.memory_space<hbm>>
    tpu.enqueue_indirect_dma source(%dma_start3A_21 : memref<10000x128xf32, #tpu.memory_space<hbm>>) target(%arg11 : memref<40x128xf32, #tpu.memory_space<vmem>>) offsets(%dma_start3A_18 : memref<40xi32, #tpu.memory_space<vmem>>) semaphore(%arg18 : memref<!tpu.dma_semaphore, #tpu.memory_space<semaphore_mem>>)
    %dma_start3A_22 = arith.constant 120 : i32
    %dma_start3A_23 = tpu.memref_slice %arg7[%dma_start3A_22] : memref<10000xi32, #tpu.memory_space<vmem>> -> memref<40xi32, #tpu.memory_space<vmem>>
    %dma_start3A_24 = arith.constant 0 : i32
    %dma_start3A_25 = arith.constant 0 : i32
    %dma_start3A_26 = tpu.memref_slice %arg2[%dma_start3A_24, %dma_start3A_25] : memref<10000x128xf32, #tpu.memory_space<hbm>> -> memref<10000x128xf32, #tpu.memory_space<hbm>>
    tpu.enqueue_indirect_dma source(%dma_start3A_26 : memref<10000x128xf32, #tpu.memory_space<hbm>>) target(%arg12 : memref<40x128xf32, #tpu.memory_space<vmem>>) offsets(%dma_start3A_23 : memref<40xi32, #tpu.memory_space<vmem>>) semaphore(%arg19 : memref<!tpu.dma_semaphore, #tpu.memory_space<semaphore_mem>>)
    %dma_start3A_27 = arith.constant 160 : i32
    %dma_start3A_28 = tpu.memref_slice %arg7[%dma_start3A_27] : memref<10000xi32, #tpu.memory_space<vmem>> -> memref<40xi32, #tpu.memory_space<vmem>>
    %dma_start3A_29 = arith.constant 0 : i32
    %dma_start3A_30 = arith.constant 0 : i32
    %dma_start3A_31 = tpu.memref_slice %arg2[%dma_start3A_29, %dma_start3A_30] : memref<10000x128xf32, #tpu.memory_space<hbm>> -> memref<10000x128xf32, #tpu.memory_space<hbm>>
    tpu.enqueue_indirect_dma source(%dma_start3A_31 : memref<10000x128xf32, #tpu.memory_space<hbm>>) target(%arg13 : memref<40x128xf32, #tpu.memory_space<vmem>>) offsets(%dma_start3A_28 : memref<40xi32, #tpu.memory_space<vmem>>) semaphore(%arg20 : memref<!tpu.dma_semaphore, #tpu.memory_space<semaphore_mem>>)
    %dma_start3A_32 = arith.constant 200 : i32
    %dma_start3A_33 = tpu.memref_slice %arg7[%dma_start3A_32] : memref<10000xi32, #tpu.memory_space<vmem>> -> memref<40xi32, #tpu.memory_space<vmem>>
    %dma_start3A_34 = arith.constant 0 : i32
    %dma_start3A_35 = arith.constant 0 : i32
    %dma_start3A_36 = tpu.memref_slice %arg2[%dma_start3A_34, %dma_start3A_35] : memref<10000x128xf32, #tpu.memory_space<hbm>> -> memref<10000x128xf32, #tpu.memory_space<hbm>>
    tpu.enqueue_indirect_dma source(%dma_start3A_36 : memref<10000x128xf32, #tpu.memory_space<hbm>>) target(%arg14 : memref<40x128xf32, #tpu.memory_space<vmem>>) offsets(%dma_start3A_33 : memref<40xi32, #tpu.memory_space<vmem>>) semaphore(%arg21 : memref<!tpu.dma_semaphore, #tpu.memory_space<semaphore_mem>>)
    %barrier3A = arith.constant 0 : index
    tpu.barrier barrier_id(%barrier3A)
    %scan3A_37 = arith.constant 0 : i32
    %scan3A_38 = arith.constant 0 : i32
    %scan3A_39 = arith.constant 42 : i32
    %scan3A_40 = arith.addi %scan3A_38, %scan3A_39 : i32
    %scan3A_41 = arith.constant 1 : i32
    scf.for %scan3A_50 = %scan3A_38 to %scan3A_40 step %scan3A_41  : i32 {
      %mul3A_51 = arith.constant 6 : i32
      %mul3A_52 = arith.muli %scan3A_50, %mul3A_51 : i32
      %add3A_53 = arith.constant 0 : i32
      %add3A_54 = arith.addi %mul3A_52, %add3A_53 : i32
      %lt3A = arith.constant 250 : i32
      %lt3A_55 = arith.cmpi slt, %add3A_54, %lt3A : i32
      %convert_element_type3A = arith.extui %lt3A_55 : i1 to i32
      %cond3A = arith.constant 0 : i32
      %cond3A_56 = arith.cmpi ne, %convert_element_type3A, %cond3A : i32
      scf.if %cond3A_56 {
        %mul3A_102 = arith.constant 40 : i32
        %mul3A_103 = arith.muli %add3A_54, %mul3A_102 : i32
        %dma_wait3A = tpu.memref_slice %arg7[%mul3A_103] : memref<10000xi32, #tpu.memory_space<vmem>> -> memref<40xi32, #tpu.memory_space<vmem>>
        %dma_wait3A_104 = arith.constant 0 : i32
        %dma_wait3A_105 = arith.constant 0 : i32
        %dma_wait3A_106 = tpu.memref_slice %arg2[%dma_wait3A_104, %dma_wait3A_105] : memref<10000x128xf32, #tpu.memory_space<hbm>> -> memref<10000x128xf32, #tpu.memory_space<hbm>>
        tpu.wait_indirect_dma semaphore(%arg16 : memref<!tpu.dma_semaphore, #tpu.memory_space<semaphore_mem>>) src(%dma_wait3A_106 : memref<10000x128xf32, #tpu.memory_space<hbm>>) dst(%arg9 : memref<40x128xf32, #tpu.memory_space<vmem>>)
        %mul3A_107 = arith.constant 40 : i32
        %mul3A_108 = arith.muli %add3A_54, %mul3A_107 : i32
        "tpu.region"() ({
          %run_scoped3A = tpu.sem_alloc : memref<!tpu.dma_semaphore, #tpu.memory_space<semaphore_mem>>
          %dma_start3A_116 = tpu.memref_slice %arg8[%mul3A_108] : memref<10000xi32, #tpu.memory_space<vmem>> -> memref<40xi32, #tpu.memory_space<vmem>>
          %dma_start3A_117 = arith.constant 0 : i32
          %dma_start3A_118 = arith.constant 0 : i32
          %dma_start3A_119 = tpu.memref_slice %arg15[%dma_start3A_117, %dma_start3A_118] : memref<10000x128xf32, #tpu.memory_space<vmem_shared>> -> memref<10000x128xf32, #tpu.memory_space<vmem_shared>>
          tpu.enqueue_indirect_dma source(%arg9 : memref<40x128xf32, #tpu.memory_space<vmem>>) target(%dma_start3A_119 : memref<10000x128xf32, #tpu.memory_space<vmem_shared>>) offsets(%dma_start3A_116 : memref<40xi32, #tpu.memory_space<vmem>>) semaphore(%run_scoped3A : memref<!tpu.dma_semaphore, #tpu.memory_space<semaphore_mem>>) {add = true}
          %dma_wait3A_120 = tpu.memref_slice %arg8[%mul3A_108] : memref<10000xi32, #tpu.memory_space<vmem>> -> memref<40xi32, #tpu.memory_space<vmem>>
          %dma_wait3A_121 = arith.constant 0 : i32
          %dma_wait3A_122 = arith.constant 0 : i32
          %dma_wait3A_123 = tpu.memref_slice %arg15[%dma_wait3A_121, %dma_wait3A_122] : memref<10000x128xf32, #tpu.memory_space<vmem_shared>> -> memref<10000x128xf32, #tpu.memory_space<vmem_shared>>
          tpu.wait_indirect_dma semaphore(%run_scoped3A : memref<!tpu.dma_semaphore, #tpu.memory_space<semaphore_mem>>) src(%arg9 : memref<40x128xf32, #tpu.memory_space<vmem>>) dst(%dma_wait3A_123 : memref<10000x128xf32, #tpu.memory_space<vmem_shared>>)
          tpu.yield
        }) : () -> ()
        %add3A_109 = arith.constant 6 : i32
        %add3A_110 = arith.addi %add3A_54, %add3A_109 : i32
        %lt3A_111 = arith.constant 250 : i32
        %lt3A_112 = arith.cmpi slt, %add3A_110, %lt3A_111 : i32
        %convert_element_type3A_113 = arith.extui %lt3A_112 : i1 to i32
        %cond3A_114 = arith.constant 0 : i32
        %cond3A_115 = arith.cmpi ne, %convert_element_type3A_113, %cond3A_114 : i32
        scf.if %cond3A_115 {
          %add3A_116 = arith.constant 6 : i32
          %add3A_117 = arith.addi %add3A_54, %add3A_116 : i32
          %mul3A_118 = arith.constant 40 : i32
          %mul3A_119 = arith.muli %add3A_117, %mul3A_118 : i32
          %dma_start3A_120 = tpu.memref_slice %arg7[%mul3A_119] : memref<10000xi32, #tpu.memory_space<vmem>> -> memref<40xi32, #tpu.memory_space<vmem>>
          %dma_start3A_121 = arith.constant 0 : i32
          %dma_start3A_122 = arith.constant 0 : i32
          %dma_start3A_123 = tpu.memref_slice %arg2[%dma_start3A_121, %dma_start3A_122] : memref<10000x128xf32, #tpu.memory_space<hbm>> -> memref<10000x128xf32, #tpu.memory_space<hbm>>
          tpu.enqueue_indirect_dma source(%dma_start3A_123 : memref<10000x128xf32, #tpu.memory_space<hbm>>) target(%arg9 : memref<40x128xf32, #tpu.memory_space<vmem>>) offsets(%dma_start3A_120 : memref<40xi32, #tpu.memory_space<vmem>>) semaphore(%arg16 : memref<!tpu.dma_semaphore, #tpu.memory_space<semaphore_mem>>)
        } else {
        }
      } else {
      }
      %mul3A_57 = arith.constant 6 : i32
      %mul3A_58 = arith.muli %scan3A_50, %mul3A_57 : i32
      %add3A_59 = arith.constant 1 : i32
      %add3A_60 = arith.addi %mul3A_58, %add3A_59 : i32
      %lt3A_61 = arith.constant 250 : i32
      %lt3A_62 = arith.cmpi slt, %add3A_60, %lt3A_61 : i32
      %convert_element_type3A_63 = arith.extui %lt3A_62 : i1 to i32
      %cond3A_64 = arith.constant 0 : i32
      %cond3A_65 = arith.cmpi ne, %convert_element_type3A_63, %cond3A_64 : i32
      scf.if %cond3A_65 {
        %mul3A_102 = arith.constant 40 : i32
        %mul3A_103 = arith.muli %add3A_60, %mul3A_102 : i32
        %dma_wait3A = tpu.memref_slice %arg7[%mul3A_103] : memref<10000xi32, #tpu.memory_space<vmem>> -> memref<40xi32, #tpu.memory_space<vmem>>
        %dma_wait3A_104 = arith.constant 0 : i32
        %dma_wait3A_105 = arith.constant 0 : i32
        %dma_wait3A_106 = tpu.memref_slice %arg2[%dma_wait3A_104, %dma_wait3A_105] : memref<10000x128xf32, #tpu.memory_space<hbm>> -> memref<10000x128xf32, #tpu.memory_space<hbm>>
        tpu.wait_indirect_dma semaphore(%arg17 : memref<!tpu.dma_semaphore, #tpu.memory_space<semaphore_mem>>) src(%dma_wait3A_106 : memref<10000x128xf32, #tpu.memory_space<hbm>>) dst(%arg10 : memref<40x128xf32, #tpu.memory_space<vmem>>)
        %mul3A_107 = arith.constant 40 : i32
        %mul3A_108 = arith.muli %add3A_60, %mul3A_107 : i32
        "tpu.region"() ({
          %run_scoped3A = tpu.sem_alloc : memref<!tpu.dma_semaphore, #tpu.memory_space<semaphore_mem>>
          %dma_start3A_116 = tpu.memref_slice %arg8[%mul3A_108] : memref<10000xi32, #tpu.memory_space<vmem>> -> memref<40xi32, #tpu.memory_space<vmem>>
          %dma_start3A_117 = arith.constant 0 : i32
          %dma_start3A_118 = arith.constant 0 : i32
          %dma_start3A_119 = tpu.memref_slice %arg15[%dma_start3A_117, %dma_start3A_118] : memref<10000x128xf32, #tpu.memory_space<vmem_shared>> -> memref<10000x128xf32, #tpu.memory_space<vmem_shared>>
          tpu.enqueue_indirect_dma source(%arg10 : memref<40x128xf32, #tpu.memory_space<vmem>>) target(%dma_start3A_119 : memref<10000x128xf32, #tpu.memory_space<vmem_shared>>) offsets(%dma_start3A_116 : memref<40xi32, #tpu.memory_space<vmem>>) semaphore(%run_scoped3A : memref<!tpu.dma_semaphore, #tpu.memory_space<semaphore_mem>>) {add = true}
          %dma_wait3A_120 = tpu.memref_slice %arg8[%mul3A_108] : memref<10000xi32, #tpu.memory_space<vmem>> -> memref<40xi32, #tpu.memory_space<vmem>>
          %dma_wait3A_121 = arith.constant 0 : i32
          %dma_wait3A_122 = arith.constant 0 : i32
          %dma_wait3A_123 = tpu.memref_slice %arg15[%dma_wait3A_121, %dma_wait3A_122] : memref<10000x128xf32, #tpu.memory_space<vmem_shared>> -> memref<10000x128xf32, #tpu.memory_space<vmem_shared>>
          tpu.wait_indirect_dma semaphore(%run_scoped3A : memref<!tpu.dma_semaphore, #tpu.memory_space<semaphore_mem>>) src(%arg10 : memref<40x128xf32, #tpu.memory_space<vmem>>) dst(%dma_wait3A_123 : memref<10000x128xf32, #tpu.memory_space<vmem_shared>>)
          tpu.yield
        }) : () -> ()
        %add3A_109 = arith.constant 6 : i32
        %add3A_110 = arith.addi %add3A_60, %add3A_109 : i32
        %lt3A_111 = arith.constant 250 : i32
        %lt3A_112 = arith.cmpi slt, %add3A_110, %lt3A_111 : i32
        %convert_element_type3A_113 = arith.extui %lt3A_112 : i1 to i32
        %cond3A_114 = arith.constant 0 : i32
        %cond3A_115 = arith.cmpi ne, %convert_element_type3A_113, %cond3A_114 : i32
        scf.if %cond3A_115 {
          %add3A_116 = arith.constant 6 : i32
          %add3A_117 = arith.addi %add3A_60, %add3A_116 : i32
          %mul3A_118 = arith.constant 40 : i32
          %mul3A_119 = arith.muli %add3A_117, %mul3A_118 : i32
          %dma_start3A_120 = tpu.memref_slice %arg7[%mul3A_119] : memref<10000xi32, #tpu.memory_space<vmem>> -> memref<40xi32, #tpu.memory_space<vmem>>
          %dma_start3A_121 = arith.constant 0 : i32
          %dma_start3A_122 = arith.constant 0 : i32
          %dma_start3A_123 = tpu.memref_slice %arg2[%dma_start3A_121, %dma_start3A_122] : memref<10000x128xf32, #tpu.memory_space<hbm>> -> memref<10000x128xf32, #tpu.memory_space<hbm>>
          tpu.enqueue_indirect_dma source(%dma_start3A_123 : memref<10000x128xf32, #tpu.memory_space<hbm>>) target(%arg10 : memref<40x128xf32, #tpu.memory_space<vmem>>) offsets(%dma_start3A_120 : memref<40xi32, #tpu.memory_space<vmem>>) semaphore(%arg17 : memref<!tpu.dma_semaphore, #tpu.memory_space<semaphore_mem>>)
        } else {
        }
      } else {
      }
      %mul3A_66 = arith.constant 6 : i32
      %mul3A_67 = arith.muli %scan3A_50, %mul3A_66 : i32
      %add3A_68 = arith.constant 2 : i32
      %add3A_69 = arith.addi %mul3A_67, %add3A_68 : i32
      %lt3A_70 = arith.constant 250 : i32
      %lt3A_71 = arith.cmpi slt, %add3A_69, %lt3A_70 : i32
      %convert_element_type3A_72 = arith.extui %lt3A_71 : i1 to i32
      %cond3A_73 = arith.constant 0 : i32
      %cond3A_74 = arith.cmpi ne, %convert_element_type3A_72, %cond3A_73 : i32
      scf.if %cond3A_74 {
        %mul3A_102 = arith.constant 40 : i32
        %mul3A_103 = arith.muli %add3A_69, %mul3A_102 : i32
        %dma_wait3A = tpu.memref_slice %arg7[%mul3A_103] : memref<10000xi32, #tpu.memory_space<vmem>> -> memref<40xi32, #tpu.memory_space<vmem>>
        %dma_wait3A_104 = arith.constant 0 : i32
        %dma_wait3A_105 = arith.constant 0 : i32
        %dma_wait3A_106 = tpu.memref_slice %arg2[%dma_wait3A_104, %dma_wait3A_105] : memref<10000x128xf32, #tpu.memory_space<hbm>> -> memref<10000x128xf32, #tpu.memory_space<hbm>>
        tpu.wait_indirect_dma semaphore(%arg18 : memref<!tpu.dma_semaphore, #tpu.memory_space<semaphore_mem>>) src(%dma_wait3A_106 : memref<10000x128xf32, #tpu.memory_space<hbm>>) dst(%arg11 : memref<40x128xf32, #tpu.memory_space<vmem>>)
        %mul3A_107 = arith.constant 40 : i32
        %mul3A_108 = arith.muli %add3A_69, %mul3A_107 : i32
        "tpu.region"() ({
          %run_scoped3A = tpu.sem_alloc : memref<!tpu.dma_semaphore, #tpu.memory_space<semaphore_mem>>
          %dma_start3A_116 = tpu.memref_slice %arg8[%mul3A_108] : memref<10000xi32, #tpu.memory_space<vmem>> -> memref<40xi32, #tpu.memory_space<vmem>>
          %dma_start3A_117 = arith.constant 0 : i32
          %dma_start3A_118 = arith.constant 0 : i32
          %dma_start3A_119 = tpu.memref_slice %arg15[%dma_start3A_117, %dma_start3A_118] : memref<10000x128xf32, #tpu.memory_space<vmem_shared>> -> memref<10000x128xf32, #tpu.memory_space<vmem_shared>>
          tpu.enqueue_indirect_dma source(%arg11 : memref<40x128xf32, #tpu.memory_space<vmem>>) target(%dma_start3A_119 : memref<10000x128xf32, #tpu.memory_space<vmem_shared>>) offsets(%dma_start3A_116 : memref<40xi32, #tpu.memory_space<vmem>>) semaphore(%run_scoped3A : memref<!tpu.dma_semaphore, #tpu.memory_space<semaphore_mem>>) {add = true}
          %dma_wait3A_120 = tpu.memref_slice %arg8[%mul3A_108] : memref<10000xi32, #tpu.memory_space<vmem>> -> memref<40xi32, #tpu.memory_space<vmem>>
          %dma_wait3A_121 = arith.constant 0 : i32
          %dma_wait3A_122 = arith.constant 0 : i32
          %dma_wait3A_123 = tpu.memref_slice %arg15[%dma_wait3A_121, %dma_wait3A_122] : memref<10000x128xf32, #tpu.memory_space<vmem_shared>> -> memref<10000x128xf32, #tpu.memory_space<vmem_shared>>
          tpu.wait_indirect_dma semaphore(%run_scoped3A : memref<!tpu.dma_semaphore, #tpu.memory_space<semaphore_mem>>) src(%arg11 : memref<40x128xf32, #tpu.memory_space<vmem>>) dst(%dma_wait3A_123 : memref<10000x128xf32, #tpu.memory_space<vmem_shared>>)
          tpu.yield
        }) : () -> ()
        %add3A_109 = arith.constant 6 : i32
        %add3A_110 = arith.addi %add3A_69, %add3A_109 : i32
        %lt3A_111 = arith.constant 250 : i32
        %lt3A_112 = arith.cmpi slt, %add3A_110, %lt3A_111 : i32
        %convert_element_type3A_113 = arith.extui %lt3A_112 : i1 to i32
        %cond3A_114 = arith.constant 0 : i32
        %cond3A_115 = arith.cmpi ne, %convert_element_type3A_113, %cond3A_114 : i32
        scf.if %cond3A_115 {
          %add3A_116 = arith.constant 6 : i32
          %add3A_117 = arith.addi %add3A_69, %add3A_116 : i32
          %mul3A_118 = arith.constant 40 : i32
          %mul3A_119 = arith.muli %add3A_117, %mul3A_118 : i32
          %dma_start3A_120 = tpu.memref_slice %arg7[%mul3A_119] : memref<10000xi32, #tpu.memory_space<vmem>> -> memref<40xi32, #tpu.memory_space<vmem>>
          %dma_start3A_121 = arith.constant 0 : i32
          %dma_start3A_122 = arith.constant 0 : i32
          %dma_start3A_123 = tpu.memref_slice %arg2[%dma_start3A_121, %dma_start3A_122] : memref<10000x128xf32, #tpu.memory_space<hbm>> -> memref<10000x128xf32, #tpu.memory_space<hbm>>
          tpu.enqueue_indirect_dma source(%dma_start3A_123 : memref<10000x128xf32, #tpu.memory_space<hbm>>) target(%arg11 : memref<40x128xf32, #tpu.memory_space<vmem>>) offsets(%dma_start3A_120 : memref<40xi32, #tpu.memory_space<vmem>>) semaphore(%arg18 : memref<!tpu.dma_semaphore, #tpu.memory_space<semaphore_mem>>)
        } else {
        }
      } else {
      }
      %mul3A_75 = arith.constant 6 : i32
      %mul3A_76 = arith.muli %scan3A_50, %mul3A_75 : i32
      %add3A_77 = arith.constant 3 : i32
      %add3A_78 = arith.addi %mul3A_76, %add3A_77 : i32
      %lt3A_79 = arith.constant 250 : i32
      %lt3A_80 = arith.cmpi slt, %add3A_78, %lt3A_79 : i32
      %convert_element_type3A_81 = arith.extui %lt3A_80 : i1 to i32
      %cond3A_82 = arith.constant 0 : i32
      %cond3A_83 = arith.cmpi ne, %convert_element_type3A_81, %cond3A_82 : i32
      scf.if %cond3A_83 {
        %mul3A_102 = arith.constant 40 : i32
        %mul3A_103 = arith.muli %add3A_78, %mul3A_102 : i32
        %dma_wait3A = tpu.memref_slice %arg7[%mul3A_103] : memref<10000xi32, #tpu.memory_space<vmem>> -> memref<40xi32, #tpu.memory_space<vmem>>
        %dma_wait3A_104 = arith.constant 0 : i32
        %dma_wait3A_105 = arith.constant 0 : i32
        %dma_wait3A_106 = tpu.memref_slice %arg2[%dma_wait3A_104, %dma_wait3A_105] : memref<10000x128xf32, #tpu.memory_space<hbm>> -> memref<10000x128xf32, #tpu.memory_space<hbm>>
        tpu.wait_indirect_dma semaphore(%arg19 : memref<!tpu.dma_semaphore, #tpu.memory_space<semaphore_mem>>) src(%dma_wait3A_106 : memref<10000x128xf32, #tpu.memory_space<hbm>>) dst(%arg12 : memref<40x128xf32, #tpu.memory_space<vmem>>)
        %mul3A_107 = arith.constant 40 : i32
        %mul3A_108 = arith.muli %add3A_78, %mul3A_107 : i32
        "tpu.region"() ({
          %run_scoped3A = tpu.sem_alloc : memref<!tpu.dma_semaphore, #tpu.memory_space<semaphore_mem>>
          %dma_start3A_116 = tpu.memref_slice %arg8[%mul3A_108] : memref<10000xi32, #tpu.memory_space<vmem>> -> memref<40xi32, #tpu.memory_space<vmem>>
          %dma_start3A_117 = arith.constant 0 : i32
          %dma_start3A_118 = arith.constant 0 : i32
          %dma_start3A_119 = tpu.memref_slice %arg15[%dma_start3A_117, %dma_start3A_118] : memref<10000x128xf32, #tpu.memory_space<vmem_shared>> -> memref<10000x128xf32, #tpu.memory_space<vmem_shared>>
          tpu.enqueue_indirect_dma source(%arg12 : memref<40x128xf32, #tpu.memory_space<vmem>>) target(%dma_start3A_119 : memref<10000x128xf32, #tpu.memory_space<vmem_shared>>) offsets(%dma_start3A_116 : memref<40xi32, #tpu.memory_space<vmem>>) semaphore(%run_scoped3A : memref<!tpu.dma_semaphore, #tpu.memory_space<semaphore_mem>>) {add = true}
          %dma_wait3A_120 = tpu.memref_slice %arg8[%mul3A_108] : memref<10000xi32, #tpu.memory_space<vmem>> -> memref<40xi32, #tpu.memory_space<vmem>>
          %dma_wait3A_121 = arith.constant 0 : i32
          %dma_wait3A_122 = arith.constant 0 : i32
          %dma_wait3A_123 = tpu.memref_slice %arg15[%dma_wait3A_121, %dma_wait3A_122] : memref<10000x128xf32, #tpu.memory_space<vmem_shared>> -> memref<10000x128xf32, #tpu.memory_space<vmem_shared>>
          tpu.wait_indirect_dma semaphore(%run_scoped3A : memref<!tpu.dma_semaphore, #tpu.memory_space<semaphore_mem>>) src(%arg12 : memref<40x128xf32, #tpu.memory_space<vmem>>) dst(%dma_wait3A_123 : memref<10000x128xf32, #tpu.memory_space<vmem_shared>>)
          tpu.yield
        }) : () -> ()
        %add3A_109 = arith.constant 6 : i32
        %add3A_110 = arith.addi %add3A_78, %add3A_109 : i32
        %lt3A_111 = arith.constant 250 : i32
        %lt3A_112 = arith.cmpi slt, %add3A_110, %lt3A_111 : i32
        %convert_element_type3A_113 = arith.extui %lt3A_112 : i1 to i32
        %cond3A_114 = arith.constant 0 : i32
        %cond3A_115 = arith.cmpi ne, %convert_element_type3A_113, %cond3A_114 : i32
        scf.if %cond3A_115 {
          %add3A_116 = arith.constant 6 : i32
          %add3A_117 = arith.addi %add3A_78, %add3A_116 : i32
          %mul3A_118 = arith.constant 40 : i32
          %mul3A_119 = arith.muli %add3A_117, %mul3A_118 : i32
          %dma_start3A_120 = tpu.memref_slice %arg7[%mul3A_119] : memref<10000xi32, #tpu.memory_space<vmem>> -> memref<40xi32, #tpu.memory_space<vmem>>
          %dma_start3A_121 = arith.constant 0 : i32
          %dma_start3A_122 = arith.constant 0 : i32
          %dma_start3A_123 = tpu.memref_slice %arg2[%dma_start3A_121, %dma_start3A_122] : memref<10000x128xf32, #tpu.memory_space<hbm>> -> memref<10000x128xf32, #tpu.memory_space<hbm>>
          tpu.enqueue_indirect_dma source(%dma_start3A_123 : memref<10000x128xf32, #tpu.memory_space<hbm>>) target(%arg12 : memref<40x128xf32, #tpu.memory_space<vmem>>) offsets(%dma_start3A_120 : memref<40xi32, #tpu.memory_space<vmem>>) semaphore(%arg19 : memref<!tpu.dma_semaphore, #tpu.memory_space<semaphore_mem>>)
        } else {
        }
      } else {
      }
      %mul3A_84 = arith.constant 6 : i32
      %mul3A_85 = arith.muli %scan3A_50, %mul3A_84 : i32
      %add3A_86 = arith.constant 4 : i32
      %add3A_87 = arith.addi %mul3A_85, %add3A_86 : i32
      %lt3A_88 = arith.constant 250 : i32
      %lt3A_89 = arith.cmpi slt, %add3A_87, %lt3A_88 : i32
      %convert_element_type3A_90 = arith.extui %lt3A_89 : i1 to i32
      %cond3A_91 = arith.constant 0 : i32
      %cond3A_92 = arith.cmpi ne, %convert_element_type3A_90, %cond3A_91 : i32
      scf.if %cond3A_92 {
        %mul3A_102 = arith.constant 40 : i32
        %mul3A_103 = arith.muli %add3A_87, %mul3A_102 : i32
        %dma_wait3A = tpu.memref_slice %arg7[%mul3A_103] : memref<10000xi32, #tpu.memory_space<vmem>> -> memref<40xi32, #tpu.memory_space<vmem>>
        %dma_wait3A_104 = arith.constant 0 : i32
        %dma_wait3A_105 = arith.constant 0 : i32
        %dma_wait3A_106 = tpu.memref_slice %arg2[%dma_wait3A_104, %dma_wait3A_105] : memref<10000x128xf32, #tpu.memory_space<hbm>> -> memref<10000x128xf32, #tpu.memory_space<hbm>>
        tpu.wait_indirect_dma semaphore(%arg20 : memref<!tpu.dma_semaphore, #tpu.memory_space<semaphore_mem>>) src(%dma_wait3A_106 : memref<10000x128xf32, #tpu.memory_space<hbm>>) dst(%arg13 : memref<40x128xf32, #tpu.memory_space<vmem>>)
        %mul3A_107 = arith.constant 40 : i32
        %mul3A_108 = arith.muli %add3A_87, %mul3A_107 : i32
        "tpu.region"() ({
          %run_scoped3A = tpu.sem_alloc : memref<!tpu.dma_semaphore, #tpu.memory_space<semaphore_mem>>
          %dma_start3A_116 = tpu.memref_slice %arg8[%mul3A_108] : memref<10000xi32, #tpu.memory_space<vmem>> -> memref<40xi32, #tpu.memory_space<vmem>>
          %dma_start3A_117 = arith.constant 0 : i32
          %dma_start3A_118 = arith.constant 0 : i32
          %dma_start3A_119 = tpu.memref_slice %arg15[%dma_start3A_117, %dma_start3A_118] : memref<10000x128xf32, #tpu.memory_space<vmem_shared>> -> memref<10000x128xf32, #tpu.memory_space<vmem_shared>>
          tpu.enqueue_indirect_dma source(%arg13 : memref<40x128xf32, #tpu.memory_space<vmem>>) target(%dma_start3A_119 : memref<10000x128xf32, #tpu.memory_space<vmem_shared>>) offsets(%dma_start3A_116 : memref<40xi32, #tpu.memory_space<vmem>>) semaphore(%run_scoped3A : memref<!tpu.dma_semaphore, #tpu.memory_space<semaphore_mem>>) {add = true}
          %dma_wait3A_120 = tpu.memref_slice %arg8[%mul3A_108] : memref<10000xi32, #tpu.memory_space<vmem>> -> memref<40xi32, #tpu.memory_space<vmem>>
          %dma_wait3A_121 = arith.constant 0 : i32
          %dma_wait3A_122 = arith.constant 0 : i32
          %dma_wait3A_123 = tpu.memref_slice %arg15[%dma_wait3A_121, %dma_wait3A_122] : memref<10000x128xf32, #tpu.memory_space<vmem_shared>> -> memref<10000x128xf32, #tpu.memory_space<vmem_shared>>
          tpu.wait_indirect_dma semaphore(%run_scoped3A : memref<!tpu.dma_semaphore, #tpu.memory_space<semaphore_mem>>) src(%arg13 : memref<40x128xf32, #tpu.memory_space<vmem>>) dst(%dma_wait3A_123 : memref<10000x128xf32, #tpu.memory_space<vmem_shared>>)
          tpu.yield
        }) : () -> ()
        %add3A_109 = arith.constant 6 : i32
        %add3A_110 = arith.addi %add3A_87, %add3A_109 : i32
        %lt3A_111 = arith.constant 250 : i32
        %lt3A_112 = arith.cmpi slt, %add3A_110, %lt3A_111 : i32
        %convert_element_type3A_113 = arith.extui %lt3A_112 : i1 to i32
        %cond3A_114 = arith.constant 0 : i32
        %cond3A_115 = arith.cmpi ne, %convert_element_type3A_113, %cond3A_114 : i32
        scf.if %cond3A_115 {
          %add3A_116 = arith.constant 6 : i32
          %add3A_117 = arith.addi %add3A_87, %add3A_116 : i32
          %mul3A_118 = arith.constant 40 : i32
          %mul3A_119 = arith.muli %add3A_117, %mul3A_118 : i32
          %dma_start3A_120 = tpu.memref_slice %arg7[%mul3A_119] : memref<10000xi32, #tpu.memory_space<vmem>> -> memref<40xi32, #tpu.memory_space<vmem>>
          %dma_start3A_121 = arith.constant 0 : i32
          %dma_start3A_122 = arith.constant 0 : i32
          %dma_start3A_123 = tpu.memref_slice %arg2[%dma_start3A_121, %dma_start3A_122] : memref<10000x128xf32, #tpu.memory_space<hbm>> -> memref<10000x128xf32, #tpu.memory_space<hbm>>
          tpu.enqueue_indirect_dma source(%dma_start3A_123 : memref<10000x128xf32, #tpu.memory_space<hbm>>) target(%arg13 : memref<40x128xf32, #tpu.memory_space<vmem>>) offsets(%dma_start3A_120 : memref<40xi32, #tpu.memory_space<vmem>>) semaphore(%arg20 : memref<!tpu.dma_semaphore, #tpu.memory_space<semaphore_mem>>)
        } else {
        }
      } else {
      }
      %mul3A_93 = arith.constant 6 : i32
      %mul3A_94 = arith.muli %scan3A_50, %mul3A_93 : i32
      %add3A_95 = arith.constant 5 : i32
      %add3A_96 = arith.addi %mul3A_94, %add3A_95 : i32
      %lt3A_97 = arith.constant 250 : i32
      %lt3A_98 = arith.cmpi slt, %add3A_96, %lt3A_97 : i32
      %convert_element_type3A_99 = arith.extui %lt3A_98 : i1 to i32
      %cond3A_100 = arith.constant 0 : i32
      %cond3A_101 = arith.cmpi ne, %convert_element_type3A_99, %cond3A_100 : i32
      scf.if %cond3A_101 {
        %mul3A_102 = arith.constant 40 : i32
        %mul3A_103 = arith.muli %add3A_96, %mul3A_102 : i32
        %dma_wait3A = tpu.memref_slice %arg7[%mul3A_103] : memref<10000xi32, #tpu.memory_space<vmem>> -> memref<40xi32, #tpu.memory_space<vmem>>
        %dma_wait3A_104 = arith.constant 0 : i32
        %dma_wait3A_105 = arith.constant 0 : i32
        %dma_wait3A_106 = tpu.memref_slice %arg2[%dma_wait3A_104, %dma_wait3A_105] : memref<10000x128xf32, #tpu.memory_space<hbm>> -> memref<10000x128xf32, #tpu.memory_space<hbm>>
        tpu.wait_indirect_dma semaphore(%arg21 : memref<!tpu.dma_semaphore, #tpu.memory_space<semaphore_mem>>) src(%dma_wait3A_106 : memref<10000x128xf32, #tpu.memory_space<hbm>>) dst(%arg14 : memref<40x128xf32, #tpu.memory_space<vmem>>)
        %mul3A_107 = arith.constant 40 : i32
        %mul3A_108 = arith.muli %add3A_96, %mul3A_107 : i32
        "tpu.region"() ({
          %run_scoped3A = tpu.sem_alloc : memref<!tpu.dma_semaphore, #tpu.memory_space<semaphore_mem>>
          %dma_start3A_116 = tpu.memref_slice %arg8[%mul3A_108] : memref<10000xi32, #tpu.memory_space<vmem>> -> memref<40xi32, #tpu.memory_space<vmem>>
          %dma_start3A_117 = arith.constant 0 : i32
          %dma_start3A_118 = arith.constant 0 : i32
          %dma_start3A_119 = tpu.memref_slice %arg15[%dma_start3A_117, %dma_start3A_118] : memref<10000x128xf32, #tpu.memory_space<vmem_shared>> -> memref<10000x128xf32, #tpu.memory_space<vmem_shared>>
          tpu.enqueue_indirect_dma source(%arg14 : memref<40x128xf32, #tpu.memory_space<vmem>>) target(%dma_start3A_119 : memref<10000x128xf32, #tpu.memory_space<vmem_shared>>) offsets(%dma_start3A_116 : memref<40xi32, #tpu.memory_space<vmem>>) semaphore(%run_scoped3A : memref<!tpu.dma_semaphore, #tpu.memory_space<semaphore_mem>>) {add = true}
          %dma_wait3A_120 = tpu.memref_slice %arg8[%mul3A_108] : memref<10000xi32, #tpu.memory_space<vmem>> -> memref<40xi32, #tpu.memory_space<vmem>>
          %dma_wait3A_121 = arith.constant 0 : i32
          %dma_wait3A_122 = arith.constant 0 : i32
          %dma_wait3A_123 = tpu.memref_slice %arg15[%dma_wait3A_121, %dma_wait3A_122] : memref<10000x128xf32, #tpu.memory_space<vmem_shared>> -> memref<10000x128xf32, #tpu.memory_space<vmem_shared>>
          tpu.wait_indirect_dma semaphore(%run_scoped3A : memref<!tpu.dma_semaphore, #tpu.memory_space<semaphore_mem>>) src(%arg14 : memref<40x128xf32, #tpu.memory_space<vmem>>) dst(%dma_wait3A_123 : memref<10000x128xf32, #tpu.memory_space<vmem_shared>>)
          tpu.yield
        }) : () -> ()
        %add3A_109 = arith.constant 6 : i32
        %add3A_110 = arith.addi %add3A_96, %add3A_109 : i32
        %lt3A_111 = arith.constant 250 : i32
        %lt3A_112 = arith.cmpi slt, %add3A_110, %lt3A_111 : i32
        %convert_element_type3A_113 = arith.extui %lt3A_112 : i1 to i32
        %cond3A_114 = arith.constant 0 : i32
        %cond3A_115 = arith.cmpi ne, %convert_element_type3A_113, %cond3A_114 : i32
        scf.if %cond3A_115 {
          %add3A_116 = arith.constant 6 : i32
          %add3A_117 = arith.addi %add3A_96, %add3A_116 : i32
          %mul3A_118 = arith.constant 40 : i32
          %mul3A_119 = arith.muli %add3A_117, %mul3A_118 : i32
          %dma_start3A_120 = tpu.memref_slice %arg7[%mul3A_119] : memref<10000xi32, #tpu.memory_space<vmem>> -> memref<40xi32, #tpu.memory_space<vmem>>
          %dma_start3A_121 = arith.constant 0 : i32
          %dma_start3A_122 = arith.constant 0 : i32
          %dma_start3A_123 = tpu.memref_slice %arg2[%dma_start3A_121, %dma_start3A_122] : memref<10000x128xf32, #tpu.memory_space<hbm>> -> memref<10000x128xf32, #tpu.memory_space<hbm>>
          tpu.enqueue_indirect_dma source(%dma_start3A_123 : memref<10000x128xf32, #tpu.memory_space<hbm>>) target(%arg14 : memref<40x128xf32, #tpu.memory_space<vmem>>) offsets(%dma_start3A_120 : memref<40xi32, #tpu.memory_space<vmem>>) semaphore(%arg21 : memref<!tpu.dma_semaphore, #tpu.memory_space<semaphore_mem>>)
        } else {
        }
      } else {
      }
    }
    %scan3A_42 = arith.constant 42 : i32
    %barrier3A_43 = arith.constant 0 : index
    tpu.barrier barrier_id(%barrier3A_43)
    %scan3A_44 = arith.constant 0 : i32
    %scan3A_45 = arith.constant 0 : i32
    %scan3A_46 = arith.constant 8 : i32
    %scan3A_47 = arith.addi %scan3A_45, %scan3A_46 : i32
    %scan3A_48 = arith.constant 1 : i32
    scf.for %scan3A_50 = %scan3A_45 to %scan3A_47 step %scan3A_48  : i32 {
      %mul3A_51 = arith.constant 16 : i32
      %mul3A_52 = arith.muli %scan3A_50, %mul3A_51 : i32
      %add3A_53 = arith.addi %arg1, %mul3A_52 : i32
      %lt3A = arith.constant 125 : i32
      %lt3A_54 = arith.cmpi slt, %add3A_53, %lt3A : i32
      %convert_element_type3A = arith.extui %lt3A_54 : i1 to i32
      %cond3A = arith.constant 0 : i32
      %cond3A_55 = arith.cmpi ne, %convert_element_type3A, %cond3A : i32
      scf.if %cond3A_55 {
        %mul3A_56 = arith.constant 80 : i32
        %mul3A_57 = arith.muli %add3A_53, %mul3A_56 : i32
        %mul3A_58 = arith.constant 80 : i32
        %mul3A_59 = arith.muli %add3A_53, %mul3A_58 : i32
        "tpu.region"() ({
          %run_scoped3A = tpu.sem_alloc : memref<!tpu.dma_semaphore, #tpu.memory_space<semaphore_mem>>
          %dma_start3A_60 = arith.constant 0 : i32
          %dma_start3A_61 = tpu.memref_slice %arg6[%arg0, %mul3A_59, %dma_start3A_60] : memref<2x10000x128xf32, #tpu.memory_space<hbm>> -> memref<1x80x128xf32, #tpu.memory_space<hbm>>
          %dma_start3A_62 = tpu.memref_squeeze %dma_start3A_61 : memref<1x80x128xf32, #tpu.memory_space<hbm>> -> memref<80x128xf32, #tpu.memory_space<hbm>>
          %dma_start3A_63 = arith.constant 0 : i32
          %dma_start3A_64 = tpu.memref_slice %arg15[%mul3A_57, %dma_start3A_63] : memref<10000x128xf32, #tpu.memory_space<vmem_shared>> -> memref<80x128xf32, #tpu.memory_space<vmem_shared>>
          tpu.enqueue_dma source(%dma_start3A_64 : memref<80x128xf32, #tpu.memory_space<vmem_shared>>) target(%dma_start3A_62 : memref<80x128xf32, #tpu.memory_space<hbm>>) target_semaphore(%run_scoped3A : memref<!tpu.dma_semaphore, #tpu.memory_space<semaphore_mem>>)
          %dma_wait3A = arith.constant 0 : i32
          %dma_wait3A_65 = tpu.memref_slice %arg6[%arg0, %mul3A_59, %dma_wait3A] : memref<2x10000x128xf32, #tpu.memory_space<hbm>> -> memref<1x80x128xf32, #tpu.memory_space<hbm>>
          %dma_wait3A_66 = tpu.memref_squeeze %dma_wait3A_65 : memref<1x80x128xf32, #tpu.memory_space<hbm>> -> memref<80x128xf32, #tpu.memory_space<hbm>>
          %dma_wait3A_67 = arith.constant 0 : i32
          %dma_wait3A_68 = tpu.memref_slice %arg15[%mul3A_57, %dma_wait3A_67] : memref<10000x128xf32, #tpu.memory_space<vmem_shared>> -> memref<80x128xf32, #tpu.memory_space<vmem_shared>>
          tpu.wait_dma2 semaphore(%run_scoped3A : memref<!tpu.dma_semaphore, #tpu.memory_space<semaphore_mem>>) src(%dma_wait3A_68 : memref<80x128xf32, #tpu.memory_space<vmem_shared>>) dst(%dma_wait3A_66 : memref<80x128xf32, #tpu.memory_space<hbm>>)
          tpu.yield
        }) : () -> ()
      } else {
      }
    }
    %scan3A_49 = arith.constant 8 : i32
    return
  }
}

module attributes {stable_mosaic.version = 14 : i64} {
  func.func @_mlp_body(%arg0: memref<10000x128xf32, #tpu.memory_space<vmem>>, %arg1: memref<2x10000x128xf32, #tpu.memory_space<vmem>>, %arg2: memref<128x128xf32, #tpu.memory_space<vmem>>, %arg3: memref<1x128xf32, #tpu.memory_space<vmem>>, %arg4: memref<128x128xf32, #tpu.memory_space<vmem>>, %arg5: memref<1x128xf32, #tpu.memory_space<vmem>>, %arg6: memref<1x128xf32, #tpu.memory_space<vmem>>, %arg7: memref<1x128xf32, #tpu.memory_space<vmem>>, %arg8: memref<10000x128xf32, #tpu.memory_space<vmem>>) attributes {dimension_semantics = [], scalar_prefetch = 0 : i64, scratch_operands = 0 : i64, tpu.core_type = #tpu.core_type<tc>} {
    %get3A = arith.constant 0 : index
    %get3A_0 = arith.constant 0 : index
    %get3A_1 = vector.load %arg0[%get3A, %get3A_0] : memref<10000x128xf32, #tpu.memory_space<vmem>>, vector<10000x128xf32>
    %get3A_2 = arith.constant 0 : index
    %get3A_3 = arith.constant 0 : index
    %get3A_4 = arith.constant 0 : index
    %get3A_5 = vector.load %arg1[%get3A_2, %get3A_3, %get3A_4] : memref<2x10000x128xf32, #tpu.memory_space<vmem>>, vector<1x10000x128xf32>
    %get3A_6 = vector.shape_cast %get3A_5 : vector<1x10000x128xf32> to vector<10000x128xf32>
    %get3A_7 = arith.constant 1 : index
    %get3A_8 = arith.constant 0 : index
    %get3A_9 = arith.constant 0 : index
    %get3A_10 = vector.load %arg1[%get3A_7, %get3A_8, %get3A_9] : memref<2x10000x128xf32, #tpu.memory_space<vmem>>, vector<1x10000x128xf32>
    %get3A_11 = vector.shape_cast %get3A_10 : vector<1x10000x128xf32> to vector<10000x128xf32>
    %add3A = arith.addf %get3A_6, %get3A_11 : vector<10000x128xf32>
    %add3A_12 = arith.addf %get3A_1, %add3A : vector<10000x128xf32>
    %convert_element_type3A = arith.truncf %add3A_12 : vector<10000x128xf32> to vector<10000x128xbf16>
    %get3A_13 = arith.constant 0 : index
    %get3A_14 = arith.constant 0 : index
    %get3A_15 = vector.load %arg2[%get3A_13, %get3A_14] : memref<128x128xf32, #tpu.memory_space<vmem>>, vector<128x128xf32>
    %convert_element_type3A_16 = arith.truncf %get3A_15 : vector<128x128xf32> to vector<128x128xbf16>
    %dot_general3A = arith.constant dense<0.000000e+00> : vector<10000x128xf32>
    %dot_general3A_17 = tpu.matmul %convert_element_type3A, %convert_element_type3A_16, %dot_general3A {dimension_numbers = #tpu.dot_dimension_numbers<[1], [0], [0], [1], [0, 0, 1, 1], [], []>, transpose_lhs_hint = false} : vector<10000x128xbf16>, vector<128x128xbf16>, vector<10000x128xf32> -> vector<10000x128xf32>
    %get3A_18 = arith.constant 0 : index
    %get3A_19 = arith.constant 0 : index
    %get3A_20 = vector.load %arg3[%get3A_18, %get3A_19] : memref<1x128xf32, #tpu.memory_space<vmem>>, vector<1x128xf32>
    %add3A_21 = vector.broadcast %get3A_20 : vector<1x128xf32> to vector<10000x128xf32>
    %add3A_22 = arith.addf %dot_general3A_17, %add3A_21 : vector<10000x128xf32>
    %max3A = arith.constant 0.000000e+00 : f32
    %max3A_23 = vector.broadcast %max3A : f32 to vector<10000x128xf32>
    %max3A_24 = arith.maximumf %add3A_22, %max3A_23 : vector<10000x128xf32>
    %convert_element_type3A_25 = arith.truncf %max3A_24 : vector<10000x128xf32> to vector<10000x128xbf16>
    %get3A_26 = arith.constant 0 : index
    %get3A_27 = arith.constant 0 : index
    %get3A_28 = vector.load %arg4[%get3A_26, %get3A_27] : memref<128x128xf32, #tpu.memory_space<vmem>>, vector<128x128xf32>
    %convert_element_type3A_29 = arith.truncf %get3A_28 : vector<128x128xf32> to vector<128x128xbf16>
    %dot_general3A_30 = arith.constant dense<0.000000e+00> : vector<10000x128xf32>
    %dot_general3A_31 = tpu.matmul %convert_element_type3A_25, %convert_element_type3A_29, %dot_general3A_30 {dimension_numbers = #tpu.dot_dimension_numbers<[1], [0], [0], [1], [0, 0, 1, 1], [], []>, transpose_lhs_hint = false} : vector<10000x128xbf16>, vector<128x128xbf16>, vector<10000x128xf32> -> vector<10000x128xf32>
    %get3A_32 = arith.constant 0 : index
    %get3A_33 = arith.constant 0 : index
    %get3A_34 = vector.load %arg5[%get3A_32, %get3A_33] : memref<1x128xf32, #tpu.memory_space<vmem>>, vector<1x128xf32>
    %add3A_35 = vector.broadcast %get3A_34 : vector<1x128xf32> to vector<10000x128xf32>
    %add3A_36 = arith.addf %dot_general3A_31, %add3A_35 : vector<10000x128xf32>
    %max3A_37 = arith.constant 0.000000e+00 : f32
    %max3A_38 = vector.broadcast %max3A_37 : f32 to vector<10000x128xf32>
    %max3A_39 = arith.maximumf %add3A_36, %max3A_38 : vector<10000x128xf32>
    %reduce_sum3A = arith.constant dense<0.000000e+00> : vector<128xf32>
    %reduce_sum3A_40 = vector.multi_reduction <add>, %max3A_39, %reduce_sum3A [0] : vector<10000x128xf32> to vector<128xf32>
    %broadcast_in_dim3A = vector.shape_cast %reduce_sum3A_40 : vector<128xf32> to vector<1x128xf32>
    %div3A = arith.constant 1.000000e+04 : f32
    %div3A_41 = vector.broadcast %div3A : f32 to vector<1x128xf32>
    %div3A_42 = arith.divf %broadcast_in_dim3A, %div3A_41 : vector<1x128xf32>
    %sub3A = vector.broadcast %div3A_42 : vector<1x128xf32> to vector<10000x128xf32>
    %sub3A_43 = arith.subf %max3A_39, %sub3A : vector<10000x128xf32>
    %square3A = arith.mulf %sub3A_43, %sub3A_43 : vector<10000x128xf32>
    %reduce_sum3A_44 = arith.constant dense<0.000000e+00> : vector<128xf32>
    %reduce_sum3A_45 = vector.multi_reduction <add>, %square3A, %reduce_sum3A_44 [0] : vector<10000x128xf32> to vector<128xf32>
    %broadcast_in_dim3A_46 = vector.shape_cast %reduce_sum3A_45 : vector<128xf32> to vector<1x128xf32>
    %div3A_47 = arith.constant 1.000000e+04 : f32
    %div3A_48 = vector.broadcast %div3A_47 : f32 to vector<1x128xf32>
    %div3A_49 = arith.divf %broadcast_in_dim3A_46, %div3A_48 : vector<1x128xf32>
    %get3A_50 = arith.constant 0 : index
    %get3A_51 = arith.constant 0 : index
    %get3A_52 = vector.load %arg6[%get3A_50, %get3A_51] : memref<1x128xf32, #tpu.memory_space<vmem>>, vector<1x128xf32>
    %sub3A_53 = vector.broadcast %div3A_42 : vector<1x128xf32> to vector<10000x128xf32>
    %sub3A_54 = arith.subf %max3A_39, %sub3A_53 : vector<10000x128xf32>
    %mul3A = vector.broadcast %get3A_52 : vector<1x128xf32> to vector<10000x128xf32>
    %mul3A_55 = arith.mulf %mul3A, %sub3A_54 : vector<10000x128xf32>
    %add3A_56 = arith.constant 9.99999974E-6 : f32
    %add3A_57 = vector.broadcast %add3A_56 : f32 to vector<1x128xf32>
    %add3A_58 = arith.addf %div3A_49, %add3A_57 : vector<1x128xf32>
    %sqrt3A = math.sqrt %add3A_58 : vector<1x128xf32>
    %div3A_59 = vector.broadcast %sqrt3A : vector<1x128xf32> to vector<10000x128xf32>
    %div3A_60 = arith.divf %mul3A_55, %div3A_59 : vector<10000x128xf32>
    %get3A_61 = arith.constant 0 : index
    %get3A_62 = arith.constant 0 : index
    %get3A_63 = vector.load %arg7[%get3A_61, %get3A_62] : memref<1x128xf32, #tpu.memory_space<vmem>>, vector<1x128xf32>
    %add3A_64 = vector.broadcast %get3A_63 : vector<1x128xf32> to vector<10000x128xf32>
    %add3A_65 = arith.addf %div3A_60, %add3A_64 : vector<10000x128xf32>
    %swap3A = arith.constant 0 : index
    %swap3A_66 = arith.constant 0 : index
    %swap3A_67 = vector.load %arg8[%swap3A, %swap3A_66] : memref<10000x128xf32, #tpu.memory_space<vmem>>, vector<10000x128xf32>
    tpu.vector_store %arg8[%swap3A, %swap3A_66], %add3A_65 {strides = array<i32>} : memref<10000x128xf32, #tpu.memory_space<vmem>>, vector<10000x128xf32>,
    return
  }
}

module attributes {stable_mosaic.version = 14 : i64} {
  func.func @_mlp_body(%arg0: memref<10000x128xf32, #tpu.memory_space<vmem>>, %arg1: memref<2x10000x128xf32, #tpu.memory_space<vmem>>, %arg2: memref<128x128xf32, #tpu.memory_space<vmem>>, %arg3: memref<1x128xf32, #tpu.memory_space<vmem>>, %arg4: memref<128x128xf32, #tpu.memory_space<vmem>>, %arg5: memref<1x128xf32, #tpu.memory_space<vmem>>, %arg6: memref<1x128xf32, #tpu.memory_space<vmem>>, %arg7: memref<1x128xf32, #tpu.memory_space<vmem>>, %arg8: memref<10000x128xf32, #tpu.memory_space<vmem>>) attributes {dimension_semantics = [], scalar_prefetch = 0 : i64, scratch_operands = 0 : i64, tpu.core_type = #tpu.core_type<tc>} {
    %get3A = arith.constant 0 : index
    %get3A_0 = arith.constant 0 : index
    %get3A_1 = vector.load %arg0[%get3A, %get3A_0] : memref<10000x128xf32, #tpu.memory_space<vmem>>, vector<10000x128xf32>
    %get3A_2 = arith.constant 0 : index
    %get3A_3 = arith.constant 0 : index
    %get3A_4 = arith.constant 0 : index
    %get3A_5 = vector.load %arg1[%get3A_2, %get3A_3, %get3A_4] : memref<2x10000x128xf32, #tpu.memory_space<vmem>>, vector<1x10000x128xf32>
    %get3A_6 = vector.shape_cast %get3A_5 : vector<1x10000x128xf32> to vector<10000x128xf32>
    %get3A_7 = arith.constant 1 : index
    %get3A_8 = arith.constant 0 : index
    %get3A_9 = arith.constant 0 : index
    %get3A_10 = vector.load %arg1[%get3A_7, %get3A_8, %get3A_9] : memref<2x10000x128xf32, #tpu.memory_space<vmem>>, vector<1x10000x128xf32>
    %get3A_11 = vector.shape_cast %get3A_10 : vector<1x10000x128xf32> to vector<10000x128xf32>
    %add3A = arith.addf %get3A_6, %get3A_11 : vector<10000x128xf32>
    %add3A_12 = arith.addf %get3A_1, %add3A : vector<10000x128xf32>
    %convert_element_type3A = arith.truncf %add3A_12 : vector<10000x128xf32> to vector<10000x128xbf16>
    %get3A_13 = arith.constant 0 : index
    %get3A_14 = arith.constant 0 : index
    %get3A_15 = vector.load %arg2[%get3A_13, %get3A_14] : memref<128x128xf32, #tpu.memory_space<vmem>>, vector<128x128xf32>
    %convert_element_type3A_16 = arith.truncf %get3A_15 : vector<128x128xf32> to vector<128x128xbf16>
    %dot_general3A = arith.constant dense<0.000000e+00> : vector<10000x128xf32>
    %dot_general3A_17 = tpu.matmul %convert_element_type3A, %convert_element_type3A_16, %dot_general3A {dimension_numbers = #tpu.dot_dimension_numbers<[1], [0], [0], [1], [0, 0, 1, 1], [], []>, transpose_lhs_hint = false} : vector<10000x128xbf16>, vector<128x128xbf16>, vector<10000x128xf32> -> vector<10000x128xf32>
    %get3A_18 = arith.constant 0 : index
    %get3A_19 = arith.constant 0 : index
    %get3A_20 = vector.load %arg3[%get3A_18, %get3A_19] : memref<1x128xf32, #tpu.memory_space<vmem>>, vector<1x128xf32>
    %add3A_21 = vector.broadcast %get3A_20 : vector<1x128xf32> to vector<10000x128xf32>
    %add3A_22 = arith.addf %dot_general3A_17, %add3A_21 : vector<10000x128xf32>
    %max3A = arith.constant 0.000000e+00 : f32
    %max3A_23 = vector.broadcast %max3A : f32 to vector<10000x128xf32>
    %max3A_24 = arith.maximumf %add3A_22, %max3A_23 : vector<10000x128xf32>
    %convert_element_type3A_25 = arith.truncf %max3A_24 : vector<10000x128xf32> to vector<10000x128xbf16>
    %get3A_26 = arith.constant 0 : index
    %get3A_27 = arith.constant 0 : index
    %get3A_28 = vector.load %arg4[%get3A_26, %get3A_27] : memref<128x128xf32, #tpu.memory_space<vmem>>, vector<128x128xf32>
    %convert_element_type3A_29 = arith.truncf %get3A_28 : vector<128x128xf32> to vector<128x128xbf16>
    %dot_general3A_30 = arith.constant dense<0.000000e+00> : vector<10000x128xf32>
    %dot_general3A_31 = tpu.matmul %convert_element_type3A_25, %convert_element_type3A_29, %dot_general3A_30 {dimension_numbers = #tpu.dot_dimension_numbers<[1], [0], [0], [1], [0, 0, 1, 1], [], []>, transpose_lhs_hint = false} : vector<10000x128xbf16>, vector<128x128xbf16>, vector<10000x128xf32> -> vector<10000x128xf32>
    %get3A_32 = arith.constant 0 : index
    %get3A_33 = arith.constant 0 : index
    %get3A_34 = vector.load %arg5[%get3A_32, %get3A_33] : memref<1x128xf32, #tpu.memory_space<vmem>>, vector<1x128xf32>
    %add3A_35 = vector.broadcast %get3A_34 : vector<1x128xf32> to vector<10000x128xf32>
    %add3A_36 = arith.addf %dot_general3A_31, %add3A_35 : vector<10000x128xf32>
    %max3A_37 = arith.constant 0.000000e+00 : f32
    %max3A_38 = vector.broadcast %max3A_37 : f32 to vector<10000x128xf32>
    %max3A_39 = arith.maximumf %add3A_36, %max3A_38 : vector<10000x128xf32>
    %reduce_sum3A = arith.constant dense<0.000000e+00> : vector<128xf32>
    %reduce_sum3A_40 = vector.multi_reduction <add>, %max3A_39, %reduce_sum3A [0] : vector<10000x128xf32> to vector<128xf32>
    %broadcast_in_dim3A = vector.shape_cast %reduce_sum3A_40 : vector<128xf32> to vector<1x128xf32>
    %div3A = arith.constant 1.000000e+04 : f32
    %div3A_41 = vector.broadcast %div3A : f32 to vector<1x128xf32>
    %div3A_42 = arith.divf %broadcast_in_dim3A, %div3A_41 : vector<1x128xf32>
    %sub3A = vector.broadcast %div3A_42 : vector<1x128xf32> to vector<10000x128xf32>
    %sub3A_43 = arith.subf %max3A_39, %sub3A : vector<10000x128xf32>
    %square3A = arith.mulf %sub3A_43, %sub3A_43 : vector<10000x128xf32>
    %reduce_sum3A_44 = arith.constant dense<0.000000e+00> : vector<128xf32>
    %reduce_sum3A_45 = vector.multi_reduction <add>, %square3A, %reduce_sum3A_44 [0] : vector<10000x128xf32> to vector<128xf32>
    %broadcast_in_dim3A_46 = vector.shape_cast %reduce_sum3A_45 : vector<128xf32> to vector<1x128xf32>
    %div3A_47 = arith.constant 1.000000e+04 : f32
    %div3A_48 = vector.broadcast %div3A_47 : f32 to vector<1x128xf32>
    %div3A_49 = arith.divf %broadcast_in_dim3A_46, %div3A_48 : vector<1x128xf32>
    %get3A_50 = arith.constant 0 : index
    %get3A_51 = arith.constant 0 : index
    %get3A_52 = vector.load %arg6[%get3A_50, %get3A_51] : memref<1x128xf32, #tpu.memory_space<vmem>>, vector<1x128xf32>
    %sub3A_53 = vector.broadcast %div3A_42 : vector<1x128xf32> to vector<10000x128xf32>
    %sub3A_54 = arith.subf %max3A_39, %sub3A_53 : vector<10000x128xf32>
    %mul3A = vector.broadcast %get3A_52 : vector<1x128xf32> to vector<10000x128xf32>
    %mul3A_55 = arith.mulf %mul3A, %sub3A_54 : vector<10000x128xf32>
    %add3A_56 = arith.constant 9.99999974E-6 : f32
    %add3A_57 = vector.broadcast %add3A_56 : f32 to vector<1x128xf32>
    %add3A_58 = arith.addf %div3A_49, %add3A_57 : vector<1x128xf32>
    %sqrt3A = math.sqrt %add3A_58 : vector<1x128xf32>
    %div3A_59 = vector.broadcast %sqrt3A : vector<1x128xf32> to vector<10000x128xf32>
    %div3A_60 = arith.divf %mul3A_55, %div3A_59 : vector<10000x128xf32>
    %get3A_61 = arith.constant 0 : index
    %get3A_62 = arith.constant 0 : index
    %get3A_63 = vector.load %arg7[%get3A_61, %get3A_62] : memref<1x128xf32, #tpu.memory_space<vmem>>, vector<1x128xf32>
    %add3A_64 = vector.broadcast %get3A_63 : vector<1x128xf32> to vector<10000x128xf32>
    %add3A_65 = arith.addf %div3A_60, %add3A_64 : vector<10000x128xf32>
    %swap3A = arith.constant 0 : index
    %swap3A_66 = arith.constant 0 : index
    %swap3A_67 = vector.load %arg8[%swap3A, %swap3A_66] : memref<10000x128xf32, #tpu.memory_space<vmem>>, vector<10000x128xf32>
    tpu.vector_store %arg8[%swap3A, %swap3A_66], %add3A_65 {strides = array<i32>} : memref<10000x128xf32, #tpu.memory_space<vmem>>, vector<10000x128xf32>,
    return
  }
}

</mosaic_0001>

<sc_bundles>
// kernel: kernel.11.cloned.1.call-start
scs
__scs_entry_jumppad:
0x0: {  	(pc) =	sbr.rel $0x88, $3  }
0x1: {  	(tag) =	ssettag $0x0;
	lr =	simm.s32 $0x1  }
0x2: {  	[smem:$0x3F8D] =	sst lr;
	_ =	strace $0xD0000000  }
0x3: {  	_ = 	snop  }
0x4: {  	_ = 	snop  }
0x5: {  	_ = 	snop  }
0x6: {  	_ = 	snop  }
0x7: {  	_ = 	snop  }
__scs_overlays_trampoline_lowered:
0x8: {  	[smem:$0x3F9C] =	sst s0  }
0x9: {  	[smem:$0x3F9D] =	sst s1  }
0xa: {  	[smem:$0x3F9E] =	sst s2  }
0xb: {  	[smem:$0x3F9F] =	sst s3  }
0xc: {  	[smem:$0x3FA0] =	sst s4  }
0xd: {  	[smem:$0x3FA1] =	sst s5  }
0xe: {  	[smem:$0x3FA2] =	sst s6  }
0xf: {  	[smem:$0x3FA3] =	sst s7  }
0x10: {  	[smem:$0x3FA4] =	sst s8  }
0x11: {  	[smem:$0x3FA5] =	sst s9;
	s0 =	simm.s32 @!p0 $0x0  }
0x12: {  	s1 =	sld [smem:$0x3F8B];
	s0 =	simm.s32 @p0 $0x1  }
0x13: {  	[smem:$0x3FA6] =	sst s0;
	s0 =	simm.s32 @!p1 $0x0  }
0x14: {  	s2 =	sld [smem:$0x3F8A];
	s0 =	simm.s32 @p1 $0x1  }
0x15: {  	[smem:$0x3FA7] =	sst s0;
	s0 =	simm.s32 @!p2 $0x0  }
0x16: {  	s3 =	sld [smem:$0x3FDB];
	s0 =	simm.s32 @p2 $0x1  }
0x17: {  	s4 =	simm.s32 $0x1BF5;
	[smem:$0x3FA9] =	sst s0  }
0x18: {  	s0 =	sld [smem:$0x3F8C];
	_ =	swait.ge [sflag:s4], $0x0  }
0x19: {  	s7 =	sld [smem:$0x3F8D]  }
0x1a: {  	s8 =	sadd.s32 $0xFFFFE003, lr  }
0x1b: {  	s9 =	sadd.s32 $0xFFFFFEF7, lr;
	s5 =	simm.s32 $0xFFFFFFFF;
	p2 =	slt.u32 s8, $0xFFFFF086  }
0x1c: {  	p1 =	slt.u32 s9, $0xF7A;
	s5 =	simm.s32 @!p2 $0x0  }
0x1d: {  	s5 =	simm.s32 @p1 $0x1;
	p0 =	seq.s32 s7, s2  }
0x1e: {  	s7 =	smul.u32 @!p0 $0xF7A, s2;
	p2 =	seq.s32 @!p0 s5, $0x0  }
0x1f: {  	s9 =	smul.u32 $0xF7A, s1;
	s8 =	simm.s32 @!p0 $0x1BF5;
	p2 =	por !p2, p0  }
0x20: {  	[sflag:s8] =	ssyncset.s32 @!p0 $0xFFFFF086;
	s6 =	sadd.s32 @!p0 s3, s7;
	s7 =	simm.s32 @!p0 $0x108  }
0x21: {  	s3 =	sadd.s32 s3, s9;
	s6 =	sadd.s32 @!p0 $0x88, s6;
	s7 =	simm.s32 @p2 $0x1082  }
0x22: {  	[simem:s7], [sflag:s8] =	dma.local @!p0 [hbm:s6], $0xF7A  }
0x23: {  	s9 =	sor.u32 $0xD0000000, s2;
	s6 =	simm.s32 $0x108;
	_ =	swait.ge @!p0 [sflag:s8], $0x0  }
0x24: {  	s3 =	sadd.s32 $0x88, s3;
	s6 =	simm.s32 @!p1 $0x1082;
	[sflag:s4] =	ssyncset.s32 $0xFFFFF086  }
0x25: {  	[simem:s6], [sflag:s4] =	dma.local [hbm:s3], $0xF7A  }
0x26: {  	[smem:$0x3F8D] =	sst s1;
	(tag) =	ssettag s2;
	_ =	strace s9  }
0x27: {  	s1 =	sld [smem:$0x3F9D]  }
0x28: {  	s2 =	sld [smem:$0x3F9E]  }
0x29: {  	s4 =	sld [smem:$0x3FA0]  }
0x2a: {  	p0 =	seq.s32 s5, $0x0;
	s5 =	sld [smem:$0x3FA1]  }
0x2b: {  	s6 =	sld [smem:$0x3FA2]  }
0x2c: {  	s7 =	sld [smem:$0x3FA3]  }
0x2d: {  	s3 =	simm.s32 $0x108;
	s8 =	sld [smem:$0x3FA4]  }
0x2e: {  	s3 =	simm.s32 @!p0 $0x1082;
	s9 =	sld [smem:$0x3FA5]  }
0x2f: {  	lr =	sadd.s32 s0, s3;
	s0 =	sld [smem:$0x3F9C]  }
0x30: {  	s3 =	sld [smem:$0x3F9F]  }
0x31: {  	[smem:$0x3FA8] =	sst s10  }
0x32: {  	s10 =	sld [smem:$0x3FA6];
	_ =	sdelay $0x3  }
0x33: {  	p0 =	seq.s32 s10, $0x1;
	s10 =	sld [smem:$0x3FA8];
	_ =	sdelay $0x3  }
0x34: {  	[smem:$0x3FA8] =	sst s10  }
0x35: {  	s10 =	sld [smem:$0x3FA7];
	_ =	sdelay $0x3  }
0x36: {  	p1 =	seq.s32 s10, $0x1;
	s10 =	sld [smem:$0x3FA8];
	_ =	sdelay $0x3  }
0x37: {  	[smem:$0x3FA8] =	sst s10  }
0x38: {  	s10 =	sld [smem:$0x3FA9]  }
0x39: {  	_ = 	snop;
	(pc) =	sbr.ind lr, $3  }
0x3a: {  	_ = 	snop  }
0x3b: {  	_ = 	snop  }
0x3c: {  	p2 =	seq.s32 s10, $0x1;
	s10 =	sld [smem:$0x3FA8]  }
0x3d: {  	_ =	shalt  }
0x3e: {  	_ =	shalt  }
0x3f: {  	_ =	shalt  }
0x40: {  	_ =	shalt  }
0x41: {  	_ =	shalt  }
0x42: {  	_ =	shalt  }
0x43: {  	_ =	shalt  }
0x44: {  	_ =	shalt  }
0x45: {  	_ =	shalt  }
0x46: {  	_ =	shalt  }
0x47: {  	_ =	shalt  }
0x48: {  	_ =	shalt  }
0x49: {  	_ =	shalt  }
0x4a: {  	_ =	shalt  }
0x4b: {  	_ =	shalt  }
0x4c: {  	_ =	shalt  }
0x4d: {  	_ =	shalt  }
0x4e: {  	_ =	shalt  }
0x4f: {  	_ =	shalt  }
0x50: {  	_ =	shalt  }
0x51: {  	_ =	shalt  }
0x52: {  	_ =	shalt  }
0x53: {  	_ =	shalt  }
0x54: {  	_ =	shalt  }
0x55: {  	_ =	shalt  }
0x56: {  	_ =	shalt  }
0x57: {  	_ =	shalt  }
0x58: {  	_ =	shalt  }
0x59: {  	_ =	shalt  }
0x5a: {  	_ =	shalt  }
0x5b: {  	_ =	shalt  }
0x5c: {  	_ =	shalt  }
0x5d: {  	_ =	shalt  }
0x5e: {  	_ =	shalt  }
0x5f: {  	_ =	shalt  }
0x60: {  	_ =	shalt  }
0x61: {  	_ =	shalt  }
0x62: {  	_ =	shalt  }
0x63: {  	_ =	shalt  }
0x64: {  	_ =	shalt  }
0x65: {  	_ =	shalt  }
0x66: {  	_ =	shalt  }
0x67: {  	_ =	shalt  }
0x68: {  	_ =	shalt  }
0x69: {  	_ =	shalt  }
0x6a: {  	_ =	shalt  }
0x6b: {  	_ =	shalt  }
0x6c: {  	_ =	shalt  }
0x6d: {  	_ =	shalt  }
0x6e: {  	_ =	shalt  }
0x6f: {  	_ =	shalt  }
0x70: {  	_ =	shalt  }
0x71: {  	_ =	shalt  }
0x72: {  	_ =	shalt  }
0x73: {  	_ =	shalt  }
0x74: {  	_ =	shalt  }
0x75: {  	_ =	shalt  }
0x76: {  	_ =	shalt  }
0x77: {  	_ =	shalt  }
0x78: {  	_ =	shalt  }
0x79: {  	_ =	shalt  }
0x7a: {  	_ =	shalt  }
0x7b: {  	_ =	shalt  }
0x7c: {  	_ =	shalt  }
0x7d: {  	_ =	shalt  }
0x7e: {  	_ =	shalt  }
0x7f: {  	_ =	shalt  }
0x80: {  	_ =	shalt  }
0x81: {  	_ =	shalt  }
0x82: {  	_ =	shalt  }
0x83: {  	_ =	shalt  }
0x84: {  	_ =	shalt  }
0x85: {  	_ =	shalt  }
0x86: {  	_ =	shalt  }
0x87: {  	_ =	shalt  }
.Lfunc_end0:
.L_simem_size_0:
called_computation.1_lowered:
.L_overlay_start_0:
0x88: {  	s2 =	sld [smem:$0x3FD9]  }
0x89: {  	s3 =	sld [smem:$0x3FFE];
	_ =	sdelay $0x1  }
0x8a: {  	s1 =	srdreg.scid  }
0x8b: {  	s0 =	sand.u32 $0x1, s1  }
0x8c: {  	s17 =	sshll.u32 s0, $0xA;
	s2 =	sadd.s32 s3, s2  }
0x8d: {  	s2 =	sadd.s32 s2, s17  }
0x8e: {  	[smem:$0x3FB4] =	sst s2  }
0x8f: {  	_ = 	snop  }
0x90: {  	s2 =	sld [smem:$0x3FD0];
	(tm) =	ssettm $0x1  }
0x91: {  	s18 =	sld [smem:$0x3FFB];
	_ =	sdelay $0x3  }
0x92: {  	_ =	strace s18  }
0x93: {  	s3 =	sld [smem:$0x3FFC];
	_ =	sdelay $0x3  }
0x94: {  	_ =	strace s3  }
0x95: {  	s3 =	sld [smem:$0x3FFD];
	_ =	sdelay $0x3  }
0x96: {  	_ =	strace s3  }
0x97: {  	_ =	strace $0x8FFFFFFF  }
0x98: {  	s19 =	sld [smem:$0x3FDB];
	_ =	sdelay $0x1  }
0x99: {  	s4 =	simm.s32 $_scs_section_size  }
0x9a: {  	s5 =	simm.s32 $_size__tile_overlayer_lowered;
	s6 =	simm.s32 $_tile_overlayer_lowered  }
0x9b: {  	s22 =	simm.s32 $0x1BFF;
	s21 =	sshll.u32 s6, $0x1;
	s3 =	sadd.s32 s4, s19  }
0x9c: {  	s7 =	simm.s32 $0x0;
	s20 =	sshll.u32 s5, $0x1;
	s5 =	sadd.s32 s21, s3  }
0x9d: {  	[timem:s7], [sflag:s22] =	dma.local [hbm:s5], s20  }
0x9e: {  	_ =	swait.ge [sflag:s22], s20  }
0x9f: {  	s4 =	ssub.s32 $0x0, s20;
	[sflag:s22] =	ssyncset.done $0x0  }
0xa0: {  	[sflag:s22] =	ssyncadd.s32 s4;
	_ =	sdelay $0x1  }
0xa1: {  	s23 =	simm.s32 $0x1B8B  }
0xa2: {  	_ =	swait.ge [sflag:s23], $0x1  }
0xa3: {  	[sflag:s23] =	ssyncset.done $0x0  }
0xa4: {  	s25 =	simm.s32 $0x1B8E;
	s24 =	sld [smem:$0x3FFE];
	[sflag:s23] =	ssyncadd.s32 $0xFFFFFFFF  }
0xa5: {  	s26 =	simm.s32 $execute0_lowered;
	[smem:$0x3FD2] =	sst s25  }
0xa6: {  	s5 =	sshll.u32 s26, $0x1;
	_ =	strace $0x80000049;
	[dreg:$0x1] =	wrdreg $0xFFFFFFFF  }
0xa7: {  	s28 =	simm.s32 $_size_execute0_lowered;
	s3 =	sadd.s32 s3, s5;
	[dreg:$0x0] =	wrdreg $0x0  }
0xa8: {  	s5 =	sshll.u32 s28, $0x1;
	[dreg:$0x2] =	wrdreg s3  }
0xa9: {  	[dreg:$0x3] =	wrdreg s5  }
0xaa: {  	[dreg:$0x4] =	wrdreg $0xC0  }
0xab: {  	_ =	task [dreg:s7], $0x5FFFF  }
0xac: {  	[dreg:$0x1] =	wrdreg $0xFFFFFFFF  }
0xad: {  	[dreg:$0x0] =	wrdreg $0x60  }
0xae: {  	[dreg:$0x2] =	wrdreg s24  }
0xaf: {  	[dreg:$0x3] =	wrdreg s2  }
0xb0: {  	[dreg:$0x4] =	wrdreg $0xC7000  }
0xb1: {  	[dreg:$0x5] =	wrdreg $0x9  }
0xb2: {  	_ =	task.clear_ibuf [dreg:s7], $0x6FFFF;
	_ =	strace $0x90000049  }
0xb3: {  	s29 =	simm.s32 $0x9;
	_ =	strace $0x8000004B  }
0xb4: {  	_ =	swait.ge [sflag:s29], $0x1  }
0xb5: {  	[sflag:s29] =	ssyncadd.s32 $0xFFFFFFFF  }
0xb6: {  	_ =	strace $0x9000004B  }
0xb7: {  	_ =	sfence  }
0xb8: {  	s30 =	sld [smem:$0x0];
	_ =	sdelay $0x2  }
0xb9: {  	s31 =	sshll.u32 s1, $0xD;
	s1 =	sshrl.u32 s1, $0x2  }
0xba: {  	s3 =	sand.u32 $0x4000, s31;
	s1 =	sadd.s32 s1, s30  }
0xbb: {  	s0 =	sor.u32 s3, s0;
	s1 =	sshll.u32 s1, $0x11  }
0xbc: {  	s0 =	sor.u32 s1, s0  }
0xbd: {  	s0 =	sadd.s32 $0x8F2B, s0  }
0xbe: {  	[sflag:s0] =	ssyncadd.remote.s32 $0x1  }
0xbf: {  	_ =	sfence.sel $0xFFFF  }
0xc0: {  	[dreg:$0x0] =	wrdreg $0xFFFFFFFF;
	(pc) =	sbr.abs _section_cstart, $3  }
0xc1: {  	[dreg:$0x1] =	wrdreg $0xFFFFFFFF  }
0xc2: {  	_ =	task.clear_ibuf [dreg:s7], $0x2FFFF;
	_ =	strace $0x9FFFFFFF  }
0xc3: {  	(tm) =	ssettm $0x7FFFFFFF  }
tec
execute0_lowered:
.L_overlay_start_1:
0x0: {  	(tag) =	ssettag $0x1  }
0x1: {  	s23 =	stileid.u32  }
0x2: {  	s0 =	srdreg.scid;
	s10 =	smul.u32 $0x500, s23  }
0x3: {  	s8 =	sand.u32 $0x1, s0;
	s22 =	smul.u32 $0x2800, s23  }
0x4: {  	s7 =	sor.u32 $0x10, s23;
	s9 =	smul.u32 $0x138800, s8  }
0x5: {  	s6 =	sor.u32 $0x20, s23;
	s11 =	smul.u32 $0x500, s7  }
0x6: {  	s5 =	sor.u32 $0x30, s23;
	s12 =	smul.u32 $0x500, s6  }
0x7: {  	s4 =	sor.u32 $0x40, s23;
	s13 =	smul.u32 $0x500, s5  }
0x8: {  	s3 =	sor.u32 $0x50, s23;
	s14 =	smul.u32 $0x500, s4  }
0x9: {  	s2 =	sor.u32 $0x60, s23;
	s15 =	smul.u32 $0x500, s3  }
0xa: {  	s0 =	sor.u32 $0x70, s23;
	s17 =	smul.u32 $0x500, s2  }
0xb: {  	s19 =	smul.u32 $0x500, s0  }
0xc: {  	s31 =	smul.u32 $0x2800, s5  }
0xd: {  	s24 =	smul.u32 $0x2800, s3  }
0xe: {  	s26 =	smul.u32 $0x2800, s2  }
0xf: {  	s16 =	rddreg [dreg:$0x1];
	s1 =	simm.s32 $0x0;
	s5 =	smul.u32 $0xA000, s5  }
0x10: {  	s20 =	sshll.u32 s23, $0x1;
	[smem:$0x7FF] =	sst s1;
	s3 =	smul.u32 $0xA000, s3  }
0x11: {  	s18 =	ssub.s32 $0x2, s8;
	s8 =	sor.u32 s8, s20;
	s2 =	smul.u32 $0xA000, s2  }
0x12: {  	p0 =	sgt.u32 s0, $0x7C;
	s21 =	sshrl.u32 s18, $0x1;
	s8 =	smul.u32 $0x4E2, s8  }
0x13: {  	s10 =	sadd.s32 s16, s10;
	s21 =	ssub.s32 s18, s21;
	s18 =	smul.u32 $0x2800, s7  }
0x14: {  	[dreg:$0x4] =	wrdreg s10;
	s28 =	sadd.s32 s16, s11;
	s10 =	smul.u32 $0x2800, s6  }
0x15: {  	s29 =	sadd.s32 s16, s12;
	s30 =	sadd.s32 s16, s13;
	s13 =	sadd.s32 s16, s14  }
0x16: {  	s14 =	sadd.s32 s16, s15;
	s15 =	smul.u32 $0x2800, s4;
	[dreg:$0x5] =	wrdreg s28  }
0x17: {  	s17 =	sadd.s32 s16, s17;
	s20 =	sadd.s32 s16, s19;
	[dreg:$0x6] =	wrdreg s29  }
0x18: {  	s25 =	sadd.s32 s9, s22;
	s7 =	smul.u32 $0xA000, s7;
	[dreg:$0x7] =	wrdreg s30  }
0x19: {  	s11 =	sadd.s32 s9, s31;
	s6 =	smul.u32 $0xA000, s6;
	[dreg:$0x8] =	wrdreg s13  }
0x1a: {  	s4 =	smul.u32 $0xA000, s4;
	s5 =	sshrl.u32 s5, $0x2;
	[dreg:$0x9] =	wrdreg s14  }
0x1b: {  	s3 =	sshrl.u32 s3, $0x2;
	s2 =	sshrl.u32 s2, $0x2;
	[dreg:$0xa] =	wrdreg s17  }
0x1c: {  	[dreg:$0xb] =	wrdreg s20;
	s29 =	smul.u32 $0x2800, s0;
	s13 =	sadd.s32 s9, s24  }
0x1d: {  	s30 =	rddreg [dreg:$0x0];
	s14 =	sshrl.u32 s25, $0x3;
	s20 =	sshrl.u32 s11, $0x3  }
0x1e: {  	s0 =	smul.u32 $0xA000, s0;
	s11 =	simm.s32 $0x0;
	s28 =	sadd.s32 s9, s18  }
0x1f: {  	s10 =	sadd.s32 s9, s10;
	s12 =	sadd.s32 s9, s15;
	s15 =	sadd.s32 s9, s26  }
0x20: {  	s31 =	sadd.s32 $0x3EC00, s30;
	s24 =	sshrl.u32 s13, $0x3;
	s8 =	sadd.s32 s8, s30  }
0x21: {  	s7 =	sshrl.u32 s7, $0x2;
	s6 =	sshrl.u32 s6, $0x2;
	s14 =	sadd.s32 s31, s14  }
0x22: {  	s4 =	sshrl.u32 s4, $0x2;
	s25 =	sadd.s32 s31, s24;
	[dreg:$0xc] =	wrdreg s14  }
0x23: {  	s9 =	sadd.s32 s9, s29;
	s18 =	sshrl.u32 s28, $0x3;
	[dreg:$0x11] =	wrdreg s25  }
0x24: {  	s10 =	sshrl.u32 s10, $0x3;
	s14 =	sadd.s32 s31, s18;
	s18 =	rddreg [dreg:$0x2]  }
0x25: {  	s22 =	sshrl.u32 s12, $0x3;
	s10 =	sadd.s32 s31, s10;
	[dreg:$0xd] =	wrdreg s14  }
0x26: {  	s9 =	sshrl.u32 s9, $0x3;
	[dreg:$0xe] =	wrdreg s10;
	s10 =	sadd.s32 s31, s20  }
0x27: {  	s26 =	sshrl.u32 s15, $0x3;
	s9 =	sadd.s32 s31, s9;
	[dreg:$0xf] =	wrdreg s10  }
0x28: {  	s28 =	sadd.s32 $0xDC00, s8;
	s10 =	sadd.s32 s31, s22;
	[dreg:$0x13] =	wrdreg s9  }
0x29: {  	s29 =	smul.u32 $0xA000, s23;
	[dreg:$0x10] =	wrdreg s10;
	s10 =	sadd.s32 s31, s26  }
0x2a: {  	s8 =	sadd.s32 $0x3E00, s8;
	s0 =	sshrl.u32 s0, $0x2;
	[dreg:$0x12] =	wrdreg s10  }
0x2b: {  	s20 =	sadd.s32 $0x17A00, s30;
	_ =	strace $0x8000004A;
	[dreg:$0x14] =	wrdreg s28  }
0x2c: {  	s30 =	smax.u32 s21, $0x1;
	s7 =	sadd.s32 s7, s18;
	[dreg:$0x15] =	wrdreg s8  }
0x2d: {  	s6 =	sadd.s32 s6, s18;
	s5 =	sadd.s32 s5, s18;
	[dreg:$0x16] =	wrdreg s30  }
0x2e: {  	s4 =	sadd.s32 s4, s18;
	s3 =	sadd.s32 s3, s18;
	[dreg:$0x18] =	wrdreg s7  }
0x2f: {  	s2 =	sadd.s32 s2, s18;
	s16 =	sadd.s32 s0, s18;
	[dreg:$0x19] =	wrdreg s6  }
0x30: {  	s0 =	simm.s32 $0x7;
	s9 =	simm.s32 $0x4;
	[dreg:$0x1a] =	wrdreg s5  }
.Ltmp0:
0x31: {  	s31 =	sshrl.u32 s29, $0x2;
	[dreg:$0x1b] =	wrdreg s4;
	(pc) =	sbr.rel .LBB2_1-.Ltmp0, $4  }
0x32: {  	s10 =	simm.s32 $0x5;
	s8 =	sadd.s32 s31, s18;
	[dreg:$0x1c] =	wrdreg s3  }
0x33: {  	[dreg:$0x1d] =	wrdreg s2;
	s2 =	simm.s32 $0x28;
	s3 =	simm.s32 $0x4F00  }
0x34: {  	s4 =	simm.s32 $0x7700;
	s5 =	simm.s32 $0x8B00;
	s6 =	simm.s32 $0x9F00  }
0x35: {  	s7 =	simm.s32 $0x1;
	[dreg:$0x17] =	wrdreg s8;
	s8 =	simm.s32 $0x3  }
.LBB2_6:
0x36: {  	_ =	swait.ge [sflag:s9], $0x1400  }
0x37: {  	[sflag:s9] =	ssyncset.done $0x0  }
0x38: {  	s24 =	sadd.s32 $0x27F8, s26;
	[sflag:s9] =	ssyncadd.s32 $0xFFFFEC00  }
0x39: {  	[spmem:s18] =	stream.indirect.scatter.add.f32 [tilespmem:s5], [sflag:$0x7], $0x80, s24, s2, $0xb8;
	[tilespmem:$0x1FF80] =	vst v63  }
0x3a: {  	_ =	swait.ge [sflag:s0], $0x1400  }
0x3b: {  	[sflag:s0] =	ssyncset.done $0x0  }
0x3c: {  	[sflag:s0] =	ssyncadd.s32 $0xFFFFEC00  }
.LBB2_4:
0x3d: {  	[bflag:$0x0] =	sbarrier.arrive $0xFFFF  }
0x3e: {  	s24 =	rddreg [dreg:$0xc]  }
0x3f: {  	[hbm:s24], [sflag:s12] =	dma.local [spmem:s13], $0x500  }
0x40: {  	_ =	swait.ge [sflag:s0], $0x500  }
0x41: {  	[sflag:s0] =	ssyncset.done $0x0  }
0x42: {  	s24 =	rddreg [dreg:$0xd];
	[sflag:s0] =	ssyncadd.s32 $0xFFFFFB00  }
0x43: {  	[hbm:s24], [sflag:s12] =	dma.local [spmem:s14], $0x500  }
0x44: {  	_ =	swait.ge [sflag:s0], $0x500  }
0x45: {  	[sflag:s0] =	ssyncset.done $0x0  }
0x46: {  	s25 =	rddreg [dreg:$0xe];
	[sflag:s0] =	ssyncadd.s32 $0xFFFFFB00  }
0x47: {  	[hbm:s25], [sflag:s12] =	dma.local [spmem:s15], $0x500  }
0x48: {  	_ =	swait.ge [sflag:s0], $0x500  }
0x49: {  	[sflag:s0] =	ssyncset.done $0x0  }
0x4a: {  	s26 =	rddreg [dreg:$0xf];
	[sflag:s0] =	ssyncadd.s32 $0xFFFFFB00  }
0x4b: {  	[hbm:s26], [sflag:s12] =	dma.local [spmem:s17], $0x500  }
0x4c: {  	_ =	swait.ge [sflag:s0], $0x500  }
0x4d: {  	[sflag:s0] =	ssyncset.done $0x0  }
0x4e: {  	s28 =	rddreg [dreg:$0x10];
	[sflag:s0] =	ssyncadd.s32 $0xFFFFFB00  }
0x4f: {  	[hbm:s28], [sflag:s12] =	dma.local [spmem:s19], $0x500  }
0x50: {  	_ =	swait.ge [sflag:s0], $0x500  }
0x51: {  	[sflag:s0] =	ssyncset.done $0x0  }
0x52: {  	s29 =	rddreg [dreg:$0x11];
	[sflag:s0] =	ssyncadd.s32 $0xFFFFFB00  }
0x53: {  	[hbm:s29], [sflag:s12] =	dma.local [spmem:s21], $0x500  }
0x54: {  	_ =	swait.ge [sflag:s0], $0x500  }
0x55: {  	[sflag:s0] =	ssyncset.done $0x0  }
0x56: {  	s30 =	rddreg [dreg:$0x12];
	[sflag:s0] =	ssyncadd.s32 $0xFFFFFB00  }
0x57: {  	[hbm:s30], [sflag:s12] =	dma.local [spmem:s22], $0x500  }
0x58: {  	_ =	swait.ge [sflag:s0], $0x500  }
0x59: {  	[sflag:s0] =	ssyncset.done $0x0  }
0x5a: {  	s13 =	rddreg [dreg:$0x13];
	[sflag:s0] =	ssyncadd.s32 $0xFFFFFB00  }
0x5b: {  	[hbm:s13], [sflag:s12] =	dma.local @!p0 [spmem:s23], $0x500  }
0x5c: {  	s12 =	simm.s32 @!p0 $0x7  }
0x5d: {  	_ =	swait.ge @!p0 [sflag:s12], $0x500  }
0x5e: {  	s11 =	sadd.s32 $0x1, s11;
	s31 =	rddreg [dreg:$0x16]  }
0x5f: {  	p1 =	sne.s32 s11, s31  }
.Ltmp1:
0x60: {  	_ = 	snop;
	(pc) =	sbr.rel @!p1 .LBB2_5-.Ltmp1, $3  }
0x61: {  	_ =	sdelay $0x1  }
0x62: {  	[sflag:s12] =	ssyncset.done @!p0 $0x0  }
0x63: {  	[sflag:s12] =	ssyncadd.s32 @!p0 $0xFFFFFB00  }
.LBB2_1:
0x64: {  	s12 =	rddreg [dreg:$0x14]  }
0x65: {  	[tilespmem:s1], [sflag:$0x7] =	stream.linear.gather [hbm4b:s12+s1], $0x2710, $0x38;
	[tilespmem:$0x1FF80] =	vst v63  }
0x66: {  	_ =	swait.ge [sflag:s0], $0x2710  }
0x67: {  	s13 =	simm.s32 $0x2780;
	[sflag:s0] =	ssyncset.done $0x0  }
0x68: {  	s15 =	stileid.u32;
	s14 =	rddreg [dreg:$0x15];
	[sflag:s0] =	ssyncadd.s32 $0xFFFFD8F0  }
0x69: {  	[tilespmem:s13], [sflag:$0x7] =	stream.linear.gather [hbm4b:s14+s1], $0x2710, $0x38;
	[tilespmem:$0x1FF80] =	vst v63  }
0x6a: {  	s12 =	sshll.u32 s15, $0x6;
	_ =	swait.ge [sflag:s0], $0x2710  }
0x6b: {  	s12 =	sor.u32 $0x1C07, s12;
	[sflag:s0] =	ssyncset.done $0x0;
	s17 =	rddreg [dreg:$0x17]  }
0x6c: {  	s14 =	rddreg [dreg:$0x4];
	[sflag:s0] =	ssyncadd.s32 $0xFFFFD8F0;
	s13 =	sshrl.u32 s17, $0x3  }
0x6d: {  	[spmem:s13], [sflag:s12] =	dma.local [hbm:s14], $0x500  }
0x6e: {  	_ =	swait.ge [sflag:s0], $0x500  }
0x6f: {  	[sflag:s0] =	ssyncset.done $0x0;
	s19 =	rddreg [dreg:$0x18]  }
0x70: {  	s15 =	rddreg [dreg:$0x5];
	[sflag:s0] =	ssyncadd.s32 $0xFFFFFB00;
	s14 =	sshrl.u32 s19, $0x3  }
0x71: {  	[spmem:s14], [sflag:s12] =	dma.local [hbm:s15], $0x500  }
0x72: {  	_ =	swait.ge [sflag:s0], $0x500  }
0x73: {  	[sflag:s0] =	ssyncset.done $0x0;
	s21 =	rddreg [dreg:$0x19]  }
0x74: {  	s17 =	rddreg [dreg:$0x6];
	[sflag:s0] =	ssyncadd.s32 $0xFFFFFB00;
	s15 =	sshrl.u32 s21, $0x3  }
0x75: {  	[spmem:s15], [sflag:s12] =	dma.local [hbm:s17], $0x500  }
0x76: {  	_ =	swait.ge [sflag:s0], $0x500  }
0x77: {  	[sflag:s0] =	ssyncset.done $0x0;
	s22 =	rddreg [dreg:$0x1a]  }
0x78: {  	s19 =	rddreg [dreg:$0x7];
	[sflag:s0] =	ssyncadd.s32 $0xFFFFFB00;
	s17 =	sshrl.u32 s22, $0x3  }
0x79: {  	[spmem:s17], [sflag:s12] =	dma.local [hbm:s19], $0x500  }
0x7a: {  	_ =	swait.ge [sflag:s0], $0x500  }
0x7b: {  	[sflag:s0] =	ssyncset.done $0x0;
	s23 =	rddreg [dreg:$0x1b]  }
0x7c: {  	s21 =	rddreg [dreg:$0x8];
	[sflag:s0] =	ssyncadd.s32 $0xFFFFFB00;
	s19 =	sshrl.u32 s23, $0x3  }
0x7d: {  	[spmem:s19], [sflag:s12] =	dma.local [hbm:s21], $0x500  }
0x7e: {  	_ =	swait.ge [sflag:s0], $0x500  }
0x7f: {  	[sflag:s0] =	ssyncset.done $0x0;
	s24 =	rddreg [dreg:$0x1c]  }
0x80: {  	s22 =	rddreg [dreg:$0x9];
	[sflag:s0] =	ssyncadd.s32 $0xFFFFFB00;
	s21 =	sshrl.u32 s24, $0x3  }
0x81: {  	[spmem:s21], [sflag:s12] =	dma.local [hbm:s22], $0x500  }
0x82: {  	_ =	swait.ge [sflag:s0], $0x500  }
0x83: {  	[sflag:s0] =	ssyncset.done $0x0;
	s25 =	rddreg [dreg:$0x1d]  }
0x84: {  	s23 =	rddreg [dreg:$0xa];
	[sflag:s0] =	ssyncadd.s32 $0xFFFFFB00;
	s22 =	sshrl.u32 s25, $0x3  }
0x85: {  	[spmem:s22], [sflag:s12] =	dma.local [hbm:s23], $0x500  }
0x86: {  	_ =	swait.ge [sflag:s0], $0x500  }
0x87: {  	[sflag:s0] =	ssyncset.done $0x0  }
0x88: {  	s23 =	sshrl.u32 @!p0 s16, $0x3;
	s24 =	rddreg [dreg:$0xb];
	[sflag:s0] =	ssyncadd.s32 $0xFFFFFB00  }
0x89: {  	[spmem:s23], [sflag:s12] =	dma.local @!p0 [hbm:s24], $0x500  }
0x8a: {  	s24 =	simm.s32 @!p0 $0x7  }
0x8b: {  	_ =	swait.ge @!p0 [sflag:s24], $0x500  }
0x8c: {  	[sflag:s24] =	ssyncset.done @!p0 $0x0  }
0x8d: {  	[sflag:s24] =	ssyncadd.s32 @!p0 $0xFFFFFB00  }
0x8e: {  	[tilespmem:s3], [sflag:$0x1] =	stream.indirect.gather [hbm4b:s20+s2], $0x80, s1, s2, $0xb8;
	[tilespmem:$0x1FF80] =	vst v63  }
0x8f: {  	s26 =	simm.s32 $0x6300  }
0x90: {  	[tilespmem:s26], [sflag:$0x2] =	stream.indirect.gather [hbm4b:s20+s2], $0x80, s2, s2, $0xb8;
	[tilespmem:$0x1FF80] =	vst v63  }
0x91: {  	s28 =	simm.s32 $0x50  }
0x92: {  	[tilespmem:s4], [sflag:$0x3] =	stream.indirect.gather [hbm4b:s20+s2], $0x80, s28, s2, $0xb8;
	[tilespmem:$0x1FF80] =	vst v63  }
0x93: {  	s29 =	simm.s32 $0x78  }
0x94: {  	[tilespmem:s5], [sflag:$0x4] =	stream.indirect.gather [hbm4b:s20+s2], $0x80, s29, s2, $0xb8;
	[tilespmem:$0x1FF80] =	vst v63  }
0x95: {  	s30 =	simm.s32 $0xA0  }
0x96: {  	[tilespmem:s6], [sflag:$0x5] =	stream.indirect.gather [hbm4b:s20+s2], $0x80, s30, s2, $0xb8;
	[tilespmem:$0x1FF80] =	vst v63  }
0x97: {  	s31 =	simm.s32 $0xC8;
	s25 =	simm.s32 $0xB300  }
0x98: {  	[tilespmem:s25], [sflag:$0x6] =	stream.indirect.gather [hbm4b:s20+s2], $0x80, s31, s2, $0xb8;
	[tilespmem:$0x1FF80] =	vst v63  }
0x99: {  	s24 =	simm.s32 $0x0;
	s25 =	simm.s32 $0x0;
	[bflag:$0x0] =	sbarrier.arrive $0xFFFF  }
.LBB2_2:
0x9a: {  	_ =	swait.ge [sflag:s7], $0x1400  }
0x9b: {  	s26 =	sshra.s32 s24, $0x2;
	[sflag:s7] =	ssyncset.done $0x0  }
0x9c: {  	s28 =	sadd.s32 $0x2780, s26;
	[sflag:s7] =	ssyncadd.s32 $0xFFFFEC00  }
0x9d: {  	[spmem:s18] =	stream.indirect.scatter.add.f32 [tilespmem:s3], [sflag:$0x7], $0x80, s28, s2, $0xb8;
	[tilespmem:$0x1FF80] =	vst v63  }
0x9e: {  	_ =	swait.ge [sflag:s0], $0x1400  }
0x9f: {  	p1 =	seq.s32 s24, $0x99C0;
	[sflag:s0] =	ssyncset.done $0x0  }
0xa0: {  	s28 =	simm.s32 @p1 $0x2;
	[sflag:s0] =	ssyncadd.s32 $0xFFFFEC00  }
0xa1: {  	_ =	swait.ge @p1 [sflag:s28], $0x1400  }
0xa2: {  	[sflag:s28] =	ssyncset.done @p1 $0x0  }
0xa3: {  	[sflag:s28] =	ssyncadd.s32 @p1 $0xFFFFEC00;
	s28 =	sshra.s32 @p1 s24, $0x2  }
0xa4: {  	s29 =	simm.s32 @p1 $0x28;
	s30 =	simm.s32 @p1 $0x6300;
	s28 =	sadd.s32 @p1 $0x27A8, s28  }
0xa5: {  	[spmem:s18] =	stream.indirect.scatter.add.f32 @p1 [tilespmem:s30], [sflag:$0x7], $0x80, s28, s29, $0xb8;
	[tilespmem:$0x1FF80] =	vst v63  }
0xa6: {  	s28 =	simm.s32 @p1 $0x7  }
0xa7: {  	_ =	swait.ge @p1 [sflag:s28], $0x1400  }
0xa8: {  	[sflag:s28] =	ssyncset.done @p1 $0x0  }
0xa9: {  	[sflag:s28] =	ssyncadd.s32 @p1 $0xFFFFEC00;
	s28 =	sshra.s32 @!p1 s24, $0x2  }
0xaa: {  	s31 =	simm.s32 @!p1 $0x4F00;
	s30 =	simm.s32 @!p1 $0x28;
	s29 =	sadd.s32 @!p1 $0xF0, s28  }
0xab: {  	[tilespmem:s31], [sflag:$0x1] =	stream.indirect.gather @!p1 [hbm4b:s20+s30], $0x80, s29, s30, $0xb8;
	[tilespmem:$0x1FF80] =	vst v63  }
0xac: {  	s29 =	simm.s32 @!p1 $0x2  }
0xad: {  	_ =	swait.ge @!p1 [sflag:s29], $0x1400  }
0xae: {  	[sflag:s29] =	ssyncset.done @!p1 $0x0  }
0xaf: {  	s31 =	simm.s32 @!p1 $0x6300;
	[sflag:s29] =	ssyncadd.s32 @!p1 $0xFFFFEC00;
	s29 =	sadd.s32 @!p1 $0x27A8, s28  }
0xb0: {  	[spmem:s18] =	stream.indirect.scatter.add.f32 @!p1 [tilespmem:s31], [sflag:$0x7], $0x80, s29, s30, $0xb8;
	[tilespmem:$0x1FF80] =	vst v63  }
0xb1: {  	s29 =	simm.s32 @!p1 $0x7  }
0xb2: {  	_ =	swait.ge @!p1 [sflag:s29], $0x1400  }
0xb3: {  	[sflag:s29] =	ssyncset.done @!p1 $0x0  }
0xb4: {  	s28 =	sadd.s32 @!p1 $0x118, s28;
	[sflag:s29] =	ssyncadd.s32 @!p1 $0xFFFFEC00  }
0xb5: {  	[tilespmem:s31], [sflag:$0x2] =	stream.indirect.gather @!p1 [hbm4b:s20+s30], $0x80, s28, s30, $0xb8;
	[tilespmem:$0x1FF80] =	vst v63  }
0xb6: {  	_ =	swait.ge [sflag:s8], $0x1400  }
0xb7: {  	[sflag:s8] =	ssyncset.done $0x0  }
.Ltmp2:
0xb8: {  	s31 =	sadd.s32 $0x27D0, s26;
	[sflag:s8] =	ssyncadd.s32 $0xFFFFEC00;
	(pc) =	sbr.rel @p1 .LBB2_6-.Ltmp2, $4  }
0xb9: {  	[spmem:s18] =	stream.indirect.scatter.add.f32 [tilespmem:s4], [sflag:$0x7], $0x80, s31, s2, $0xb8;
	[tilespmem:$0x1FF80] =	vst v63  }
0xba: {  	_ =	swait.ge [sflag:s0], $0x1400  }
0xbb: {  	[sflag:s0] =	ssyncset.done $0x0  }
0xbc: {  	[sflag:s0] =	ssyncadd.s32 $0xFFFFEC00  }
0xbd: {  	s28 =	sadd.s32 $0x140, s26  }
0xbe: {  	[tilespmem:s4], [sflag:$0x3] =	stream.indirect.gather [hbm4b:s20+s2], $0x80, s28, s2, $0xb8;
	[tilespmem:$0x1FF80] =	vst v63  }
0xbf: {  	_ =	swait.ge [sflag:s9], $0x1400  }
0xc0: {  	[sflag:s9] =	ssyncset.done $0x0  }
0xc1: {  	s29 =	sadd.s32 $0x27F8, s26;
	[sflag:s9] =	ssyncadd.s32 $0xFFFFEC00  }
0xc2: {  	[spmem:s18] =	stream.indirect.scatter.add.f32 [tilespmem:s5], [sflag:$0x7], $0x80, s29, s2, $0xb8;
	[tilespmem:$0x1FF80] =	vst v63  }
0xc3: {  	_ =	swait.ge [sflag:s0], $0x1400  }
0xc4: {  	[sflag:s0] =	ssyncset.done $0x0  }
0xc5: {  	s30 =	sadd.s32 $0x168, s26;
	[sflag:s0] =	ssyncadd.s32 $0xFFFFEC00  }
0xc6: {  	[tilespmem:s5], [sflag:$0x4] =	stream.indirect.gather [hbm4b:s20+s2], $0x80, s30, s2, $0xb8;
	[tilespmem:$0x1FF80] =	vst v63  }
0xc7: {  	_ =	swait.ge [sflag:s10], $0x1400  }
0xc8: {  	[sflag:s10] =	ssyncset.done $0x0  }
0xc9: {  	s31 =	sadd.s32 $0x2820, s26;
	[sflag:s10] =	ssyncadd.s32 $0xFFFFEC00  }
0xca: {  	[spmem:s18] =	stream.indirect.scatter.add.f32 [tilespmem:s6], [sflag:$0x7], $0x80, s31, s2, $0xb8;
	[tilespmem:$0x1FF80] =	vst v63  }
0xcb: {  	_ =	swait.ge [sflag:s0], $0x1400  }
0xcc: {  	p1 =	sgt.u32 s25, $0x27;
	[sflag:s0] =	ssyncset.done $0x0  }
0xcd: {  	s26 =	simm.s32 @p1 $0x6;
	[sflag:s0] =	ssyncadd.s32 $0xFFFFEC00  }
0xce: {  	_ =	swait.ge @p1 [sflag:s26], $0x1400  }
0xcf: {  	[sflag:s26] =	ssyncset.done @p1 $0x0  }
0xd0: {  	[sflag:s26] =	ssyncadd.s32 @p1 $0xFFFFEC00;
	s26 =	sshra.s32 @p1 s24, $0x2  }
0xd1: {  	s28 =	simm.s32 @p1 $0x28;
	s29 =	simm.s32 @p1 $0xB300;
	s26 =	sadd.s32 @p1 $0x2848, s26  }
0xd2: {  	[spmem:s18] =	stream.indirect.scatter.add.f32 @p1 [tilespmem:s29], [sflag:$0x7], $0x80, s26, s28, $0xb8;
	[tilespmem:$0x1FF80] =	vst v63  }
0xd3: {  	s26 =	simm.s32 @p1 $0x7  }
0xd4: {  	_ =	swait.ge @p1 [sflag:s26], $0x1400  }
0xd5: {  	[sflag:s26] =	ssyncset.done @p1 $0x0  }
0xd6: {  	[sflag:s26] =	ssyncadd.s32 @p1 $0xFFFFEC00;
	s26 =	sshra.s32 @!p1 s24, $0x2  }
0xd7: {  	s30 =	simm.s32 @!p1 $0x9F00;
	s29 =	simm.s32 @!p1 $0x28;
	s28 =	sadd.s32 @!p1 $0x190, s26  }
0xd8: {  	[tilespmem:s30], [sflag:$0x5] =	stream.indirect.gather @!p1 [hbm4b:s20+s29], $0x80, s28, s29, $0xb8;
	[tilespmem:$0x1FF80] =	vst v63  }
0xd9: {  	s28 =	simm.s32 @!p1 $0x6  }
0xda: {  	_ =	swait.ge @!p1 [sflag:s28], $0x1400  }
0xdb: {  	[sflag:s28] =	ssyncset.done @!p1 $0x0  }
0xdc: {  	s30 =	simm.s32 @!p1 $0xB300;
	[sflag:s28] =	ssyncadd.s32 @!p1 $0xFFFFEC00;
	s28 =	sadd.s32 @!p1 $0x2848, s26  }
0xdd: {  	[spmem:s18] =	stream.indirect.scatter.add.f32 @!p1 [tilespmem:s30], [sflag:$0x7], $0x80, s28, s29, $0xb8;
	[tilespmem:$0x1FF80] =	vst v63  }
0xde: {  	s28 =	simm.s32 @!p1 $0x7  }
0xdf: {  	_ =	swait.ge @!p1 [sflag:s28], $0x1400  }
0xe0: {  	[sflag:s28] =	ssyncset.done @!p1 $0x0  }
0xe1: {  	s24 =	sadd.s32 $0x3C0, s24;
	s26 =	sadd.s32 @!p1 $0x1B8, s26;
	[sflag:s28] =	ssyncadd.s32 @!p1 $0xFFFFEC00  }
0xe2: {  	[tilespmem:s30], [sflag:$0x6] =	stream.indirect.gather @!p1 [hbm4b:s20+s29], $0x80, s26, s29, $0xb8;
	[tilespmem:$0x1FF80] =	vst v63  }
0xe3: {  	p1 =	sne.s32 s24, $0x9D80  }
.Ltmp3:
0xe4: {  	_ = 	snop;
	(pc) =	sbr.rel @p1 .LBB2_2-.Ltmp3, $4  }
.Ltmp4:
0xe5: {  	_ = 	snop;
	(pc) =	sbr.rel @!p1 .LBB2_4-.Ltmp4, $4  }
0xe6: {  	_ = 	snop  }
0xe7: {  	_ = 	snop  }
0xe8: {  	s25 =	sadd.s32 $0x1, s25  }
0xe9: {  	_ = 	snop  }
.LBB2_5:
0xea: {  	_ =	sfence.sel $0x180000  }
0xeb: {  	[bflag:$0x0] =	sbarrier.arrive $0xFFFF  }
0xec: {  	_ =	strace $0x9000004A  }
0xed: {  	s0 =	stileid.u32;
	[bflag:$0x2] =	sbarrier.arrive $0xFFFF  }
0xee: {  	p0 =	sne.s32 s0, $0x0;
	s0 =	rddreg [dreg:$0x3]  }
0xef: {  	s0 =	sadd.s32 @!p0 $0x100000, s0  }
0xf0: {  	[sflag:s0] =	ssyncadd.tile.s32 @!p0 $0x1;
	_ =	shalt  }
.Lfunc_end2:
_tile_overlayer_lowered:
.L_overlay_start_2:
0xf1: {  	(tag) =	ssettag $0x2  }
0xf2: {  	s0 =	rddreg [dreg:$0x0];
	s2 =	stileid.u32  }
0xf3: {  	s1 =	rddreg [dreg:$0x1];
	p0 =	sne.s32 s2, $0x0  }
0xf4: {  	s3 =	rddreg [dreg:$0x2];
	[bflag:$0x3] =	sbarrier.arrive $0xFFFF;
	s2 =	simm.s32 @!p0 $0x1C07  }
0xf5: {  	[timem:s3], [sflag:s2] =	dma.local @!p0 [hbm:s0], s1  }
0xf6: {  	s0 =	simm.s32 @!p0 $0x7  }
0xf7: {  	_ =	swait.ge @!p0 [sflag:s0], s1  }
0xf8: {  	s1 =	ssub.s32 @!p0 $0x0, s1;
	[sflag:s0] =	ssyncset.done @!p0 $0x0  }
0xf9: {  	[sflag:s0] =	ssyncadd.s32 @!p0 s1  }
0xfa: {  	[bflag:$0x3] =	sbarrier.arrive $0xFFFF  }
0xfb: {  	_ =	shalt  }

// kernel: kernel.14.cloned.1.call-start
scs
__scs_entry_jumppad:
0x0: {  	(pc) =	sbr.rel $0x88, $3  }
0x1: {  	(tag) =	ssettag $0x0;
	lr =	simm.s32 $0x1  }
0x2: {  	[smem:$0x3F8D] =	sst lr;
	_ =	strace $0xD0000000  }
0x3: {  	_ = 	snop  }
0x4: {  	_ = 	snop  }
0x5: {  	_ = 	snop  }
0x6: {  	_ = 	snop  }
0x7: {  	_ = 	snop  }
__scs_overlays_trampoline_lowered:
0x8: {  	[smem:$0x3F9C] =	sst s0  }
0x9: {  	[smem:$0x3F9D] =	sst s1  }
0xa: {  	[smem:$0x3F9E] =	sst s2  }
0xb: {  	[smem:$0x3F9F] =	sst s3  }
0xc: {  	[smem:$0x3FA0] =	sst s4  }
0xd: {  	[smem:$0x3FA1] =	sst s5  }
0xe: {  	[smem:$0x3FA2] =	sst s6  }
0xf: {  	[smem:$0x3FA3] =	sst s7  }
0x10: {  	[smem:$0x3FA4] =	sst s8  }
0x11: {  	[smem:$0x3FA5] =	sst s9;
	s0 =	simm.s32 @!p0 $0x0  }
0x12: {  	s1 =	sld [smem:$0x3F8B];
	s0 =	simm.s32 @p0 $0x1  }
0x13: {  	[smem:$0x3FA6] =	sst s0;
	s0 =	simm.s32 @!p1 $0x0  }
0x14: {  	s2 =	sld [smem:$0x3F8A];
	s0 =	simm.s32 @p1 $0x1  }
0x15: {  	[smem:$0x3FA7] =	sst s0;
	s0 =	simm.s32 @!p2 $0x0  }
0x16: {  	s3 =	sld [smem:$0x3FDB];
	s0 =	simm.s32 @p2 $0x1  }
0x17: {  	s4 =	simm.s32 $0x1BF5;
	[smem:$0x3FA9] =	sst s0  }
0x18: {  	s0 =	sld [smem:$0x3F8C];
	_ =	swait.ge [sflag:s4], $0x0  }
0x19: {  	s7 =	sld [smem:$0x3F8D]  }
0x1a: {  	s8 =	sadd.s32 $0xFFFFE003, lr  }
0x1b: {  	s9 =	sadd.s32 $0xFFFFFEF7, lr;
	s5 =	simm.s32 $0xFFFFFFFF;
	p2 =	slt.u32 s8, $0xFFFFF086  }
0x1c: {  	p1 =	slt.u32 s9, $0xF7A;
	s5 =	simm.s32 @!p2 $0x0  }
0x1d: {  	s5 =	simm.s32 @p1 $0x1;
	p0 =	seq.s32 s7, s2  }
0x1e: {  	s7 =	smul.u32 @!p0 $0xF7A, s2;
	p2 =	seq.s32 @!p0 s5, $0x0  }
0x1f: {  	s9 =	smul.u32 $0xF7A, s1;
	s8 =	simm.s32 @!p0 $0x1BF5;
	p2 =	por !p2, p0  }
0x20: {  	[sflag:s8] =	ssyncset.s32 @!p0 $0xFFFFF086;
	s6 =	sadd.s32 @!p0 s3, s7;
	s7 =	simm.s32 @!p0 $0x108  }
0x21: {  	s3 =	sadd.s32 s3, s9;
	s6 =	sadd.s32 @!p0 $0x88, s6;
	s7 =	simm.s32 @p2 $0x1082  }
0x22: {  	[simem:s7], [sflag:s8] =	dma.local @!p0 [hbm:s6], $0xF7A  }
0x23: {  	s9 =	sor.u32 $0xD0000000, s2;
	s6 =	simm.s32 $0x108;
	_ =	swait.ge @!p0 [sflag:s8], $0x0  }
0x24: {  	s3 =	sadd.s32 $0x88, s3;
	s6 =	simm.s32 @!p1 $0x1082;
	[sflag:s4] =	ssyncset.s32 $0xFFFFF086  }
0x25: {  	[simem:s6], [sflag:s4] =	dma.local [hbm:s3], $0xF7A  }
0x26: {  	[smem:$0x3F8D] =	sst s1;
	(tag) =	ssettag s2;
	_ =	strace s9  }
0x27: {  	s1 =	sld [smem:$0x3F9D]  }
0x28: {  	s2 =	sld [smem:$0x3F9E]  }
0x29: {  	s4 =	sld [smem:$0x3FA0]  }
0x2a: {  	p0 =	seq.s32 s5, $0x0;
	s5 =	sld [smem:$0x3FA1]  }
0x2b: {  	s6 =	sld [smem:$0x3FA2]  }
0x2c: {  	s7 =	sld [smem:$0x3FA3]  }
0x2d: {  	s3 =	simm.s32 $0x108;
	s8 =	sld [smem:$0x3FA4]  }
0x2e: {  	s3 =	simm.s32 @!p0 $0x1082;
	s9 =	sld [smem:$0x3FA5]  }
0x2f: {  	lr =	sadd.s32 s0, s3;
	s0 =	sld [smem:$0x3F9C]  }
0x30: {  	s3 =	sld [smem:$0x3F9F]  }
0x31: {  	[smem:$0x3FA8] =	sst s10  }
0x32: {  	s10 =	sld [smem:$0x3FA6];
	_ =	sdelay $0x3  }
0x33: {  	p0 =	seq.s32 s10, $0x1;
	s10 =	sld [smem:$0x3FA8];
	_ =	sdelay $0x3  }
0x34: {  	[smem:$0x3FA8] =	sst s10  }
0x35: {  	s10 =	sld [smem:$0x3FA7];
	_ =	sdelay $0x3  }
0x36: {  	p1 =	seq.s32 s10, $0x1;
	s10 =	sld [smem:$0x3FA8];
	_ =	sdelay $0x3  }
0x37: {  	[smem:$0x3FA8] =	sst s10  }
0x38: {  	s10 =	sld [smem:$0x3FA9]  }
0x39: {  	_ = 	snop;
	(pc) =	sbr.ind lr, $3  }
0x3a: {  	_ = 	snop  }
0x3b: {  	_ = 	snop  }
0x3c: {  	p2 =	seq.s32 s10, $0x1;
	s10 =	sld [smem:$0x3FA8]  }
0x3d: {  	_ =	shalt  }
0x3e: {  	_ =	shalt  }
0x3f: {  	_ =	shalt  }
0x40: {  	_ =	shalt  }
0x41: {  	_ =	shalt  }
0x42: {  	_ =	shalt  }
0x43: {  	_ =	shalt  }
0x44: {  	_ =	shalt  }
0x45: {  	_ =	shalt  }
0x46: {  	_ =	shalt  }
0x47: {  	_ =	shalt  }
0x48: {  	_ =	shalt  }
0x49: {  	_ =	shalt  }
0x4a: {  	_ =	shalt  }
0x4b: {  	_ =	shalt  }
0x4c: {  	_ =	shalt  }
0x4d: {  	_ =	shalt  }
0x4e: {  	_ =	shalt  }
0x4f: {  	_ =	shalt  }
0x50: {  	_ =	shalt  }
0x51: {  	_ =	shalt  }
0x52: {  	_ =	shalt  }
0x53: {  	_ =	shalt  }
0x54: {  	_ =	shalt  }
0x55: {  	_ =	shalt  }
0x56: {  	_ =	shalt  }
0x57: {  	_ =	shalt  }
0x58: {  	_ =	shalt  }
0x59: {  	_ =	shalt  }
0x5a: {  	_ =	shalt  }
0x5b: {  	_ =	shalt  }
0x5c: {  	_ =	shalt  }
0x5d: {  	_ =	shalt  }
0x5e: {  	_ =	shalt  }
0x5f: {  	_ =	shalt  }
0x60: {  	_ =	shalt  }
0x61: {  	_ =	shalt  }
0x62: {  	_ =	shalt  }
0x63: {  	_ =	shalt  }
0x64: {  	_ =	shalt  }
0x65: {  	_ =	shalt  }
0x66: {  	_ =	shalt  }
0x67: {  	_ =	shalt  }
0x68: {  	_ =	shalt  }
0x69: {  	_ =	shalt  }
0x6a: {  	_ =	shalt  }
0x6b: {  	_ =	shalt  }
0x6c: {  	_ =	shalt  }
0x6d: {  	_ =	shalt  }
0x6e: {  	_ =	shalt  }
0x6f: {  	_ =	shalt  }
0x70: {  	_ =	shalt  }
0x71: {  	_ =	shalt  }
0x72: {  	_ =	shalt  }
0x73: {  	_ =	shalt  }
0x74: {  	_ =	shalt  }
0x75: {  	_ =	shalt  }
0x76: {  	_ =	shalt  }
0x77: {  	_ =	shalt  }
0x78: {  	_ =	shalt  }
0x79: {  	_ =	shalt  }
0x7a: {  	_ =	shalt  }
0x7b: {  	_ =	shalt  }
0x7c: {  	_ =	shalt  }
0x7d: {  	_ =	shalt  }
0x7e: {  	_ =	shalt  }
0x7f: {  	_ =	shalt  }
0x80: {  	_ =	shalt  }
0x81: {  	_ =	shalt  }
0x82: {  	_ =	shalt  }
0x83: {  	_ =	shalt  }
0x84: {  	_ =	shalt  }
0x85: {  	_ =	shalt  }
0x86: {  	_ =	shalt  }
0x87: {  	_ =	shalt  }
.Lfunc_end0:
.L_simem_size_0:
called_computation.2_lowered:
.L_overlay_start_0:
0x88: {  	s2 =	sld [smem:$0x3FD9]  }
0x89: {  	s3 =	sld [smem:$0x3FFE];
	_ =	sdelay $0x1  }
0x8a: {  	s1 =	srdreg.scid  }
0x8b: {  	s0 =	sand.u32 $0x1, s1  }
0x8c: {  	s17 =	sshll.u32 s0, $0xA;
	s2 =	sadd.s32 s3, s2  }
0x8d: {  	s2 =	sadd.s32 s2, s17  }
0x8e: {  	[smem:$0x3FB4] =	sst s2  }
0x8f: {  	_ = 	snop  }
0x90: {  	s2 =	sld [smem:$0x3FD0];
	(tm) =	ssettm $0x1  }
0x91: {  	s18 =	sld [smem:$0x3FFB];
	_ =	sdelay $0x3  }
0x92: {  	_ =	strace s18  }
0x93: {  	s3 =	sld [smem:$0x3FFC];
	_ =	sdelay $0x3  }
0x94: {  	_ =	strace s3  }
0x95: {  	s3 =	sld [smem:$0x3FFD];
	_ =	sdelay $0x3  }
0x96: {  	_ =	strace s3  }
0x97: {  	_ =	strace $0x8FFFFFFF  }
0x98: {  	s19 =	sld [smem:$0x3FDB];
	_ =	sdelay $0x1  }
0x99: {  	s4 =	simm.s32 $_scs_section_size  }
0x9a: {  	s5 =	simm.s32 $_size__tile_overlayer_lowered;
	s6 =	simm.s32 $_tile_overlayer_lowered  }
0x9b: {  	s22 =	simm.s32 $0x1BFF;
	s21 =	sshll.u32 s6, $0x1;
	s3 =	sadd.s32 s4, s19  }
0x9c: {  	s7 =	simm.s32 $0x0;
	s20 =	sshll.u32 s5, $0x1;
	s5 =	sadd.s32 s21, s3  }
0x9d: {  	[timem:s7], [sflag:s22] =	dma.local [hbm:s5], s20  }
0x9e: {  	_ =	swait.ge [sflag:s22], s20  }
0x9f: {  	s4 =	ssub.s32 $0x0, s20;
	[sflag:s22] =	ssyncset.done $0x0  }
0xa0: {  	[sflag:s22] =	ssyncadd.s32 s4;
	_ =	sdelay $0x1  }
0xa1: {  	s23 =	simm.s32 $0x1B8B  }
0xa2: {  	_ =	swait.ge [sflag:s23], $0x1  }
0xa3: {  	[sflag:s23] =	ssyncset.done $0x0  }
0xa4: {  	s25 =	simm.s32 $0x1B8E;
	s24 =	sld [smem:$0x3FFE];
	[sflag:s23] =	ssyncadd.s32 $0xFFFFFFFF  }
0xa5: {  	s26 =	simm.s32 $execute0_lowered;
	[smem:$0x3FD2] =	sst s25  }
0xa6: {  	s5 =	sshll.u32 s26, $0x1;
	_ =	strace $0x8000004C;
	[dreg:$0x1] =	wrdreg $0xFFFFFFFF  }
0xa7: {  	s28 =	simm.s32 $_size_execute0_lowered;
	s3 =	sadd.s32 s3, s5;
	[dreg:$0x0] =	wrdreg $0x0  }
0xa8: {  	s5 =	sshll.u32 s28, $0x1;
	[dreg:$0x2] =	wrdreg s3  }
0xa9: {  	[dreg:$0x3] =	wrdreg s5  }
0xaa: {  	[dreg:$0x4] =	wrdreg $0xC0  }
0xab: {  	_ =	task [dreg:s7], $0x5FFFF  }
0xac: {  	[dreg:$0x1] =	wrdreg $0xFFFFFFFF  }
0xad: {  	[dreg:$0x0] =	wrdreg $0x60  }
0xae: {  	[dreg:$0x2] =	wrdreg s24  }
0xaf: {  	[dreg:$0x3] =	wrdreg s2  }
0xb0: {  	[dreg:$0x4] =	wrdreg $0xC7000  }
0xb1: {  	[dreg:$0x5] =	wrdreg $0x9  }
0xb2: {  	_ =	task.clear_ibuf [dreg:s7], $0x6FFFF;
	_ =	strace $0x9000004C  }
0xb3: {  	s29 =	simm.s32 $0x9;
	_ =	strace $0x8000004E  }
0xb4: {  	_ =	swait.ge [sflag:s29], $0x1  }
0xb5: {  	[sflag:s29] =	ssyncadd.s32 $0xFFFFFFFF  }
0xb6: {  	_ =	strace $0x9000004E  }
0xb7: {  	_ =	sfence  }
0xb8: {  	s30 =	sld [smem:$0x0];
	_ =	sdelay $0x2  }
0xb9: {  	s31 =	sshll.u32 s1, $0xD;
	s1 =	sshrl.u32 s1, $0x2  }
0xba: {  	s3 =	sand.u32 $0x4000, s31;
	s1 =	sadd.s32 s1, s30  }
0xbb: {  	s0 =	sor.u32 s3, s0;
	s1 =	sshll.u32 s1, $0x11  }
0xbc: {  	s0 =	sor.u32 s1, s0  }
0xbd: {  	s0 =	sadd.s32 $0x8F2B, s0  }
0xbe: {  	[sflag:s0] =	ssyncadd.remote.s32 $0x1  }
0xbf: {  	_ =	sfence.sel $0xFFFF  }
0xc0: {  	[dreg:$0x0] =	wrdreg $0xFFFFFFFF;
	(pc) =	sbr.abs _section_cstart, $3  }
0xc1: {  	[dreg:$0x1] =	wrdreg $0xFFFFFFFF  }
0xc2: {  	_ =	task.clear_ibuf [dreg:s7], $0x2FFFF;
	_ =	strace $0x9FFFFFFF  }
0xc3: {  	(tm) =	ssettm $0x7FFFFFFF  }
tec
execute0_lowered:
.L_overlay_start_1:
0x0: {  	(tag) =	ssettag $0x1  }
0x1: {  	s23 =	stileid.u32  }
0x2: {  	s0 =	srdreg.scid;
	s10 =	smul.u32 $0x500, s23  }
0x3: {  	s8 =	sand.u32 $0x1, s0;
	s22 =	smul.u32 $0x2800, s23  }
0x4: {  	s7 =	sor.u32 $0x10, s23;
	s9 =	smul.u32 $0x138800, s8  }
0x5: {  	s6 =	sor.u32 $0x20, s23;
	s11 =	smul.u32 $0x500, s7  }
0x6: {  	s5 =	sor.u32 $0x30, s23;
	s12 =	smul.u32 $0x500, s6  }
0x7: {  	s4 =	sor.u32 $0x40, s23;
	s13 =	smul.u32 $0x500, s5  }
0x8: {  	s3 =	sor.u32 $0x50, s23;
	s14 =	smul.u32 $0x500, s4  }
0x9: {  	s2 =	sor.u32 $0x60, s23;
	s15 =	smul.u32 $0x500, s3  }
0xa: {  	s0 =	sor.u32 $0x70, s23;
	s17 =	smul.u32 $0x500, s2  }
0xb: {  	s19 =	smul.u32 $0x500, s0  }
0xc: {  	s31 =	smul.u32 $0x2800, s5  }
0xd: {  	s24 =	smul.u32 $0x2800, s3  }
0xe: {  	s26 =	smul.u32 $0x2800, s2  }
0xf: {  	s16 =	rddreg [dreg:$0x1];
	s1 =	simm.s32 $0x0;
	s5 =	smul.u32 $0xA000, s5  }
0x10: {  	s20 =	sshll.u32 s23, $0x1;
	[smem:$0x7FF] =	sst s1;
	s3 =	smul.u32 $0xA000, s3  }
0x11: {  	s18 =	ssub.s32 $0x2, s8;
	s8 =	sor.u32 s8, s20;
	s2 =	smul.u32 $0xA000, s2  }
0x12: {  	p0 =	sgt.u32 s0, $0x7C;
	s21 =	sshrl.u32 s18, $0x1;
	s8 =	smul.u32 $0x4E2, s8  }
0x13: {  	s10 =	sadd.s32 s16, s10;
	s21 =	ssub.s32 s18, s21;
	s18 =	smul.u32 $0x2800, s7  }
0x14: {  	[dreg:$0x4] =	wrdreg s10;
	s28 =	sadd.s32 s16, s11;
	s10 =	smul.u32 $0x2800, s6  }
0x15: {  	s29 =	sadd.s32 s16, s12;
	s30 =	sadd.s32 s16, s13;
	s13 =	sadd.s32 s16, s14  }
0x16: {  	s14 =	sadd.s32 s16, s15;
	s15 =	smul.u32 $0x2800, s4;
	[dreg:$0x5] =	wrdreg s28  }
0x17: {  	s17 =	sadd.s32 s16, s17;
	s20 =	sadd.s32 s16, s19;
	[dreg:$0x6] =	wrdreg s29  }
0x18: {  	s25 =	sadd.s32 s9, s22;
	s7 =	smul.u32 $0xA000, s7;
	[dreg:$0x7] =	wrdreg s30  }
0x19: {  	s11 =	sadd.s32 s9, s31;
	s6 =	smul.u32 $0xA000, s6;
	[dreg:$0x8] =	wrdreg s13  }
0x1a: {  	s4 =	smul.u32 $0xA000, s4;
	s5 =	sshrl.u32 s5, $0x2;
	[dreg:$0x9] =	wrdreg s14  }
0x1b: {  	s3 =	sshrl.u32 s3, $0x2;
	s2 =	sshrl.u32 s2, $0x2;
	[dreg:$0xa] =	wrdreg s17  }
0x1c: {  	[dreg:$0xb] =	wrdreg s20;
	s29 =	smul.u32 $0x2800, s0;
	s13 =	sadd.s32 s9, s24  }
0x1d: {  	s30 =	rddreg [dreg:$0x0];
	s14 =	sshrl.u32 s25, $0x3;
	s20 =	sshrl.u32 s11, $0x3  }
0x1e: {  	s0 =	smul.u32 $0xA000, s0;
	s11 =	simm.s32 $0x0;
	s28 =	sadd.s32 s9, s18  }
0x1f: {  	s10 =	sadd.s32 s9, s10;
	s12 =	sadd.s32 s9, s15;
	s15 =	sadd.s32 s9, s26  }
0x20: {  	s31 =	sadd.s32 $0x3EC00, s30;
	s24 =	sshrl.u32 s13, $0x3;
	s8 =	sadd.s32 s8, s30  }
0x21: {  	s7 =	sshrl.u32 s7, $0x2;
	s6 =	sshrl.u32 s6, $0x2;
	s14 =	sadd.s32 s31, s14  }
0x22: {  	s4 =	sshrl.u32 s4, $0x2;
	s25 =	sadd.s32 s31, s24;
	[dreg:$0xc] =	wrdreg s14  }
0x23: {  	s9 =	sadd.s32 s9, s29;
	s18 =	sshrl.u32 s28, $0x3;
	[dreg:$0x11] =	wrdreg s25  }
0x24: {  	s10 =	sshrl.u32 s10, $0x3;
	s14 =	sadd.s32 s31, s18;
	s18 =	rddreg [dreg:$0x2]  }
0x25: {  	s22 =	sshrl.u32 s12, $0x3;
	s10 =	sadd.s32 s31, s10;
	[dreg:$0xd] =	wrdreg s14  }
0x26: {  	s9 =	sshrl.u32 s9, $0x3;
	[dreg:$0xe] =	wrdreg s10;
	s10 =	sadd.s32 s31, s20  }
0x27: {  	s26 =	sshrl.u32 s15, $0x3;
	s9 =	sadd.s32 s31, s9;
	[dreg:$0xf] =	wrdreg s10  }
0x28: {  	s28 =	sadd.s32 $0xDC00, s8;
	s10 =	sadd.s32 s31, s22;
	[dreg:$0x13] =	wrdreg s9  }
0x29: {  	s29 =	smul.u32 $0xA000, s23;
	[dreg:$0x10] =	wrdreg s10;
	s10 =	sadd.s32 s31, s26  }
0x2a: {  	s8 =	sadd.s32 $0x3E00, s8;
	s0 =	sshrl.u32 s0, $0x2;
	[dreg:$0x12] =	wrdreg s10  }
0x2b: {  	s20 =	sadd.s32 $0x17A00, s30;
	_ =	strace $0x8000004D;
	[dreg:$0x14] =	wrdreg s28  }
0x2c: {  	s30 =	smax.u32 s21, $0x1;
	s7 =	sadd.s32 s7, s18;
	[dreg:$0x15] =	wrdreg s8  }
0x2d: {  	s6 =	sadd.s32 s6, s18;
	s5 =	sadd.s32 s5, s18;
	[dreg:$0x16] =	wrdreg s30  }
0x2e: {  	s4 =	sadd.s32 s4, s18;
	s3 =	sadd.s32 s3, s18;
	[dreg:$0x18] =	wrdreg s7  }
0x2f: {  	s2 =	sadd.s32 s2, s18;
	s16 =	sadd.s32 s0, s18;
	[dreg:$0x19] =	wrdreg s6  }
0x30: {  	s0 =	simm.s32 $0x7;
	s9 =	simm.s32 $0x4;
	[dreg:$0x1a] =	wrdreg s5  }
.Ltmp0:
0x31: {  	s31 =	sshrl.u32 s29, $0x2;
	[dreg:$0x1b] =	wrdreg s4;
	(pc) =	sbr.rel .LBB2_1-.Ltmp0, $4  }
0x32: {  	s10 =	simm.s32 $0x5;
	s8 =	sadd.s32 s31, s18;
	[dreg:$0x1c] =	wrdreg s3  }
0x33: {  	[dreg:$0x1d] =	wrdreg s2;
	s2 =	simm.s32 $0x28;
	s3 =	simm.s32 $0x4F00  }
0x34: {  	s4 =	simm.s32 $0x7700;
	s5 =	simm.s32 $0x8B00;
	s6 =	simm.s32 $0x9F00  }
0x35: {  	s7 =	simm.s32 $0x1;
	[dreg:$0x17] =	wrdreg s8;
	s8 =	simm.s32 $0x3  }
.LBB2_6:
0x36: {  	_ =	swait.ge [sflag:s9], $0x1400  }
0x37: {  	[sflag:s9] =	ssyncset.done $0x0  }
0x38: {  	s24 =	sadd.s32 $0x27F8, s26;
	[sflag:s9] =	ssyncadd.s32 $0xFFFFEC00  }
0x39: {  	[spmem:s18] =	stream.indirect.scatter.add.f32 [tilespmem:s5], [sflag:$0x7], $0x80, s24, s2, $0xb8;
	[tilespmem:$0x1FF80] =	vst v63  }
0x3a: {  	_ =	swait.ge [sflag:s0], $0x1400  }
0x3b: {  	[sflag:s0] =	ssyncset.done $0x0  }
0x3c: {  	[sflag:s0] =	ssyncadd.s32 $0xFFFFEC00  }
.LBB2_4:
0x3d: {  	[bflag:$0x0] =	sbarrier.arrive $0xFFFF  }
0x3e: {  	s24 =	rddreg [dreg:$0xc]  }
0x3f: {  	[hbm:s24], [sflag:s12] =	dma.local [spmem:s13], $0x500  }
0x40: {  	_ =	swait.ge [sflag:s0], $0x500  }
0x41: {  	[sflag:s0] =	ssyncset.done $0x0  }
0x42: {  	s24 =	rddreg [dreg:$0xd];
	[sflag:s0] =	ssyncadd.s32 $0xFFFFFB00  }
0x43: {  	[hbm:s24], [sflag:s12] =	dma.local [spmem:s14], $0x500  }
0x44: {  	_ =	swait.ge [sflag:s0], $0x500  }
0x45: {  	[sflag:s0] =	ssyncset.done $0x0  }
0x46: {  	s25 =	rddreg [dreg:$0xe];
	[sflag:s0] =	ssyncadd.s32 $0xFFFFFB00  }
0x47: {  	[hbm:s25], [sflag:s12] =	dma.local [spmem:s15], $0x500  }
0x48: {  	_ =	swait.ge [sflag:s0], $0x500  }
0x49: {  	[sflag:s0] =	ssyncset.done $0x0  }
0x4a: {  	s26 =	rddreg [dreg:$0xf];
	[sflag:s0] =	ssyncadd.s32 $0xFFFFFB00  }
0x4b: {  	[hbm:s26], [sflag:s12] =	dma.local [spmem:s17], $0x500  }
0x4c: {  	_ =	swait.ge [sflag:s0], $0x500  }
0x4d: {  	[sflag:s0] =	ssyncset.done $0x0  }
0x4e: {  	s28 =	rddreg [dreg:$0x10];
	[sflag:s0] =	ssyncadd.s32 $0xFFFFFB00  }
0x4f: {  	[hbm:s28], [sflag:s12] =	dma.local [spmem:s19], $0x500  }
0x50: {  	_ =	swait.ge [sflag:s0], $0x500  }
0x51: {  	[sflag:s0] =	ssyncset.done $0x0  }
0x52: {  	s29 =	rddreg [dreg:$0x11];
	[sflag:s0] =	ssyncadd.s32 $0xFFFFFB00  }
0x53: {  	[hbm:s29], [sflag:s12] =	dma.local [spmem:s21], $0x500  }
0x54: {  	_ =	swait.ge [sflag:s0], $0x500  }
0x55: {  	[sflag:s0] =	ssyncset.done $0x0  }
0x56: {  	s30 =	rddreg [dreg:$0x12];
	[sflag:s0] =	ssyncadd.s32 $0xFFFFFB00  }
0x57: {  	[hbm:s30], [sflag:s12] =	dma.local [spmem:s22], $0x500  }
0x58: {  	_ =	swait.ge [sflag:s0], $0x500  }
0x59: {  	[sflag:s0] =	ssyncset.done $0x0  }
0x5a: {  	s13 =	rddreg [dreg:$0x13];
	[sflag:s0] =	ssyncadd.s32 $0xFFFFFB00  }
0x5b: {  	[hbm:s13], [sflag:s12] =	dma.local @!p0 [spmem:s23], $0x500  }
0x5c: {  	s12 =	simm.s32 @!p0 $0x7  }
0x5d: {  	_ =	swait.ge @!p0 [sflag:s12], $0x500  }
0x5e: {  	s11 =	sadd.s32 $0x1, s11;
	s31 =	rddreg [dreg:$0x16]  }
0x5f: {  	p1 =	sne.s32 s11, s31  }
.Ltmp1:
0x60: {  	_ = 	snop;
	(pc) =	sbr.rel @!p1 .LBB2_5-.Ltmp1, $3  }
0x61: {  	_ =	sdelay $0x1  }
0x62: {  	[sflag:s12] =	ssyncset.done @!p0 $0x0  }
0x63: {  	[sflag:s12] =	ssyncadd.s32 @!p0 $0xFFFFFB00  }
.LBB2_1:
0x64: {  	s12 =	rddreg [dreg:$0x14]  }
0x65: {  	[tilespmem:s1], [sflag:$0x7] =	stream.linear.gather [hbm4b:s12+s1], $0x2710, $0x38;
	[tilespmem:$0x1FF80] =	vst v63  }
0x66: {  	_ =	swait.ge [sflag:s0], $0x2710  }
0x67: {  	s13 =	simm.s32 $0x2780;
	[sflag:s0] =	ssyncset.done $0x0  }
0x68: {  	s15 =	stileid.u32;
	s14 =	rddreg [dreg:$0x15];
	[sflag:s0] =	ssyncadd.s32 $0xFFFFD8F0  }
0x69: {  	[tilespmem:s13], [sflag:$0x7] =	stream.linear.gather [hbm4b:s14+s1], $0x2710, $0x38;
	[tilespmem:$0x1FF80] =	vst v63  }
0x6a: {  	s12 =	sshll.u32 s15, $0x6;
	_ =	swait.ge [sflag:s0], $0x2710  }
0x6b: {  	s12 =	sor.u32 $0x1C07, s12;
	[sflag:s0] =	ssyncset.done $0x0;
	s17 =	rddreg [dreg:$0x17]  }
0x6c: {  	s14 =	rddreg [dreg:$0x4];
	[sflag:s0] =	ssyncadd.s32 $0xFFFFD8F0;
	s13 =	sshrl.u32 s17, $0x3  }
0x6d: {  	[spmem:s13], [sflag:s12] =	dma.local [hbm:s14], $0x500  }
0x6e: {  	_ =	swait.ge [sflag:s0], $0x500  }
0x6f: {  	[sflag:s0] =	ssyncset.done $0x0;
	s19 =	rddreg [dreg:$0x18]  }
0x70: {  	s15 =	rddreg [dreg:$0x5];
	[sflag:s0] =	ssyncadd.s32 $0xFFFFFB00;
	s14 =	sshrl.u32 s19, $0x3  }
0x71: {  	[spmem:s14], [sflag:s12] =	dma.local [hbm:s15], $0x500  }
0x72: {  	_ =	swait.ge [sflag:s0], $0x500  }
0x73: {  	[sflag:s0] =	ssyncset.done $0x0;
	s21 =	rddreg [dreg:$0x19]  }
0x74: {  	s17 =	rddreg [dreg:$0x6];
	[sflag:s0] =	ssyncadd.s32 $0xFFFFFB00;
	s15 =	sshrl.u32 s21, $0x3  }
0x75: {  	[spmem:s15], [sflag:s12] =	dma.local [hbm:s17], $0x500  }
0x76: {  	_ =	swait.ge [sflag:s0], $0x500  }
0x77: {  	[sflag:s0] =	ssyncset.done $0x0;
	s22 =	rddreg [dreg:$0x1a]  }
0x78: {  	s19 =	rddreg [dreg:$0x7];
	[sflag:s0] =	ssyncadd.s32 $0xFFFFFB00;
	s17 =	sshrl.u32 s22, $0x3  }
0x79: {  	[spmem:s17], [sflag:s12] =	dma.local [hbm:s19], $0x500  }
0x7a: {  	_ =	swait.ge [sflag:s0], $0x500  }
0x7b: {  	[sflag:s0] =	ssyncset.done $0x0;
	s23 =	rddreg [dreg:$0x1b]  }
0x7c: {  	s21 =	rddreg [dreg:$0x8];
	[sflag:s0] =	ssyncadd.s32 $0xFFFFFB00;
	s19 =	sshrl.u32 s23, $0x3  }
0x7d: {  	[spmem:s19], [sflag:s12] =	dma.local [hbm:s21], $0x500  }
0x7e: {  	_ =	swait.ge [sflag:s0], $0x500  }
0x7f: {  	[sflag:s0] =	ssyncset.done $0x0;
	s24 =	rddreg [dreg:$0x1c]  }
0x80: {  	s22 =	rddreg [dreg:$0x9];
	[sflag:s0] =	ssyncadd.s32 $0xFFFFFB00;
	s21 =	sshrl.u32 s24, $0x3  }
0x81: {  	[spmem:s21], [sflag:s12] =	dma.local [hbm:s22], $0x500  }
0x82: {  	_ =	swait.ge [sflag:s0], $0x500  }
0x83: {  	[sflag:s0] =	ssyncset.done $0x0;
	s25 =	rddreg [dreg:$0x1d]  }
0x84: {  	s23 =	rddreg [dreg:$0xa];
	[sflag:s0] =	ssyncadd.s32 $0xFFFFFB00;
	s22 =	sshrl.u32 s25, $0x3  }
0x85: {  	[spmem:s22], [sflag:s12] =	dma.local [hbm:s23], $0x500  }
0x86: {  	_ =	swait.ge [sflag:s0], $0x500  }
0x87: {  	[sflag:s0] =	ssyncset.done $0x0  }
0x88: {  	s23 =	sshrl.u32 @!p0 s16, $0x3;
	s24 =	rddreg [dreg:$0xb];
	[sflag:s0] =	ssyncadd.s32 $0xFFFFFB00  }
0x89: {  	[spmem:s23], [sflag:s12] =	dma.local @!p0 [hbm:s24], $0x500  }
0x8a: {  	s24 =	simm.s32 @!p0 $0x7  }
0x8b: {  	_ =	swait.ge @!p0 [sflag:s24], $0x500  }
0x8c: {  	[sflag:s24] =	ssyncset.done @!p0 $0x0  }
0x8d: {  	[sflag:s24] =	ssyncadd.s32 @!p0 $0xFFFFFB00  }
0x8e: {  	[tilespmem:s3], [sflag:$0x1] =	stream.indirect.gather [hbm4b:s20+s2], $0x80, s1, s2, $0xb8;
	[tilespmem:$0x1FF80] =	vst v63  }
0x8f: {  	s26 =	simm.s32 $0x6300  }
0x90: {  	[tilespmem:s26], [sflag:$0x2] =	stream.indirect.gather [hbm4b:s20+s2], $0x80, s2, s2, $0xb8;
	[tilespmem:$0x1FF80] =	vst v63  }
0x91: {  	s28 =	simm.s32 $0x50  }
0x92: {  	[tilespmem:s4], [sflag:$0x3] =	stream.indirect.gather [hbm4b:s20+s2], $0x80, s28, s2, $0xb8;
	[tilespmem:$0x1FF80] =	vst v63  }
0x93: {  	s29 =	simm.s32 $0x78  }
0x94: {  	[tilespmem:s5], [sflag:$0x4] =	stream.indirect.gather [hbm4b:s20+s2], $0x80, s29, s2, $0xb8;
	[tilespmem:$0x1FF80] =	vst v63  }
0x95: {  	s30 =	simm.s32 $0xA0  }
0x96: {  	[tilespmem:s6], [sflag:$0x5] =	stream.indirect.gather [hbm4b:s20+s2], $0x80, s30, s2, $0xb8;
	[tilespmem:$0x1FF80] =	vst v63  }
0x97: {  	s31 =	simm.s32 $0xC8;
	s25 =	simm.s32 $0xB300  }
0x98: {  	[tilespmem:s25], [sflag:$0x6] =	stream.indirect.gather [hbm4b:s20+s2], $0x80, s31, s2, $0xb8;
	[tilespmem:$0x1FF80] =	vst v63  }
0x99: {  	s24 =	simm.s32 $0x0;
	s25 =	simm.s32 $0x0;
	[bflag:$0x0] =	sbarrier.arrive $0xFFFF  }
.LBB2_2:
0x9a: {  	_ =	swait.ge [sflag:s7], $0x1400  }
0x9b: {  	s26 =	sshra.s32 s24, $0x2;
	[sflag:s7] =	ssyncset.done $0x0  }
0x9c: {  	s28 =	sadd.s32 $0x2780, s26;
	[sflag:s7] =	ssyncadd.s32 $0xFFFFEC00  }
0x9d: {  	[spmem:s18] =	stream.indirect.scatter.add.f32 [tilespmem:s3], [sflag:$0x7], $0x80, s28, s2, $0xb8;
	[tilespmem:$0x1FF80] =	vst v63  }
0x9e: {  	_ =	swait.ge [sflag:s0], $0x1400  }
0x9f: {  	p1 =	seq.s32 s24, $0x99C0;
	[sflag:s0] =	ssyncset.done $0x0  }
0xa0: {  	s28 =	simm.s32 @p1 $0x2;
	[sflag:s0] =	ssyncadd.s32 $0xFFFFEC00  }
0xa1: {  	_ =	swait.ge @p1 [sflag:s28], $0x1400  }
0xa2: {  	[sflag:s28] =	ssyncset.done @p1 $0x0  }
0xa3: {  	[sflag:s28] =	ssyncadd.s32 @p1 $0xFFFFEC00;
	s28 =	sshra.s32 @p1 s24, $0x2  }
0xa4: {  	s29 =	simm.s32 @p1 $0x28;
	s30 =	simm.s32 @p1 $0x6300;
	s28 =	sadd.s32 @p1 $0x27A8, s28  }
0xa5: {  	[spmem:s18] =	stream.indirect.scatter.add.f32 @p1 [tilespmem:s30], [sflag:$0x7], $0x80, s28, s29, $0xb8;
	[tilespmem:$0x1FF80] =	vst v63  }
0xa6: {  	s28 =	simm.s32 @p1 $0x7  }
0xa7: {  	_ =	swait.ge @p1 [sflag:s28], $0x1400  }
0xa8: {  	[sflag:s28] =	ssyncset.done @p1 $0x0  }
0xa9: {  	[sflag:s28] =	ssyncadd.s32 @p1 $0xFFFFEC00;
	s28 =	sshra.s32 @!p1 s24, $0x2  }
0xaa: {  	s31 =	simm.s32 @!p1 $0x4F00;
	s30 =	simm.s32 @!p1 $0x28;
	s29 =	sadd.s32 @!p1 $0xF0, s28  }
0xab: {  	[tilespmem:s31], [sflag:$0x1] =	stream.indirect.gather @!p1 [hbm4b:s20+s30], $0x80, s29, s30, $0xb8;
	[tilespmem:$0x1FF80] =	vst v63  }
0xac: {  	s29 =	simm.s32 @!p1 $0x2  }
0xad: {  	_ =	swait.ge @!p1 [sflag:s29], $0x1400  }
0xae: {  	[sflag:s29] =	ssyncset.done @!p1 $0x0  }
0xaf: {  	s31 =	simm.s32 @!p1 $0x6300;
	[sflag:s29] =	ssyncadd.s32 @!p1 $0xFFFFEC00;
	s29 =	sadd.s32 @!p1 $0x27A8, s28  }
0xb0: {  	[spmem:s18] =	stream.indirect.scatter.add.f32 @!p1 [tilespmem:s31], [sflag:$0x7], $0x80, s29, s30, $0xb8;
	[tilespmem:$0x1FF80] =	vst v63  }
0xb1: {  	s29 =	simm.s32 @!p1 $0x7  }
0xb2: {  	_ =	swait.ge @!p1 [sflag:s29], $0x1400  }
0xb3: {  	[sflag:s29] =	ssyncset.done @!p1 $0x0  }
0xb4: {  	s28 =	sadd.s32 @!p1 $0x118, s28;
	[sflag:s29] =	ssyncadd.s32 @!p1 $0xFFFFEC00  }
0xb5: {  	[tilespmem:s31], [sflag:$0x2] =	stream.indirect.gather @!p1 [hbm4b:s20+s30], $0x80, s28, s30, $0xb8;
	[tilespmem:$0x1FF80] =	vst v63  }
0xb6: {  	_ =	swait.ge [sflag:s8], $0x1400  }
0xb7: {  	[sflag:s8] =	ssyncset.done $0x0  }
.Ltmp2:
0xb8: {  	s31 =	sadd.s32 $0x27D0, s26;
	[sflag:s8] =	ssyncadd.s32 $0xFFFFEC00;
	(pc) =	sbr.rel @p1 .LBB2_6-.Ltmp2, $4  }
0xb9: {  	[spmem:s18] =	stream.indirect.scatter.add.f32 [tilespmem:s4], [sflag:$0x7], $0x80, s31, s2, $0xb8;
	[tilespmem:$0x1FF80] =	vst v63  }
0xba: {  	_ =	swait.ge [sflag:s0], $0x1400  }
0xbb: {  	[sflag:s0] =	ssyncset.done $0x0  }
0xbc: {  	[sflag:s0] =	ssyncadd.s32 $0xFFFFEC00  }
0xbd: {  	s28 =	sadd.s32 $0x140, s26  }
0xbe: {  	[tilespmem:s4], [sflag:$0x3] =	stream.indirect.gather [hbm4b:s20+s2], $0x80, s28, s2, $0xb8;
	[tilespmem:$0x1FF80] =	vst v63  }
0xbf: {  	_ =	swait.ge [sflag:s9], $0x1400  }
0xc0: {  	[sflag:s9] =	ssyncset.done $0x0  }
0xc1: {  	s29 =	sadd.s32 $0x27F8, s26;
	[sflag:s9] =	ssyncadd.s32 $0xFFFFEC00  }
0xc2: {  	[spmem:s18] =	stream.indirect.scatter.add.f32 [tilespmem:s5], [sflag:$0x7], $0x80, s29, s2, $0xb8;
	[tilespmem:$0x1FF80] =	vst v63  }
0xc3: {  	_ =	swait.ge [sflag:s0], $0x1400  }
0xc4: {  	[sflag:s0] =	ssyncset.done $0x0  }
0xc5: {  	s30 =	sadd.s32 $0x168, s26;
	[sflag:s0] =	ssyncadd.s32 $0xFFFFEC00  }
0xc6: {  	[tilespmem:s5], [sflag:$0x4] =	stream.indirect.gather [hbm4b:s20+s2], $0x80, s30, s2, $0xb8;
	[tilespmem:$0x1FF80] =	vst v63  }
0xc7: {  	_ =	swait.ge [sflag:s10], $0x1400  }
0xc8: {  	[sflag:s10] =	ssyncset.done $0x0  }
0xc9: {  	s31 =	sadd.s32 $0x2820, s26;
	[sflag:s10] =	ssyncadd.s32 $0xFFFFEC00  }
0xca: {  	[spmem:s18] =	stream.indirect.scatter.add.f32 [tilespmem:s6], [sflag:$0x7], $0x80, s31, s2, $0xb8;
	[tilespmem:$0x1FF80] =	vst v63  }
0xcb: {  	_ =	swait.ge [sflag:s0], $0x1400  }
0xcc: {  	p1 =	sgt.u32 s25, $0x27;
	[sflag:s0] =	ssyncset.done $0x0  }
0xcd: {  	s26 =	simm.s32 @p1 $0x6;
	[sflag:s0] =	ssyncadd.s32 $0xFFFFEC00  }
0xce: {  	_ =	swait.ge @p1 [sflag:s26], $0x1400  }
0xcf: {  	[sflag:s26] =	ssyncset.done @p1 $0x0  }
0xd0: {  	[sflag:s26] =	ssyncadd.s32 @p1 $0xFFFFEC00;
	s26 =	sshra.s32 @p1 s24, $0x2  }
0xd1: {  	s28 =	simm.s32 @p1 $0x28;
	s29 =	simm.s32 @p1 $0xB300;
	s26 =	sadd.s32 @p1 $0x2848, s26  }
0xd2: {  	[spmem:s18] =	stream.indirect.scatter.add.f32 @p1 [tilespmem:s29], [sflag:$0x7], $0x80, s26, s28, $0xb8;
	[tilespmem:$0x1FF80] =	vst v63  }
0xd3: {  	s26 =	simm.s32 @p1 $0x7  }
0xd4: {  	_ =	swait.ge @p1 [sflag:s26], $0x1400  }
0xd5: {  	[sflag:s26] =	ssyncset.done @p1 $0x0  }
0xd6: {  	[sflag:s26] =	ssyncadd.s32 @p1 $0xFFFFEC00;
	s26 =	sshra.s32 @!p1 s24, $0x2  }
0xd7: {  	s30 =	simm.s32 @!p1 $0x9F00;
	s29 =	simm.s32 @!p1 $0x28;
	s28 =	sadd.s32 @!p1 $0x190, s26  }
0xd8: {  	[tilespmem:s30], [sflag:$0x5] =	stream.indirect.gather @!p1 [hbm4b:s20+s29], $0x80, s28, s29, $0xb8;
	[tilespmem:$0x1FF80] =	vst v63  }
0xd9: {  	s28 =	simm.s32 @!p1 $0x6  }
0xda: {  	_ =	swait.ge @!p1 [sflag:s28], $0x1400  }
0xdb: {  	[sflag:s28] =	ssyncset.done @!p1 $0x0  }
0xdc: {  	s30 =	simm.s32 @!p1 $0xB300;
	[sflag:s28] =	ssyncadd.s32 @!p1 $0xFFFFEC00;
	s28 =	sadd.s32 @!p1 $0x2848, s26  }
0xdd: {  	[spmem:s18] =	stream.indirect.scatter.add.f32 @!p1 [tilespmem:s30], [sflag:$0x7], $0x80, s28, s29, $0xb8;
	[tilespmem:$0x1FF80] =	vst v63  }
0xde: {  	s28 =	simm.s32 @!p1 $0x7  }
0xdf: {  	_ =	swait.ge @!p1 [sflag:s28], $0x1400  }
0xe0: {  	[sflag:s28] =	ssyncset.done @!p1 $0x0  }
0xe1: {  	s24 =	sadd.s32 $0x3C0, s24;
	s26 =	sadd.s32 @!p1 $0x1B8, s26;
	[sflag:s28] =	ssyncadd.s32 @!p1 $0xFFFFEC00  }
0xe2: {  	[tilespmem:s30], [sflag:$0x6] =	stream.indirect.gather @!p1 [hbm4b:s20+s29], $0x80, s26, s29, $0xb8;
	[tilespmem:$0x1FF80] =	vst v63  }
0xe3: {  	p1 =	sne.s32 s24, $0x9D80  }
.Ltmp3:
0xe4: {  	_ = 	snop;
	(pc) =	sbr.rel @p1 .LBB2_2-.Ltmp3, $4  }
.Ltmp4:
0xe5: {  	_ = 	snop;
	(pc) =	sbr.rel @!p1 .LBB2_4-.Ltmp4, $4  }
0xe6: {  	_ = 	snop  }
0xe7: {  	_ = 	snop  }
0xe8: {  	s25 =	sadd.s32 $0x1, s25  }
0xe9: {  	_ = 	snop  }
.LBB2_5:
0xea: {  	_ =	sfence.sel $0x180000  }
0xeb: {  	[bflag:$0x0] =	sbarrier.arrive $0xFFFF  }
0xec: {  	_ =	strace $0x9000004D  }
0xed: {  	s0 =	stileid.u32;
	[bflag:$0x2] =	sbarrier.arrive $0xFFFF  }
0xee: {  	p0 =	sne.s32 s0, $0x0;
	s0 =	rddreg [dreg:$0x3]  }
0xef: {  	s0 =	sadd.s32 @!p0 $0x100000, s0  }
0xf0: {  	[sflag:s0] =	ssyncadd.tile.s32 @!p0 $0x1;
	_ =	shalt  }
.Lfunc_end2:
_tile_overlayer_lowered:
.L_overlay_start_2:
0xf1: {  	(tag) =	ssettag $0x2  }
0xf2: {  	s0 =	rddreg [dreg:$0x0];
	s2 =	stileid.u32  }
0xf3: {  	s1 =	rddreg [dreg:$0x1];
	p0 =	sne.s32 s2, $0x0  }
0xf4: {  	s3 =	rddreg [dreg:$0x2];
	[bflag:$0x3] =	sbarrier.arrive $0xFFFF;
	s2 =	simm.s32 @!p0 $0x1C07  }
0xf5: {  	[timem:s3], [sflag:s2] =	dma.local @!p0 [hbm:s0], s1  }
0xf6: {  	s0 =	simm.s32 @!p0 $0x7  }
0xf7: {  	_ =	swait.ge @!p0 [sflag:s0], s1  }
0xf8: {  	s1 =	ssub.s32 @!p0 $0x0, s1;
	[sflag:s0] =	ssyncset.done @!p0 $0x0  }
0xf9: {  	[sflag:s0] =	ssyncadd.s32 @!p0 s1  }
0xfa: {  	[bflag:$0x3] =	sbarrier.arrive $0xFFFF  }
0xfb: {  	_ =	shalt  }

// kernel: kernel.8.cloned.1.call-start
scs
__scs_entry_jumppad:
0x0: {  	(pc) =	sbr.rel $0x88, $3  }
0x1: {  	(tag) =	ssettag $0x0;
	lr =	simm.s32 $0x1  }
0x2: {  	[smem:$0x3F8D] =	sst lr;
	_ =	strace $0xD0000000  }
0x3: {  	_ = 	snop  }
0x4: {  	_ = 	snop  }
0x5: {  	_ = 	snop  }
0x6: {  	_ = 	snop  }
0x7: {  	_ = 	snop  }
__scs_overlays_trampoline_lowered:
0x8: {  	[smem:$0x3F9C] =	sst s0  }
0x9: {  	[smem:$0x3F9D] =	sst s1  }
0xa: {  	[smem:$0x3F9E] =	sst s2  }
0xb: {  	[smem:$0x3F9F] =	sst s3  }
0xc: {  	[smem:$0x3FA0] =	sst s4  }
0xd: {  	[smem:$0x3FA1] =	sst s5  }
0xe: {  	[smem:$0x3FA2] =	sst s6  }
0xf: {  	[smem:$0x3FA3] =	sst s7  }
0x10: {  	[smem:$0x3FA4] =	sst s8  }
0x11: {  	[smem:$0x3FA5] =	sst s9;
	s0 =	simm.s32 @!p0 $0x0  }
0x12: {  	s1 =	sld [smem:$0x3F8B];
	s0 =	simm.s32 @p0 $0x1  }
0x13: {  	[smem:$0x3FA6] =	sst s0;
	s0 =	simm.s32 @!p1 $0x0  }
0x14: {  	s2 =	sld [smem:$0x3F8A];
	s0 =	simm.s32 @p1 $0x1  }
0x15: {  	[smem:$0x3FA7] =	sst s0;
	s0 =	simm.s32 @!p2 $0x0  }
0x16: {  	s3 =	sld [smem:$0x3FDB];
	s0 =	simm.s32 @p2 $0x1  }
0x17: {  	s4 =	simm.s32 $0x1BF5;
	[smem:$0x3FA9] =	sst s0  }
0x18: {  	s0 =	sld [smem:$0x3F8C];
	_ =	swait.ge [sflag:s4], $0x0  }
0x19: {  	s7 =	sld [smem:$0x3F8D]  }
0x1a: {  	s8 =	sadd.s32 $0xFFFFE003, lr  }
0x1b: {  	s9 =	sadd.s32 $0xFFFFFEF7, lr;
	s5 =	simm.s32 $0xFFFFFFFF;
	p2 =	slt.u32 s8, $0xFFFFF086  }
0x1c: {  	p1 =	slt.u32 s9, $0xF7A;
	s5 =	simm.s32 @!p2 $0x0  }
0x1d: {  	s5 =	simm.s32 @p1 $0x1;
	p0 =	seq.s32 s7, s2  }
0x1e: {  	s7 =	smul.u32 @!p0 $0xF7A, s2;
	p2 =	seq.s32 @!p0 s5, $0x0  }
0x1f: {  	s9 =	smul.u32 $0xF7A, s1;
	s8 =	simm.s32 @!p0 $0x1BF5;
	p2 =	por !p2, p0  }
0x20: {  	[sflag:s8] =	ssyncset.s32 @!p0 $0xFFFFF086;
	s6 =	sadd.s32 @!p0 s3, s7;
	s7 =	simm.s32 @!p0 $0x108  }
0x21: {  	s3 =	sadd.s32 s3, s9;
	s6 =	sadd.s32 @!p0 $0x88, s6;
	s7 =	simm.s32 @p2 $0x1082  }
0x22: {  	[simem:s7], [sflag:s8] =	dma.local @!p0 [hbm:s6], $0xF7A  }
0x23: {  	s9 =	sor.u32 $0xD0000000, s2;
	s6 =	simm.s32 $0x108;
	_ =	swait.ge @!p0 [sflag:s8], $0x0  }
0x24: {  	s3 =	sadd.s32 $0x88, s3;
	s6 =	simm.s32 @!p1 $0x1082;
	[sflag:s4] =	ssyncset.s32 $0xFFFFF086  }
0x25: {  	[simem:s6], [sflag:s4] =	dma.local [hbm:s3], $0xF7A  }
0x26: {  	[smem:$0x3F8D] =	sst s1;
	(tag) =	ssettag s2;
	_ =	strace s9  }
0x27: {  	s1 =	sld [smem:$0x3F9D]  }
0x28: {  	s2 =	sld [smem:$0x3F9E]  }
0x29: {  	s4 =	sld [smem:$0x3FA0]  }
0x2a: {  	p0 =	seq.s32 s5, $0x0;
	s5 =	sld [smem:$0x3FA1]  }
0x2b: {  	s6 =	sld [smem:$0x3FA2]  }
0x2c: {  	s7 =	sld [smem:$0x3FA3]  }
0x2d: {  	s3 =	simm.s32 $0x108;
	s8 =	sld [smem:$0x3FA4]  }
0x2e: {  	s3 =	simm.s32 @!p0 $0x1082;
	s9 =	sld [smem:$0x3FA5]  }
0x2f: {  	lr =	sadd.s32 s0, s3;
	s0 =	sld [smem:$0x3F9C]  }
0x30: {  	s3 =	sld [smem:$0x3F9F]  }
0x31: {  	[smem:$0x3FA8] =	sst s10  }
0x32: {  	s10 =	sld [smem:$0x3FA6];
	_ =	sdelay $0x3  }
0x33: {  	p0 =	seq.s32 s10, $0x1;
	s10 =	sld [smem:$0x3FA8];
	_ =	sdelay $0x3  }
0x34: {  	[smem:$0x3FA8] =	sst s10  }
0x35: {  	s10 =	sld [smem:$0x3FA7];
	_ =	sdelay $0x3  }
0x36: {  	p1 =	seq.s32 s10, $0x1;
	s10 =	sld [smem:$0x3FA8];
	_ =	sdelay $0x3  }
0x37: {  	[smem:$0x3FA8] =	sst s10  }
0x38: {  	s10 =	sld [smem:$0x3FA9]  }
0x39: {  	_ = 	snop;
	(pc) =	sbr.ind lr, $3  }
0x3a: {  	_ = 	snop  }
0x3b: {  	_ = 	snop  }
0x3c: {  	p2 =	seq.s32 s10, $0x1;
	s10 =	sld [smem:$0x3FA8]  }
0x3d: {  	_ =	shalt  }
0x3e: {  	_ =	shalt  }
0x3f: {  	_ =	shalt  }
0x40: {  	_ =	shalt  }
0x41: {  	_ =	shalt  }
0x42: {  	_ =	shalt  }
0x43: {  	_ =	shalt  }
0x44: {  	_ =	shalt  }
0x45: {  	_ =	shalt  }
0x46: {  	_ =	shalt  }
0x47: {  	_ =	shalt  }
0x48: {  	_ =	shalt  }
0x49: {  	_ =	shalt  }
0x4a: {  	_ =	shalt  }
0x4b: {  	_ =	shalt  }
0x4c: {  	_ =	shalt  }
0x4d: {  	_ =	shalt  }
0x4e: {  	_ =	shalt  }
0x4f: {  	_ =	shalt  }
0x50: {  	_ =	shalt  }
0x51: {  	_ =	shalt  }
0x52: {  	_ =	shalt  }
0x53: {  	_ =	shalt  }
0x54: {  	_ =	shalt  }
0x55: {  	_ =	shalt  }
0x56: {  	_ =	shalt  }
0x57: {  	_ =	shalt  }
0x58: {  	_ =	shalt  }
0x59: {  	_ =	shalt  }
0x5a: {  	_ =	shalt  }
0x5b: {  	_ =	shalt  }
0x5c: {  	_ =	shalt  }
0x5d: {  	_ =	shalt  }
0x5e: {  	_ =	shalt  }
0x5f: {  	_ =	shalt  }
0x60: {  	_ =	shalt  }
0x61: {  	_ =	shalt  }
0x62: {  	_ =	shalt  }
0x63: {  	_ =	shalt  }
0x64: {  	_ =	shalt  }
0x65: {  	_ =	shalt  }
0x66: {  	_ =	shalt  }
0x67: {  	_ =	shalt  }
0x68: {  	_ =	shalt  }
0x69: {  	_ =	shalt  }
0x6a: {  	_ =	shalt  }
0x6b: {  	_ =	shalt  }
0x6c: {  	_ =	shalt  }
0x6d: {  	_ =	shalt  }
0x6e: {  	_ =	shalt  }
0x6f: {  	_ =	shalt  }
0x70: {  	_ =	shalt  }
0x71: {  	_ =	shalt  }
0x72: {  	_ =	shalt  }
0x73: {  	_ =	shalt  }
0x74: {  	_ =	shalt  }
0x75: {  	_ =	shalt  }
0x76: {  	_ =	shalt  }
0x77: {  	_ =	shalt  }
0x78: {  	_ =	shalt  }
0x79: {  	_ =	shalt  }
0x7a: {  	_ =	shalt  }
0x7b: {  	_ =	shalt  }
0x7c: {  	_ =	shalt  }
0x7d: {  	_ =	shalt  }
0x7e: {  	_ =	shalt  }
0x7f: {  	_ =	shalt  }
0x80: {  	_ =	shalt  }
0x81: {  	_ =	shalt  }
0x82: {  	_ =	shalt  }
0x83: {  	_ =	shalt  }
0x84: {  	_ =	shalt  }
0x85: {  	_ =	shalt  }
0x86: {  	_ =	shalt  }
0x87: {  	_ =	shalt  }
.Lfunc_end0:
.L_simem_size_0:
called_computation_lowered:
.L_overlay_start_0:
0x88: {  	s2 =	sld [smem:$0x3FD9]  }
0x89: {  	s3 =	sld [smem:$0x3FFE];
	_ =	sdelay $0x1  }
0x8a: {  	s1 =	srdreg.scid  }
0x8b: {  	s0 =	sand.u32 $0x1, s1  }
0x8c: {  	s17 =	sshll.u32 s0, $0xA;
	s2 =	sadd.s32 s3, s2  }
0x8d: {  	s2 =	sadd.s32 s2, s17  }
0x8e: {  	[smem:$0x3FB4] =	sst s2  }
0x8f: {  	_ = 	snop  }
0x90: {  	s2 =	sld [smem:$0x3FC9]  }
0x91: {  	s18 =	sld [smem:$0x3FD0];
	(tm) =	ssettm $0x1  }
0x92: {  	s4 =	sld [smem:$0x3FFB];
	_ =	sdelay $0x3  }
0x93: {  	_ =	strace s4  }
0x94: {  	s4 =	sld [smem:$0x3FFC];
	_ =	sdelay $0x3  }
0x95: {  	_ =	strace s4  }
0x96: {  	s4 =	sld [smem:$0x3FFD];
	_ =	sdelay $0x3  }
0x97: {  	_ =	strace s4  }
0x98: {  	_ =	strace $0x8FFFFFFF  }
0x99: {  	s19 =	sld [smem:$0x3FDB];
	_ =	sdelay $0x1  }
0x9a: {  	s5 =	simm.s32 $_scs_section_size  }
0x9b: {  	s6 =	simm.s32 $_size__tile_overlayer_lowered;
	s7 =	simm.s32 $_tile_overlayer_lowered  }
0x9c: {  	s22 =	simm.s32 $0x1BFF;
	s21 =	sshll.u32 s7, $0x1;
	s4 =	sadd.s32 s5, s19  }
0x9d: {  	s8 =	simm.s32 $0x0;
	s20 =	sshll.u32 s6, $0x1;
	s6 =	sadd.s32 s21, s4  }
0x9e: {  	[timem:s8], [sflag:s22] =	dma.local [hbm:s6], s20  }
0x9f: {  	_ =	swait.ge [sflag:s22], s20  }
0xa0: {  	s5 =	ssub.s32 $0x0, s20;
	[sflag:s22] =	ssyncset.done $0x0  }
0xa1: {  	[sflag:s22] =	ssyncadd.s32 s5;
	_ =	sdelay $0x1  }
0xa2: {  	s23 =	simm.s32 $0x1B8B  }
0xa3: {  	_ =	swait.ge [sflag:s23], $0x1  }
0xa4: {  	[sflag:s23] =	ssyncset.done $0x0  }
0xa5: {  	s25 =	simm.s32 $0x1B8E;
	s24 =	sld [smem:$0x3FFE];
	[sflag:s23] =	ssyncadd.s32 $0xFFFFFFFF  }
0xa6: {  	s26 =	simm.s32 $execute0_lowered;
	[smem:$0x3FD2] =	sst s25  }
0xa7: {  	s6 =	sshll.u32 s26, $0x1;
	_ =	strace $0x80000046;
	[dreg:$0x1] =	wrdreg $0xFFFFFFFF  }
0xa8: {  	s28 =	simm.s32 $_size_execute0_lowered;
	s4 =	sadd.s32 s4, s6;
	[dreg:$0x0] =	wrdreg $0x0  }
0xa9: {  	s6 =	sshll.u32 s28, $0x1;
	[dreg:$0x2] =	wrdreg s4  }
0xaa: {  	[dreg:$0x3] =	wrdreg s6  }
0xab: {  	[dreg:$0x4] =	wrdreg $0xC0  }
0xac: {  	_ =	task [dreg:s8], $0x5FFFF  }
0xad: {  	[dreg:$0x1] =	wrdreg $0xFFFFFFFF  }
0xae: {  	[dreg:$0x0] =	wrdreg $0x60  }
0xaf: {  	[dreg:$0x2] =	wrdreg s2  }
0xb0: {  	[dreg:$0x3] =	wrdreg s24  }
0xb1: {  	[dreg:$0x4] =	wrdreg s18  }
0xb2: {  	[dreg:$0x5] =	wrdreg $0xC7000  }
0xb3: {  	[dreg:$0x6] =	wrdreg $0x9  }
0xb4: {  	_ =	task.clear_ibuf [dreg:s8], $0x7FFFF;
	_ =	strace $0x90000046  }
0xb5: {  	s29 =	simm.s32 $0x9;
	_ =	strace $0x80000048  }
0xb6: {  	_ =	swait.ge [sflag:s29], $0x1  }
0xb7: {  	[sflag:s29] =	ssyncadd.s32 $0xFFFFFFFF  }
0xb8: {  	_ =	strace $0x90000048  }
0xb9: {  	_ =	sfence  }
0xba: {  	s30 =	sld [smem:$0x0];
	_ =	sdelay $0x2  }
0xbb: {  	s31 =	sshll.u32 s1, $0xD;
	s1 =	sshrl.u32 s1, $0x2  }
0xbc: {  	s3 =	sand.u32 $0x4000, s31;
	s1 =	sadd.s32 s1, s30  }
0xbd: {  	s0 =	sor.u32 s3, s0;
	s1 =	sshll.u32 s1, $0x11  }
0xbe: {  	s0 =	sor.u32 s1, s0  }
0xbf: {  	s0 =	sadd.s32 $0x8F2B, s0  }
0xc0: {  	[sflag:s0] =	ssyncadd.remote.s32 $0x1  }
0xc1: {  	_ =	sfence.sel $0xFFFF  }
0xc2: {  	[dreg:$0x0] =	wrdreg $0xFFFFFFFF;
	(pc) =	sbr.abs _section_cstart, $3  }
0xc3: {  	[dreg:$0x1] =	wrdreg $0xFFFFFFFF  }
0xc4: {  	_ =	task.clear_ibuf [dreg:s8], $0x2FFFF;
	_ =	strace $0x9FFFFFFF  }
0xc5: {  	(tm) =	ssettm $0x7FFFFFFF  }
tec
execute0_lowered:
.L_overlay_start_1:
0x0: {  	(tag) =	ssettag $0x1  }
0x1: {  	s21 =	stileid.u32  }
0x2: {  	s0 =	srdreg.scid;
	s9 =	smul.u32 $0x500, s21  }
0x3: {  	s6 =	sand.u32 $0x1, s0;
	s19 =	smul.u32 $0x2800, s21  }
0x4: {  	s10 =	sor.u32 $0x10, s21;
	s8 =	smul.u32 $0x138800, s6  }
0x5: {  	s5 =	sor.u32 $0x20, s21;
	s11 =	smul.u32 $0x500, s10  }
0x6: {  	s4 =	sor.u32 $0x30, s21;
	s12 =	smul.u32 $0x500, s5  }
0x7: {  	s3 =	sor.u32 $0x40, s21;
	s13 =	smul.u32 $0x500, s4  }
0x8: {  	s2 =	sor.u32 $0x50, s21;
	s14 =	smul.u32 $0x500, s3  }
0x9: {  	s1 =	sor.u32 $0x60, s21;
	s15 =	smul.u32 $0x500, s2  }
0xa: {  	s16 =	smul.u32 $0x500, s1  }
0xb: {  	s29 =	smul.u32 $0x2800, s10  }
0xc: {  	s31 =	smul.u32 $0x2800, s5  }
0xd: {  	s23 =	smul.u32 $0x2800, s3  }
0xe: {  	s26 =	smul.u32 $0x2800, s2  }
0xf: {  	s10 =	smul.u32 $0xA000, s10  }
0x10: {  	s5 =	smul.u32 $0xA000, s5  }
0x11: {  	s28 =	sshll.u32 s21, $0x1;
	s3 =	smul.u32 $0xA000, s3  }
0x12: {  	s20 =	rddreg [dreg:$0x2];
	s0 =	sor.u32 s6, s28;
	s2 =	smul.u32 $0xA000, s2  }
0x13: {  	s6 =	ssub.s32 $0x2, s6;
	s7 =	smul.u32 $0x4E2, s0;
	s0 =	sor.u32 $0x70, s21  }
0x14: {  	s18 =	sshrl.u32 s6, $0x1;
	s9 =	sadd.s32 s20, s9;
	s17 =	smul.u32 $0x500, s0  }
0x15: {  	s6 =	ssub.s32 s6, s18;
	[dreg:$0x5] =	wrdreg s9;
	s30 =	sadd.s32 s20, s11  }
0x16: {  	s12 =	sadd.s32 s20, s12;
	s13 =	sadd.s32 s20, s13;
	s11 =	smul.u32 $0x2800, s4  }
0x17: {  	s14 =	sadd.s32 s20, s14;
	s28 =	sadd.s32 s8, s19;
	s19 =	rddreg [dreg:$0x1]  }
0x18: {  	s22 =	sadd.s32 s20, s15;
	s24 =	sadd.s32 s20, s16;
	[dreg:$0x6] =	wrdreg s30  }
0x19: {  	s29 =	sadd.s32 s8, s29;
	s31 =	sadd.s32 s8, s31;
	[dreg:$0x7] =	wrdreg s12  }
0x1a: {  	s18 =	smul.u32 $0x2800, s0;
	s9 =	simm.s32 $0x0;
	[dreg:$0x8] =	wrdreg s13  }
0x1b: {  	s4 =	smul.u32 $0xA000, s4;
	s5 =	sshrl.u32 s5, $0x2;
	[dreg:$0x9] =	wrdreg s14  }
0x1c: {  	s3 =	sshrl.u32 s3, $0x2;
	p0 =	sgt.u32 s0, $0x7C;
	[dreg:$0xa] =	wrdreg s22  }
0x1d: {  	s0 =	smul.u32 $0xA000, s0;
	s2 =	sshrl.u32 s2, $0x2;
	[dreg:$0xb] =	wrdreg s24  }
0x1e: {  	s30 =	smul.u32 $0x2800, s1;
	s12 =	sadd.s32 s8, s23;
	s13 =	sadd.s32 s8, s26  }
0x1f: {  	[smem:$0x7FF] =	sst s9;
	s7 =	sadd.s32 s7, s19;
	s14 =	sshrl.u32 s28, $0x3  }
0x20: {  	s15 =	sshrl.u32 s29, $0x3;
	s22 =	sshrl.u32 s31, $0x3;
	s28 =	smul.u32 $0xA000, s21  }
0x21: {  	s6 =	smax.u32 s6, $0x1;
	s25 =	sadd.s32 s20, s17;
	s17 =	rddreg [dreg:$0x0]  }
0x22: {  	s1 =	smul.u32 $0xA000, s1;
	s11 =	sadd.s32 s8, s11;
	[dreg:$0xc] =	wrdreg s25  }
0x23: {  	s16 =	sadd.s32 s8, s30;
	s8 =	sadd.s32 s8, s18;
	s18 =	sadd.s32 $0x17A00, s19  }
0x24: {  	s12 =	sshrl.u32 s12, $0x3;
	s19 =	rddreg [dreg:$0x3];
	s14 =	sadd.s32 s18, s14  }
0x25: {  	s11 =	sshrl.u32 s11, $0x3;
	s20 =	sadd.s32 s18, s15;
	[dreg:$0xd] =	wrdreg s14  }
0x26: {  	s24 =	sshrl.u32 s13, $0x3;
	s11 =	sadd.s32 s18, s11;
	[dreg:$0xe] =	wrdreg s20  }
0x27: {  	s26 =	sadd.s32 $0xDC00, s7;
	s23 =	sadd.s32 s18, s12;
	[dreg:$0x10] =	wrdreg s11  }
0x28: {  	s7 =	sadd.s32 $0x3E00, s7;
	s14 =	sadd.s32 s18, s22;
	[dreg:$0x11] =	wrdreg s23  }
0x29: {  	s8 =	sshrl.u32 s8, $0x3;
	s11 =	sadd.s32 s18, s24;
	[dreg:$0xf] =	wrdreg s14  }
0x2a: {  	s25 =	sshrl.u32 s16, $0x3;
	s8 =	sadd.s32 s18, s8;
	[dreg:$0x12] =	wrdreg s11  }
0x2b: {  	s4 =	sshrl.u32 s4, $0x2;
	s11 =	sadd.s32 s18, s25;
	[dreg:$0x14] =	wrdreg s8  }
0x2c: {  	s0 =	sshrl.u32 s0, $0x2;
	s29 =	sshrl.u32 s28, $0x2;
	[dreg:$0x13] =	wrdreg s11  }
0x2d: {  	s30 =	sshrl.u32 s10, $0x2;
	_ =	strace $0x80000047;
	[dreg:$0x15] =	wrdreg s26  }
0x2e: {  	s1 =	sshrl.u32 s1, $0x2;
	s10 =	simm.s32 $0x5;
	[dreg:$0x16] =	wrdreg s7  }
0x2f: {  	s31 =	sadd.s32 s30, s19;
	s5 =	sadd.s32 s5, s19;
	[dreg:$0x17] =	wrdreg s6  }
0x30: {  	s4 =	sadd.s32 s4, s19;
	s3 =	sadd.s32 s3, s19;
	[dreg:$0x19] =	wrdreg s31  }
0x31: {  	s2 =	sadd.s32 s2, s19;
	s1 =	sadd.s32 s1, s19;
	[dreg:$0x1a] =	wrdreg s5  }
0x32: {  	s16 =	sadd.s32 s0, s19;
	s0 =	simm.s32 $0x7;
	[dreg:$0x1b] =	wrdreg s4  }
.Ltmp0:
0x33: {  	s8 =	simm.s32 $0x4;
	[dreg:$0x1c] =	wrdreg s3;
	(pc) =	sbr.rel .LBB2_1-.Ltmp0, $4  }
0x34: {  	s11 =	simm.s32 $0x0;
	s6 =	sadd.s32 s29, s19;
	[dreg:$0x1d] =	wrdreg s2  }
0x35: {  	[dreg:$0x1e] =	wrdreg s1;
	s1 =	simm.s32 $0x28;
	s2 =	simm.s32 $0x4F00  }
0x36: {  	s3 =	simm.s32 $0x7700;
	s4 =	simm.s32 $0x8B00;
	s5 =	simm.s32 $0x9F00  }
0x37: {  	s7 =	simm.s32 $0x3;
	[dreg:$0x18] =	wrdreg s6;
	s6 =	simm.s32 $0x1  }
.LBB2_6:
0x38: {  	_ =	swait.ge [sflag:s8], $0x1400  }
0x39: {  	[sflag:s8] =	ssyncset.done $0x0  }
0x3a: {  	s24 =	sadd.s32 $0x27F8, s26;
	[sflag:s8] =	ssyncadd.s32 $0xFFFFEC00  }
0x3b: {  	[spmem:s19] =	stream.indirect.scatter.add.f32 [tilespmem:s4], [sflag:$0x7], $0x80, s24, s1, $0xb8;
	[tilespmem:$0x1FF80] =	vst v63  }
0x3c: {  	_ =	swait.ge [sflag:s0], $0x1400  }
0x3d: {  	[sflag:s0] =	ssyncset.done $0x0  }
0x3e: {  	[sflag:s0] =	ssyncadd.s32 $0xFFFFEC00  }
.LBB2_4:
0x3f: {  	[bflag:$0x0] =	sbarrier.arrive $0xFFFF  }
0x40: {  	s24 =	rddreg [dreg:$0xd]  }
0x41: {  	[hbm:s24], [sflag:s12] =	dma.local [spmem:s13], $0x500  }
0x42: {  	_ =	swait.ge [sflag:s0], $0x500  }
0x43: {  	[sflag:s0] =	ssyncset.done $0x0  }
0x44: {  	s24 =	rddreg [dreg:$0xe];
	[sflag:s0] =	ssyncadd.s32 $0xFFFFFB00  }
0x45: {  	[hbm:s24], [sflag:s12] =	dma.local [spmem:s14], $0x500  }
0x46: {  	_ =	swait.ge [sflag:s0], $0x500  }
0x47: {  	[sflag:s0] =	ssyncset.done $0x0  }
0x48: {  	s25 =	rddreg [dreg:$0xf];
	[sflag:s0] =	ssyncadd.s32 $0xFFFFFB00  }
0x49: {  	[hbm:s25], [sflag:s12] =	dma.local [spmem:s15], $0x500  }
0x4a: {  	_ =	swait.ge [sflag:s0], $0x500  }
0x4b: {  	[sflag:s0] =	ssyncset.done $0x0  }
0x4c: {  	s26 =	rddreg [dreg:$0x10];
	[sflag:s0] =	ssyncadd.s32 $0xFFFFFB00  }
0x4d: {  	[hbm:s26], [sflag:s12] =	dma.local [spmem:s18], $0x500  }
0x4e: {  	_ =	swait.ge [sflag:s0], $0x500  }
0x4f: {  	[sflag:s0] =	ssyncset.done $0x0  }
0x50: {  	s28 =	rddreg [dreg:$0x11];
	[sflag:s0] =	ssyncadd.s32 $0xFFFFFB00  }
0x51: {  	[hbm:s28], [sflag:s12] =	dma.local [spmem:s20], $0x500  }
0x52: {  	_ =	swait.ge [sflag:s0], $0x500  }
0x53: {  	[sflag:s0] =	ssyncset.done $0x0  }
0x54: {  	s29 =	rddreg [dreg:$0x12];
	[sflag:s0] =	ssyncadd.s32 $0xFFFFFB00  }
0x55: {  	[hbm:s29], [sflag:s12] =	dma.local [spmem:s21], $0x500  }
0x56: {  	_ =	swait.ge [sflag:s0], $0x500  }
0x57: {  	[sflag:s0] =	ssyncset.done $0x0  }
0x58: {  	s30 =	rddreg [dreg:$0x13];
	[sflag:s0] =	ssyncadd.s32 $0xFFFFFB00  }
0x59: {  	[hbm:s30], [sflag:s12] =	dma.local [spmem:s22], $0x500  }
0x5a: {  	_ =	swait.ge [sflag:s0], $0x500  }
0x5b: {  	[sflag:s0] =	ssyncset.done $0x0  }
0x5c: {  	s13 =	rddreg [dreg:$0x14];
	[sflag:s0] =	ssyncadd.s32 $0xFFFFFB00  }
0x5d: {  	[hbm:s13], [sflag:s12] =	dma.local @!p0 [spmem:s23], $0x500  }
0x5e: {  	s12 =	simm.s32 @!p0 $0x7  }
0x5f: {  	_ =	swait.ge @!p0 [sflag:s12], $0x500  }
0x60: {  	s11 =	sadd.s32 $0x1, s11;
	s31 =	rddreg [dreg:$0x17]  }
0x61: {  	p1 =	sne.s32 s11, s31  }
.Ltmp1:
0x62: {  	_ = 	snop;
	(pc) =	sbr.rel @!p1 .LBB2_5-.Ltmp1, $3  }
0x63: {  	_ =	sdelay $0x1  }
0x64: {  	[sflag:s12] =	ssyncset.done @!p0 $0x0  }
0x65: {  	[sflag:s12] =	ssyncadd.s32 @!p0 $0xFFFFFB00  }
.LBB2_1:
0x66: {  	s12 =	rddreg [dreg:$0x15]  }
0x67: {  	[tilespmem:s9], [sflag:$0x7] =	stream.linear.gather [hbm4b:s12+s9], $0x2710, $0x38;
	[tilespmem:$0x1FF80] =	vst v63  }
0x68: {  	_ =	swait.ge [sflag:s0], $0x2710  }
0x69: {  	s13 =	simm.s32 $0x2780;
	[sflag:s0] =	ssyncset.done $0x0  }
0x6a: {  	s15 =	stileid.u32;
	s14 =	rddreg [dreg:$0x16];
	[sflag:s0] =	ssyncadd.s32 $0xFFFFD8F0  }
0x6b: {  	[tilespmem:s13], [sflag:$0x7] =	stream.linear.gather [hbm4b:s14+s9], $0x2710, $0x38;
	[tilespmem:$0x1FF80] =	vst v63  }
0x6c: {  	s12 =	sshll.u32 s15, $0x6;
	_ =	swait.ge [sflag:s0], $0x2710  }
0x6d: {  	s12 =	sor.u32 $0x1C07, s12;
	[sflag:s0] =	ssyncset.done $0x0;
	s18 =	rddreg [dreg:$0x18]  }
0x6e: {  	s14 =	rddreg [dreg:$0x5];
	[sflag:s0] =	ssyncadd.s32 $0xFFFFD8F0;
	s13 =	sshrl.u32 s18, $0x3  }
0x6f: {  	[spmem:s13], [sflag:s12] =	dma.local [hbm:s14], $0x500  }
0x70: {  	_ =	swait.ge [sflag:s0], $0x500  }
0x71: {  	[sflag:s0] =	ssyncset.done $0x0;
	s20 =	rddreg [dreg:$0x19]  }
0x72: {  	s15 =	rddreg [dreg:$0x6];
	[sflag:s0] =	ssyncadd.s32 $0xFFFFFB00;
	s14 =	sshrl.u32 s20, $0x3  }
0x73: {  	[spmem:s14], [sflag:s12] =	dma.local [hbm:s15], $0x500  }
0x74: {  	_ =	swait.ge [sflag:s0], $0x500  }
0x75: {  	[sflag:s0] =	ssyncset.done $0x0;
	s21 =	rddreg [dreg:$0x1a]  }
0x76: {  	s18 =	rddreg [dreg:$0x7];
	[sflag:s0] =	ssyncadd.s32 $0xFFFFFB00;
	s15 =	sshrl.u32 s21, $0x3  }
0x77: {  	[spmem:s15], [sflag:s12] =	dma.local [hbm:s18], $0x500  }
0x78: {  	_ =	swait.ge [sflag:s0], $0x500  }
0x79: {  	[sflag:s0] =	ssyncset.done $0x0;
	s22 =	rddreg [dreg:$0x1b]  }
0x7a: {  	s20 =	rddreg [dreg:$0x8];
	[sflag:s0] =	ssyncadd.s32 $0xFFFFFB00;
	s18 =	sshrl.u32 s22, $0x3  }
0x7b: {  	[spmem:s18], [sflag:s12] =	dma.local [hbm:s20], $0x500  }
0x7c: {  	_ =	swait.ge [sflag:s0], $0x500  }
0x7d: {  	[sflag:s0] =	ssyncset.done $0x0;
	s23 =	rddreg [dreg:$0x1c]  }
0x7e: {  	s21 =	rddreg [dreg:$0x9];
	[sflag:s0] =	ssyncadd.s32 $0xFFFFFB00;
	s20 =	sshrl.u32 s23, $0x3  }
0x7f: {  	[spmem:s20], [sflag:s12] =	dma.local [hbm:s21], $0x500  }
0x80: {  	_ =	swait.ge [sflag:s0], $0x500  }
0x81: {  	[sflag:s0] =	ssyncset.done $0x0;
	s24 =	rddreg [dreg:$0x1d]  }
0x82: {  	s22 =	rddreg [dreg:$0xa];
	[sflag:s0] =	ssyncadd.s32 $0xFFFFFB00;
	s21 =	sshrl.u32 s24, $0x3  }
0x83: {  	[spmem:s21], [sflag:s12] =	dma.local [hbm:s22], $0x500  }
0x84: {  	_ =	swait.ge [sflag:s0], $0x500  }
0x85: {  	[sflag:s0] =	ssyncset.done $0x0;
	s25 =	rddreg [dreg:$0x1e]  }
0x86: {  	s23 =	rddreg [dreg:$0xb];
	[sflag:s0] =	ssyncadd.s32 $0xFFFFFB00;
	s22 =	sshrl.u32 s25, $0x3  }
0x87: {  	[spmem:s22], [sflag:s12] =	dma.local [hbm:s23], $0x500  }
0x88: {  	_ =	swait.ge [sflag:s0], $0x500  }
0x89: {  	[sflag:s0] =	ssyncset.done $0x0  }
0x8a: {  	s23 =	sshrl.u32 @!p0 s16, $0x3;
	s24 =	rddreg [dreg:$0xc];
	[sflag:s0] =	ssyncadd.s32 $0xFFFFFB00  }
0x8b: {  	[spmem:s23], [sflag:s12] =	dma.local @!p0 [hbm:s24], $0x500  }
0x8c: {  	s24 =	simm.s32 @!p0 $0x7  }
0x8d: {  	_ =	swait.ge @!p0 [sflag:s24], $0x500  }
0x8e: {  	[sflag:s24] =	ssyncset.done @!p0 $0x0  }
0x8f: {  	[sflag:s24] =	ssyncadd.s32 @!p0 $0xFFFFFB00  }
0x90: {  	[tilespmem:s2], [sflag:$0x1] =	stream.indirect.gather [hbm4b:s17+s1], $0x80, s9, s1, $0xb8;
	[tilespmem:$0x1FF80] =	vst v63  }
0x91: {  	s26 =	simm.s32 $0x6300  }
0x92: {  	[tilespmem:s26], [sflag:$0x2] =	stream.indirect.gather [hbm4b:s17+s1], $0x80, s1, s1, $0xb8;
	[tilespmem:$0x1FF80] =	vst v63  }
0x93: {  	s28 =	simm.s32 $0x50  }
0x94: {  	[tilespmem:s3], [sflag:$0x3] =	stream.indirect.gather [hbm4b:s17+s1], $0x80, s28, s1, $0xb8;
	[tilespmem:$0x1FF80] =	vst v63  }
0x95: {  	s29 =	simm.s32 $0x78  }
0x96: {  	[tilespmem:s4], [sflag:$0x4] =	stream.indirect.gather [hbm4b:s17+s1], $0x80, s29, s1, $0xb8;
	[tilespmem:$0x1FF80] =	vst v63  }
0x97: {  	s30 =	simm.s32 $0xA0  }
0x98: {  	[tilespmem:s5], [sflag:$0x5] =	stream.indirect.gather [hbm4b:s17+s1], $0x80, s30, s1, $0xb8;
	[tilespmem:$0x1FF80] =	vst v63  }
0x99: {  	s31 =	simm.s32 $0xC8;
	s25 =	simm.s32 $0xB300  }
0x9a: {  	[tilespmem:s25], [sflag:$0x6] =	stream.indirect.gather [hbm4b:s17+s1], $0x80, s31, s1, $0xb8;
	[tilespmem:$0x1FF80] =	vst v63  }
0x9b: {  	s24 =	simm.s32 $0x0;
	s25 =	simm.s32 $0x0;
	[bflag:$0x0] =	sbarrier.arrive $0xFFFF  }
.LBB2_2:
0x9c: {  	_ =	swait.ge [sflag:s6], $0x1400  }
0x9d: {  	s26 =	sshra.s32 s24, $0x2;
	[sflag:s6] =	ssyncset.done $0x0  }
0x9e: {  	s28 =	sadd.s32 $0x2780, s26;
	[sflag:s6] =	ssyncadd.s32 $0xFFFFEC00  }
0x9f: {  	[spmem:s19] =	stream.indirect.scatter.add.f32 [tilespmem:s2], [sflag:$0x7], $0x80, s28, s1, $0xb8;
	[tilespmem:$0x1FF80] =	vst v63  }
0xa0: {  	_ =	swait.ge [sflag:s0], $0x1400  }
0xa1: {  	p1 =	seq.s32 s24, $0x99C0;
	[sflag:s0] =	ssyncset.done $0x0  }
0xa2: {  	s28 =	simm.s32 @p1 $0x2;
	[sflag:s0] =	ssyncadd.s32 $0xFFFFEC00  }
0xa3: {  	_ =	swait.ge @p1 [sflag:s28], $0x1400  }
0xa4: {  	[sflag:s28] =	ssyncset.done @p1 $0x0  }
0xa5: {  	[sflag:s28] =	ssyncadd.s32 @p1 $0xFFFFEC00;
	s28 =	sshra.s32 @p1 s24, $0x2  }
0xa6: {  	s29 =	simm.s32 @p1 $0x28;
	s30 =	simm.s32 @p1 $0x6300;
	s28 =	sadd.s32 @p1 $0x27A8, s28  }
0xa7: {  	[spmem:s19] =	stream.indirect.scatter.add.f32 @p1 [tilespmem:s30], [sflag:$0x7], $0x80, s28, s29, $0xb8;
	[tilespmem:$0x1FF80] =	vst v63  }
0xa8: {  	s28 =	simm.s32 @p1 $0x7  }
0xa9: {  	_ =	swait.ge @p1 [sflag:s28], $0x1400  }
0xaa: {  	[sflag:s28] =	ssyncset.done @p1 $0x0  }
0xab: {  	[sflag:s28] =	ssyncadd.s32 @p1 $0xFFFFEC00;
	s28 =	sshra.s32 @!p1 s24, $0x2  }
0xac: {  	s31 =	simm.s32 @!p1 $0x4F00;
	s30 =	simm.s32 @!p1 $0x28;
	s29 =	sadd.s32 @!p1 $0xF0, s28  }
0xad: {  	[tilespmem:s31], [sflag:$0x1] =	stream.indirect.gather @!p1 [hbm4b:s17+s30], $0x80, s29, s30, $0xb8;
	[tilespmem:$0x1FF80] =	vst v63  }
0xae: {  	s29 =	simm.s32 @!p1 $0x2  }
0xaf: {  	_ =	swait.ge @!p1 [sflag:s29], $0x1400  }
0xb0: {  	[sflag:s29] =	ssyncset.done @!p1 $0x0  }
0xb1: {  	s31 =	simm.s32 @!p1 $0x6300;
	[sflag:s29] =	ssyncadd.s32 @!p1 $0xFFFFEC00;
	s29 =	sadd.s32 @!p1 $0x27A8, s28  }
0xb2: {  	[spmem:s19] =	stream.indirect.scatter.add.f32 @!p1 [tilespmem:s31], [sflag:$0x7], $0x80, s29, s30, $0xb8;
	[tilespmem:$0x1FF80] =	vst v63  }
0xb3: {  	s29 =	simm.s32 @!p1 $0x7  }
0xb4: {  	_ =	swait.ge @!p1 [sflag:s29], $0x1400  }
0xb5: {  	[sflag:s29] =	ssyncset.done @!p1 $0x0  }
0xb6: {  	s28 =	sadd.s32 @!p1 $0x118, s28;
	[sflag:s29] =	ssyncadd.s32 @!p1 $0xFFFFEC00  }
0xb7: {  	[tilespmem:s31], [sflag:$0x2] =	stream.indirect.gather @!p1 [hbm4b:s17+s30], $0x80, s28, s30, $0xb8;
	[tilespmem:$0x1FF80] =	vst v63  }
0xb8: {  	_ =	swait.ge [sflag:s7], $0x1400  }
0xb9: {  	[sflag:s7] =	ssyncset.done $0x0  }
.Ltmp2:
0xba: {  	s31 =	sadd.s32 $0x27D0, s26;
	[sflag:s7] =	ssyncadd.s32 $0xFFFFEC00;
	(pc) =	sbr.rel @p1 .LBB2_6-.Ltmp2, $4  }
0xbb: {  	[spmem:s19] =	stream.indirect.scatter.add.f32 [tilespmem:s3], [sflag:$0x7], $0x80, s31, s1, $0xb8;
	[tilespmem:$0x1FF80] =	vst v63  }
0xbc: {  	_ =	swait.ge [sflag:s0], $0x1400  }
0xbd: {  	[sflag:s0] =	ssyncset.done $0x0  }
0xbe: {  	[sflag:s0] =	ssyncadd.s32 $0xFFFFEC00  }
0xbf: {  	s28 =	sadd.s32 $0x140, s26  }
0xc0: {  	[tilespmem:s3], [sflag:$0x3] =	stream.indirect.gather [hbm4b:s17+s1], $0x80, s28, s1, $0xb8;
	[tilespmem:$0x1FF80] =	vst v63  }
0xc1: {  	_ =	swait.ge [sflag:s8], $0x1400  }
0xc2: {  	[sflag:s8] =	ssyncset.done $0x0  }
0xc3: {  	s29 =	sadd.s32 $0x27F8, s26;
	[sflag:s8] =	ssyncadd.s32 $0xFFFFEC00  }
0xc4: {  	[spmem:s19] =	stream.indirect.scatter.add.f32 [tilespmem:s4], [sflag:$0x7], $0x80, s29, s1, $0xb8;
	[tilespmem:$0x1FF80] =	vst v63  }
0xc5: {  	_ =	swait.ge [sflag:s0], $0x1400  }
0xc6: {  	[sflag:s0] =	ssyncset.done $0x0  }
0xc7: {  	s30 =	sadd.s32 $0x168, s26;
	[sflag:s0] =	ssyncadd.s32 $0xFFFFEC00  }
0xc8: {  	[tilespmem:s4], [sflag:$0x4] =	stream.indirect.gather [hbm4b:s17+s1], $0x80, s30, s1, $0xb8;
	[tilespmem:$0x1FF80] =	vst v63  }
0xc9: {  	_ =	swait.ge [sflag:s10], $0x1400  }
0xca: {  	[sflag:s10] =	ssyncset.done $0x0  }
0xcb: {  	s31 =	sadd.s32 $0x2820, s26;
	[sflag:s10] =	ssyncadd.s32 $0xFFFFEC00  }
0xcc: {  	[spmem:s19] =	stream.indirect.scatter.add.f32 [tilespmem:s5], [sflag:$0x7], $0x80, s31, s1, $0xb8;
	[tilespmem:$0x1FF80] =	vst v63  }
0xcd: {  	_ =	swait.ge [sflag:s0], $0x1400  }
0xce: {  	p1 =	sgt.u32 s25, $0x27;
	[sflag:s0] =	ssyncset.done $0x0  }
0xcf: {  	s26 =	simm.s32 @p1 $0x6;
	[sflag:s0] =	ssyncadd.s32 $0xFFFFEC00  }
0xd0: {  	_ =	swait.ge @p1 [sflag:s26], $0x1400  }
0xd1: {  	[sflag:s26] =	ssyncset.done @p1 $0x0  }
0xd2: {  	[sflag:s26] =	ssyncadd.s32 @p1 $0xFFFFEC00;
	s26 =	sshra.s32 @p1 s24, $0x2  }
0xd3: {  	s28 =	simm.s32 @p1 $0x28;
	s29 =	simm.s32 @p1 $0xB300;
	s26 =	sadd.s32 @p1 $0x2848, s26  }
0xd4: {  	[spmem:s19] =	stream.indirect.scatter.add.f32 @p1 [tilespmem:s29], [sflag:$0x7], $0x80, s26, s28, $0xb8;
	[tilespmem:$0x1FF80] =	vst v63  }
0xd5: {  	s26 =	simm.s32 @p1 $0x7  }
0xd6: {  	_ =	swait.ge @p1 [sflag:s26], $0x1400  }
0xd7: {  	[sflag:s26] =	ssyncset.done @p1 $0x0  }
0xd8: {  	[sflag:s26] =	ssyncadd.s32 @p1 $0xFFFFEC00;
	s26 =	sshra.s32 @!p1 s24, $0x2  }
0xd9: {  	s30 =	simm.s32 @!p1 $0x9F00;
	s29 =	simm.s32 @!p1 $0x28;
	s28 =	sadd.s32 @!p1 $0x190, s26  }
0xda: {  	[tilespmem:s30], [sflag:$0x5] =	stream.indirect.gather @!p1 [hbm4b:s17+s29], $0x80, s28, s29, $0xb8;
	[tilespmem:$0x1FF80] =	vst v63  }
0xdb: {  	s28 =	simm.s32 @!p1 $0x6  }
0xdc: {  	_ =	swait.ge @!p1 [sflag:s28], $0x1400  }
0xdd: {  	[sflag:s28] =	ssyncset.done @!p1 $0x0  }
0xde: {  	s30 =	simm.s32 @!p1 $0xB300;
	[sflag:s28] =	ssyncadd.s32 @!p1 $0xFFFFEC00;
	s28 =	sadd.s32 @!p1 $0x2848, s26  }
0xdf: {  	[spmem:s19] =	stream.indirect.scatter.add.f32 @!p1 [tilespmem:s30], [sflag:$0x7], $0x80, s28, s29, $0xb8;
	[tilespmem:$0x1FF80] =	vst v63  }
0xe0: {  	s28 =	simm.s32 @!p1 $0x7  }
0xe1: {  	_ =	swait.ge @!p1 [sflag:s28], $0x1400  }
0xe2: {  	[sflag:s28] =	ssyncset.done @!p1 $0x0  }
0xe3: {  	s24 =	sadd.s32 $0x3C0, s24;
	s26 =	sadd.s32 @!p1 $0x1B8, s26;
	[sflag:s28] =	ssyncadd.s32 @!p1 $0xFFFFEC00  }
0xe4: {  	[tilespmem:s30], [sflag:$0x6] =	stream.indirect.gather @!p1 [hbm4b:s17+s29], $0x80, s26, s29, $0xb8;
	[tilespmem:$0x1FF80] =	vst v63  }
0xe5: {  	p1 =	sne.s32 s24, $0x9D80  }
.Ltmp3:
0xe6: {  	_ = 	snop;
	(pc) =	sbr.rel @p1 .LBB2_2-.Ltmp3, $4  }
.Ltmp4:
0xe7: {  	_ = 	snop;
	(pc) =	sbr.rel @!p1 .LBB2_4-.Ltmp4, $4  }
0xe8: {  	_ = 	snop  }
0xe9: {  	_ = 	snop  }
0xea: {  	s25 =	sadd.s32 $0x1, s25  }
0xeb: {  	_ = 	snop  }
.LBB2_5:
0xec: {  	_ =	sfence.sel $0x180000  }
0xed: {  	[bflag:$0x0] =	sbarrier.arrive $0xFFFF  }
0xee: {  	_ =	strace $0x90000047  }
0xef: {  	s0 =	stileid.u32;
	[bflag:$0x2] =	sbarrier.arrive $0xFFFF  }
0xf0: {  	p0 =	sne.s32 s0, $0x0;
	s0 =	rddreg [dreg:$0x4]  }
0xf1: {  	s0 =	sadd.s32 @!p0 $0x100000, s0  }
0xf2: {  	[sflag:s0] =	ssyncadd.tile.s32 @!p0 $0x1;
	_ =	shalt  }
.Lfunc_end2:
_tile_overlayer_lowered:
.L_overlay_start_2:
0xf3: {  	(tag) =	ssettag $0x2  }
0xf4: {  	s0 =	rddreg [dreg:$0x0];
	s2 =	stileid.u32  }
0xf5: {  	s1 =	rddreg [dreg:$0x1];
	p0 =	sne.s32 s2, $0x0  }
0xf6: {  	s3 =	rddreg [dreg:$0x2];
	[bflag:$0x3] =	sbarrier.arrive $0xFFFF;
	s2 =	simm.s32 @!p0 $0x1C07  }
0xf7: {  	[timem:s3], [sflag:s2] =	dma.local @!p0 [hbm:s0], s1  }
0xf8: {  	s0 =	simm.s32 @!p0 $0x7  }
0xf9: {  	_ =	swait.ge @!p0 [sflag:s0], s1  }
0xfa: {  	s1 =	ssub.s32 @!p0 $0x0, s1;
	[sflag:s0] =	ssyncset.done @!p0 $0x0  }
0xfb: {  	[sflag:s0] =	ssyncadd.s32 @!p0 s1  }
0xfc: {  	[bflag:$0x3] =	sbarrier.arrive $0xFFFF  }
0xfd: {  	_ =	shalt  }

</sc_bundles>
